<compile_context>
chip_gen: v7x
topology: tpu7x:2x2x1
jax: 0.10.2.dev20260603
libtpu: 0.0.44.dev20260713+nightly
codegen_flags: <defaults>
</compile_context>

<pallas_src>
import functools

import jax
import jax.numpy as jnp
from jax import lax
from jax.experimental import pallas as pl
from jax.experimental.pallas import tpu as pltpu
from jax.experimental.pallas import tpu_sc as plsc

NC = 2
NS = 16
NW = NC * NS
KCH = 80



def _tile_rows_copy(N, s, copy_fn):
    RA = (N // (8 * NS)) * 8
    tail = N - RA * NS
    copy_fn(pl.ds(s * RA, RA))
    if tail:
        @pl.when(s == 0)
        def _():
            copy_fn(pl.ds(NS * RA, tail))

def _make_sc_scatter(N, EP, H):
    EW = EP // NW
    J = EW // KCH
    mesh = plsc.VectorSubcoreMesh(core_axis_name="c", subcore_axis_name="s")

    @functools.partial(
        pl.kernel,
        out_type=jax.ShapeDtypeStruct((NC, N, H), jnp.float32),
        mesh=mesh,
        scratch_types=[
            pltpu.VMEM((EW,), jnp.int32),
            pltpu.VMEM((J, KCH), jnp.int32),
            pltpu.VMEM((KCH, H), jnp.float32),
            pltpu.VMEM((KCH, H), jnp.float32),
            pltpu.VMEM_SHARED((N, H), jnp.float32),
            pltpu.SemaphoreType.DMA,
            pltpu.SemaphoreType.DMA,
        ],
    )
    def scatter_kernel(xs_hbm, zeros_hbm, srcf_hbm, dst_hbm, out_hbm,
                       src_v, dst_v, rows0, rows1, acc, sem0, sem1):
        c = lax.axis_index("c")
        s = lax.axis_index("s")
        w = c * NS + s

        pltpu.sync_copy(srcf_hbm.at[w], src_v)
        pltpu.sync_copy(dst_hbm.at[w], dst_v)

        def gather(j, buf, sem):
            pltpu.async_copy(
                xs_hbm.at[src_v.at[pl.ds(j * KCH, KCH)]], buf, sem)

        def drain_scatter(j, buf, sem):
            pltpu.make_async_copy(
                xs_hbm.at[src_v.at[pl.ds(j * KCH, KCH)]], buf, sem).wait()
            pltpu.sync_copy(buf, acc.at[dst_v.at[j]], add=True)

        gather(0, rows0, sem0)
        gather(1, rows1, sem1)

        @pl.when(c == 0)
        def _():
            _tile_rows_copy(N, s, lambda r: pltpu.sync_copy(
                xs_hbm.at[r], acc.at[r]))

        @pl.when(c != 0)
        def _():
            _tile_rows_copy(N, s, lambda r: pltpu.sync_copy(
                zeros_hbm.at[r], acc.at[r]))

        plsc.subcore_barrier()

        def body(jg, carry):
            drain_scatter(2 * jg, rows0, sem0)
            gather(2 * jg + 2, rows0, sem0)
            drain_scatter(2 * jg + 1, rows1, sem1)
            gather(2 * jg + 3, rows1, sem1)
            return carry

        lax.fori_loop(0, (J - 3) // 2, body, 0)
        drain_scatter(J - 3, rows0, sem0)
        gather(J - 1, rows0, sem0)
        drain_scatter(J - 2, rows1, sem1)
        drain_scatter(J - 1, rows0, sem0)
        plsc.subcore_barrier()
        _tile_rows_copy(N, s, lambda r: pltpu.sync_copy(
            acc.at[r], out_hbm.at[c, r]))

    return scatter_kernel


def _make_sc_degree(N, E):
    EW = E // NW
    J = EW // KCH
    mesh = plsc.VectorSubcoreMesh(core_axis_name="c", subcore_axis_name="s")

    @functools.partial(
        pl.kernel,
        out_type=jax.ShapeDtypeStruct((NC, N, 8), jnp.float32),
        mesh=mesh,
        scratch_types=[
            pltpu.VMEM((J, KCH), jnp.int32),
            pltpu.VMEM((KCH, 8), jnp.float32),
            pltpu.VMEM_SHARED((N, 8), jnp.float32),
            pltpu.SemaphoreType.DMA,
        ],
    )
    def degree_kernel(init_hbm, onesk_hbm, dst_hbm, out_hbm,
                      dst_v, ones_v, acc, sem):
        c = lax.axis_index("c")
        s = lax.axis_index("s")
        w = c * NS + s

        _tile_rows_copy(N, s, lambda r: pltpu.sync_copy(
            init_hbm.at[c].at[r], acc.at[r]))

        pltpu.sync_copy(onesk_hbm, ones_v)
        pltpu.sync_copy(dst_hbm.at[w], dst_v)
        plsc.subcore_barrier()

        def body(j, carry):
            pltpu.async_copy(ones_v, acc.at[dst_v.at[j]], sem, add=True)
            return carry

        lax.fori_loop(0, J, body, 0)

        def drain(j, carry):
            pltpu.make_async_copy(ones_v, acc.at[dst_v.at[j]], sem).wait()
            return carry

        lax.fori_loop(0, J, drain, 0)
        plsc.subcore_barrier()
        _tile_rows_copy(N, s, lambda r: pltpu.sync_copy(
            acc.at[r], out_hbm.at[c, r]))

    return degree_kernel



_BR = 2000


def _row(H):
    return pl.BlockSpec((_BR, H), lambda i: (i, 0))


def _full(shape):
    return pl.BlockSpec(shape, lambda i: (0,) * len(shape))


def _acc2(H):
    return pl.BlockSpec((NC, _BR, H), lambda i: (0, i, 0))


def _tc_in_body(x_ref, win_ref, bin_ref, wc0_ref, dega_ref, degb_ref,
                h_ref, dinv_ref, xs_ref):
    h = jnp.dot(x_ref[...], win_ref[...],
                preferred_element_type=jnp.float32) + bin_ref[...]
    dinv = lax.rsqrt(dega_ref[...] + degb_ref[...])
    h_ref[...] = h
    dinv_ref[...] = dinv
    xs_ref[...] = dinv * jnp.dot(h, wc0_ref[...],
                                 preferred_element_type=jnp.float32)


def _tc_mid_body(has_xl, acc_ref, dinv_ref, bc_ref, h_ref, wl_ref, bl_ref,
                 *rest):
    if has_xl:
        xl_ref, wc_ref, hn_ref, xln_ref, xs_ref = rest
    else:
        wc_ref, hn_ref, xln_ref, xs_ref = rest
    dinv = dinv_ref[...]
    conv = dinv * (acc_ref[0] + acc_ref[1]) + bc_ref[...]
    lin = jnp.dot(h_ref[...], wl_ref[...],
                  preferred_element_type=jnp.float32) + bl_ref[...]
    hn = jnp.maximum(conv + lin, 0.0)
    xln = (xl_ref[...] + hn) if has_xl else hn
    hn_ref[...] = hn
    xln_ref[...] = xln
    xs_ref[...] = dinv * jnp.dot(hn, wc_ref[...],
                                 preferred_element_type=jnp.float32)


def _tc_out_body(acc_ref, dinv_ref, bc_ref, h_ref, wl_ref, bl_ref, xl_ref,
                 wp_ref, bp_ref, out_ref):
    conv = dinv_ref[...] * (acc_ref[0] + acc_ref[1]) + bc_ref[...]
    lin = jnp.dot(h_ref[...], wl_ref[...],
                  preferred_element_type=jnp.float32) + bl_ref[...]
    hn = jnp.maximum(conv + lin, 0.0)
    xl = xl_ref[...] + hn
    out_ref[...] = jnp.dot(xl, wp_ref[...],
                           preferred_element_type=jnp.float32) + bp_ref[...]



def kernel(x, edge_index, W_in, b_in, Wc, bc, Wl, bl, Wp, bp):
    N, _ = x.shape
    H = W_in.shape[1]
    E = edge_index.shape[1]
    DP = Wp.shape[1]
    grid = (N // _BR,)

    J = E // (NW * KCH)
    EP = J * NW * KCH
    src_i = edge_index[0].astype(jnp.int32)
    dst_i = edge_index[1].astype(jnp.int32)
    src = src_i.reshape(NW, E // NW)
    dst = dst_i.reshape(NW, J, KCH)
    zeros_nh = jnp.zeros((N, H), jnp.float32)
    init8 = jnp.stack([jnp.ones((N, 8), jnp.float32),
                       jnp.zeros((N, 8), jnp.float32)])
    ones_k8 = jnp.ones((KCH, 8), jnp.float32)

    sc_degree = _make_sc_degree(N, E)
    sc_scatter = _make_sc_scatter(N, EP, H)

    f32 = jnp.float32
    nh = jax.ShapeDtypeStruct((N, H), f32)

    deg2 = sc_degree(init8, ones_k8, dst)
    dega = deg2[0, :, 0:1]
    degb = deg2[1, :, 0:1]

    h0, dinv, xs = pl.pallas_call(
        _tc_in_body,
        grid=grid,
        in_specs=[_row(H), _full((H, H)), _full((1, H)), _full((H, H)),
                  _row(1), _row(1)],
        out_specs=[_row(H), _row(1), _row(H)],
        out_shape=[nh, jax.ShapeDtypeStruct((N, 1), f32), nh],
    )(x, W_in, b_in.reshape(1, H), Wc[0], dega, degb)

    h, xl = h0, None
    for i in range(2):
        acc = sc_scatter(xs, zeros_nh, src, dst)
        ins = [acc, dinv, bc[i].reshape(1, H), h, Wl[i], bl[i].reshape(1, H)]
        specs = [_acc2(H), _row(1), _full((1, H)), _row(H), _full((H, H)),
                 _full((1, H))]
        if xl is not None:
            ins.append(xl)
            specs.append(_row(H))
        ins.append(Wc[i + 1])
        specs.append(_full((H, H)))
        h, xl, xs = pl.pallas_call(
            functools.partial(_tc_mid_body, xl is not None),
            grid=grid,
            in_specs=specs,
            out_specs=[_row(H), _row(H), _row(H)],
            out_shape=[nh, nh, nh],
        )(*ins)

    acc = sc_scatter(xs, zeros_nh, src, dst)
    out = pl.pallas_call(
        _tc_out_body,
        grid=grid,
        in_specs=[_acc2(H), _row(1), _full((1, H)), _row(H), _full((H, H)),
                  _full((1, H)), _row(H), _full((H, DP)), _full((1, DP))],
        out_specs=_row(DP),
        out_shape=jax.ShapeDtypeStruct((N, DP), f32),
    )(acc, dinv, bc[2].reshape(1, H), h, Wl[2], bl[2].reshape(1, H), xl,
      Wp, bp.reshape(1, DP))
    return out

# --- scband reference (transcript-rebuilt; emitter-appended) ---
"""Pipeline reference for scband-gnn-49744311222870 (READ-ONLY COPY).

The authoritative reference and input builder live on the scoring server;
editing this copy changes nothing except your own understanding.
"""

import jax, jax.numpy as jnp
import numpy as np

N = 10000
E = 320000
D_IN = 128
H = 128  # heads(1) * hidden_channels(128)
L = 3    # local_layers


def setup_inputs(seed: int = 0) -> dict:
    key = jax.random.key(seed)
    ks = jax.random.split(key, 12)
    x = jax.random.normal(ks[0], (N, D_IN), dtype=jnp.float32)
    edge_index = jax.random.randint(ks[1], (2, E), 0, N, dtype=jnp.int64)
    s = 1.0 / np.sqrt(H)
    W_in = jax.random.uniform(ks[2], (D_IN, H), dtype=jnp.float32, minval=-s, maxval=s)
    b_in = jax.random.uniform(ks[3], (H,), dtype=jnp.float32, minval=-s, maxval=s)
    Wc = jax.random.uniform(ks[4], (L, H, H), dtype=jnp.float32, minval=-s, maxval=s)
    bc = jnp.zeros((L, H), dtype=jnp.float32)
    Wl = jax.random.uniform(ks[5], (L, H, H), dtype=jnp.float32, minval=-s, maxval=s)
    bl = jax.random.uniform(ks[6], (L, H), dtype=jnp.float32, minval=-s, maxval=s)
    Wp = jax.random.uniform(ks[7], (H, 128), dtype=jnp.float32, minval=-s, maxval=s)
    bp = jax.random.uniform(ks[8], (128,), dtype=jnp.float32, minval=-s, maxval=s)
    return {"x": x, "edge_index": edge_index, "W_in": W_in, "b_in": b_in,
            "Wc": Wc, "bc": bc, "Wl": Wl, "bl": bl, "Wp": Wp, "bp": bp}


def gcn_conv(x, src, dst, W, b, n):
    # x: [n, H]; symmetric-normalized GCN with self-loops (PyG GCNConv defaults)
    xw = x @ W
    deg = jnp.zeros((n,), dtype=x.dtype).at[dst].add(1.0)
    dinv = jnp.where(deg > 0, deg ** -0.5, 0.0)
    norm = dinv[src] * dinv[dst]
    msg = xw[src] * norm[:, None]
    out = jnp.zeros_like(xw).at[dst].add(msg)
    return out + b


def reference(x, edge_index, W_in, b_in, Wc, bc, Wl, bl, Wp, bp):
    n = x.shape[0]
    loop = jnp.arange(n, dtype=edge_index.dtype)
    src = jnp.concatenate([edge_index[0], loop])
    dst = jnp.concatenate([edge_index[1], loop])
    # dropout layers are identity at inference (training=False)
    h = x @ W_in + b_in
    x_local = jnp.zeros_like(h)
    for i in range(L):
        h = gcn_conv(h, src, dst, Wc[i], bc[i], n) + (h @ Wl[i] + bl[i])
        h = jax.nn.relu(h)
        x_local = x_local + h
    out = x_local @ Wp + bp
    return out

if __name__ == "__main__":
    import jax
    _d = setup_inputs()
    print(jax.jit(kernel)(*tuple(_d.values())))

</pallas_src>

<mosaic_0001>
#map = affine_map<(d0, d1) -> (0, 0)>
#map1 = affine_map<(d0, d1) -> (0, 0, 0)>
module attributes {stable_mosaic.version = 14 : i64} {
  func.func @scatter_kernel(%arg0: i32, %arg1: i32, %arg2: memref<10000x128xf32, #tpu.memory_space<hbm>>, %arg3: memref<10000x128xf32, #tpu.memory_space<hbm>>, %arg4: memref<32x10000xi32, #tpu.memory_space<hbm>>, %arg5: memref<32x125x80xi32, #tpu.memory_space<hbm>>, %arg6: memref<2x10000x128xf32, #tpu.memory_space<hbm>>, %arg7: memref<10000xi32, #tpu.memory_space<vmem>>, %arg8: memref<125x80xi32, #tpu.memory_space<vmem>>, %arg9: memref<80x128xf32, #tpu.memory_space<vmem>>, %arg10: memref<80x128xf32, #tpu.memory_space<vmem>>, %arg11: memref<10000x128xf32, #tpu.memory_space<vmem_shared>>, %arg12: memref<!tpu.dma_semaphore, #tpu.memory_space<semaphore_mem>>, %arg13: memref<!tpu.dma_semaphore, #tpu.memory_space<semaphore_mem>>) attributes {dimension_semantics = [#tpu.dimension_semantics<core_parallel>, #tpu.dimension_semantics<subcore_parallel>], iteration_bounds = array<i64: 2, 16>, scalar_prefetch = 0 : i64, scratch_operands = 7 : i64, tpu.core_type = #tpu.core_type<sc_vector_subcore>, window_params = [{transform_indices = #map}, {transform_indices = #map}, {transform_indices = #map}, {transform_indices = #map1}, {transform_indices = #map1}]} {
    %mul3A = arith.constant 16 : i32
    %mul3A_0 = arith.muli %arg0, %mul3A : i32
    %add3A = arith.addi %mul3A_0, %arg1 : i32
    "tpu.region"() ({
      %run_scoped3A_50 = tpu.sem_alloc : memref<!tpu.dma_semaphore, #tpu.memory_space<semaphore_mem>>
      %dma_start3A_51 = arith.constant 0 : i32
      %dma_start3A_52 = tpu.memref_slice %arg4[%add3A, %dma_start3A_51] : memref<32x10000xi32, #tpu.memory_space<hbm>> -> memref<1x10000xi32, #tpu.memory_space<hbm>>
      %dma_start3A_53 = tpu.memref_squeeze %dma_start3A_52 : memref<1x10000xi32, #tpu.memory_space<hbm>> -> memref<10000xi32, #tpu.memory_space<hbm>>
      %dma_start3A_54 = arith.constant 0 : i32
      %dma_start3A_55 = tpu.memref_slice %arg4[%add3A, %dma_start3A_54] : memref<32x10000xi32, #tpu.memory_space<hbm>> -> memref<1x10000xi32, #tpu.memory_space<hbm>>
      %dma_start3A_56 = tpu.memref_squeeze %dma_start3A_55 : memref<1x10000xi32, #tpu.memory_space<hbm>> -> memref<10000xi32, #tpu.memory_space<hbm>>
      tpu.enqueue_dma source(%dma_start3A_56 : memref<10000xi32, #tpu.memory_space<hbm>>) target(%arg7 : memref<10000xi32, #tpu.memory_space<vmem>>) target_semaphore(%run_scoped3A_50 : memref<!tpu.dma_semaphore, #tpu.memory_space<semaphore_mem>>)
      %dma_wait3A_57 = arith.constant 0 : i32
      %dma_wait3A_58 = tpu.memref_slice %arg4[%add3A, %dma_wait3A_57] : memref<32x10000xi32, #tpu.memory_space<hbm>> -> memref<1x10000xi32, #tpu.memory_space<hbm>>
      %dma_wait3A_59 = tpu.memref_squeeze %dma_wait3A_58 : memref<1x10000xi32, #tpu.memory_space<hbm>> -> memref<10000xi32, #tpu.memory_space<hbm>>
      %dma_wait3A_60 = arith.constant 0 : i32
      %dma_wait3A_61 = tpu.memref_slice %arg4[%add3A, %dma_wait3A_60] : memref<32x10000xi32, #tpu.memory_space<hbm>> -> memref<1x10000xi32, #tpu.memory_space<hbm>>
      %dma_wait3A_62 = tpu.memref_squeeze %dma_wait3A_61 : memref<1x10000xi32, #tpu.memory_space<hbm>> -> memref<10000xi32, #tpu.memory_space<hbm>>
      tpu.wait_dma2 semaphore(%run_scoped3A_50 : memref<!tpu.dma_semaphore, #tpu.memory_space<semaphore_mem>>) src(%dma_wait3A_62 : memref<10000xi32, #tpu.memory_space<hbm>>) dst(%arg7 : memref<10000xi32, #tpu.memory_space<vmem>>)
      tpu.yield
    }) : () -> ()
    "tpu.region"() ({
      %run_scoped3A_50 = tpu.sem_alloc : memref<!tpu.dma_semaphore, #tpu.memory_space<semaphore_mem>>
      %dma_start3A_51 = arith.constant 0 : i32
      %dma_start3A_52 = arith.constant 0 : i32
      %dma_start3A_53 = tpu.memref_slice %arg5[%add3A, %dma_start3A_51, %dma_start3A_52] : memref<32x125x80xi32, #tpu.memory_space<hbm>> -> memref<1x125x80xi32, #tpu.memory_space<hbm>>
      %dma_start3A_54 = tpu.memref_squeeze %dma_start3A_53 : memref<1x125x80xi32, #tpu.memory_space<hbm>> -> memref<125x80xi32, #tpu.memory_space<hbm>>
      %dma_start3A_55 = arith.constant 0 : i32
      %dma_start3A_56 = arith.constant 0 : i32
      %dma_start3A_57 = tpu.memref_slice %arg5[%add3A, %dma_start3A_55, %dma_start3A_56] : memref<32x125x80xi32, #tpu.memory_space<hbm>> -> memref<1x125x80xi32, #tpu.memory_space<hbm>>
      %dma_start3A_58 = tpu.memref_squeeze %dma_start3A_57 : memref<1x125x80xi32, #tpu.memory_space<hbm>> -> memref<125x80xi32, #tpu.memory_space<hbm>>
      tpu.enqueue_dma source(%dma_start3A_58 : memref<125x80xi32, #tpu.memory_space<hbm>>) target(%arg8 : memref<125x80xi32, #tpu.memory_space<vmem>>) target_semaphore(%run_scoped3A_50 : memref<!tpu.dma_semaphore, #tpu.memory_space<semaphore_mem>>)
      %dma_wait3A_59 = arith.constant 0 : i32
      %dma_wait3A_60 = arith.constant 0 : i32
      %dma_wait3A_61 = tpu.memref_slice %arg5[%add3A, %dma_wait3A_59, %dma_wait3A_60] : memref<32x125x80xi32, #tpu.memory_space<hbm>> -> memref<1x125x80xi32, #tpu.memory_space<hbm>>
      %dma_wait3A_62 = tpu.memref_squeeze %dma_wait3A_61 : memref<1x125x80xi32, #tpu.memory_space<hbm>> -> memref<125x80xi32, #tpu.memory_space<hbm>>
      %dma_wait3A_63 = arith.constant 0 : i32
      %dma_wait3A_64 = arith.constant 0 : i32
      %dma_wait3A_65 = tpu.memref_slice %arg5[%add3A, %dma_wait3A_63, %dma_wait3A_64] : memref<32x125x80xi32, #tpu.memory_space<hbm>> -> memref<1x125x80xi32, #tpu.memory_space<hbm>>
      %dma_wait3A_66 = tpu.memref_squeeze %dma_wait3A_65 : memref<1x125x80xi32, #tpu.memory_space<hbm>> -> memref<125x80xi32, #tpu.memory_space<hbm>>
      tpu.wait_dma2 semaphore(%run_scoped3A_50 : memref<!tpu.dma_semaphore, #tpu.memory_space<semaphore_mem>>) src(%dma_wait3A_66 : memref<125x80xi32, #tpu.memory_space<hbm>>) dst(%arg8 : memref<125x80xi32, #tpu.memory_space<vmem>>)
      tpu.yield
    }) : () -> ()
    %dma_start3A = arith.constant 0 : i32
    %dma_start3A_1 = tpu.memref_slice %arg7[%dma_start3A] : memref<10000xi32, #tpu.memory_space<vmem>> -> memref<80xi32, #tpu.memory_space<vmem>>
    %dma_start3A_2 = arith.constant 0 : i32
    %dma_start3A_3 = arith.constant 0 : i32
    %dma_start3A_4 = tpu.memref_slice %arg2[%dma_start3A_2, %dma_start3A_3] : memref<10000x128xf32, #tpu.memory_space<hbm>> -> memref<10000x128xf32, #tpu.memory_space<hbm>>
    tpu.enqueue_indirect_dma source(%dma_start3A_4 : memref<10000x128xf32, #tpu.memory_space<hbm>>) target(%arg9 : memref<80x128xf32, #tpu.memory_space<vmem>>) offsets(%dma_start3A_1 : memref<80xi32, #tpu.memory_space<vmem>>) semaphore(%arg12 : memref<!tpu.dma_semaphore, #tpu.memory_space<semaphore_mem>>)
    %dma_start3A_5 = arith.constant 80 : i32
    %dma_start3A_6 = tpu.memref_slice %arg7[%dma_start3A_5] : memref<10000xi32, #tpu.memory_space<vmem>> -> memref<80xi32, #tpu.memory_space<vmem>>
    %dma_start3A_7 = arith.constant 0 : i32
    %dma_start3A_8 = arith.constant 0 : i32
    %dma_start3A_9 = tpu.memref_slice %arg2[%dma_start3A_7, %dma_start3A_8] : memref<10000x128xf32, #tpu.memory_space<hbm>> -> memref<10000x128xf32, #tpu.memory_space<hbm>>
    tpu.enqueue_indirect_dma source(%dma_start3A_9 : memref<10000x128xf32, #tpu.memory_space<hbm>>) target(%arg10 : memref<80x128xf32, #tpu.memory_space<vmem>>) offsets(%dma_start3A_6 : memref<80xi32, #tpu.memory_space<vmem>>) semaphore(%arg13 : memref<!tpu.dma_semaphore, #tpu.memory_space<semaphore_mem>>)
    %eq3A = arith.constant 0 : i32
    %eq3A_10 = arith.cmpi eq, %arg0, %eq3A : i32
    %convert_element_type3A = arith.extui %eq3A_10 : i1 to i32
    %cond3A = arith.constant 0 : i32
    %cond3A_11 = arith.cmpi ne, %convert_element_type3A, %cond3A : i32
    scf.if %cond3A_11 {
      %mul3A_50 = arith.constant 624 : i32
      %mul3A_51 = arith.muli %arg1, %mul3A_50 : i32
      "tpu.region"() ({
        %run_scoped3A_57 = tpu.sem_alloc : memref<!tpu.dma_semaphore, #tpu.memory_space<semaphore_mem>>
        %dma_start3A_58 = arith.constant 0 : i32
        %dma_start3A_59 = tpu.memref_slice %arg11[%mul3A_51, %dma_start3A_58] : memref<10000x128xf32, #tpu.memory_space<vmem_shared>> -> memref<624x128xf32, #tpu.memory_space<vmem_shared>>
        %dma_start3A_60 = arith.constant 0 : i32
        %dma_start3A_61 = tpu.memref_slice %arg2[%mul3A_51, %dma_start3A_60] : memref<10000x128xf32, #tpu.memory_space<hbm>> -> memref<624x128xf32, #tpu.memory_space<hbm>>
        tpu.enqueue_dma source(%dma_start3A_61 : memref<624x128xf32, #tpu.memory_space<hbm>>) target(%dma_start3A_59 : memref<624x128xf32, #tpu.memory_space<vmem_shared>>) target_semaphore(%run_scoped3A_57 : memref<!tpu.dma_semaphore, #tpu.memory_space<semaphore_mem>>)
        %dma_wait3A_62 = arith.constant 0 : i32
        %dma_wait3A_63 = tpu.memref_slice %arg11[%mul3A_51, %dma_wait3A_62] : memref<10000x128xf32, #tpu.memory_space<vmem_shared>> -> memref<624x128xf32, #tpu.memory_space<vmem_shared>>
        %dma_wait3A_64 = arith.constant 0 : i32
        %dma_wait3A_65 = tpu.memref_slice %arg2[%mul3A_51, %dma_wait3A_64] : memref<10000x128xf32, #tpu.memory_space<hbm>> -> memref<624x128xf32, #tpu.memory_space<hbm>>
        tpu.wait_dma2 semaphore(%run_scoped3A_57 : memref<!tpu.dma_semaphore, #tpu.memory_space<semaphore_mem>>) src(%dma_wait3A_65 : memref<624x128xf32, #tpu.memory_space<hbm>>) dst(%dma_wait3A_63 : memref<624x128xf32, #tpu.memory_space<vmem_shared>>)
        tpu.yield
      }) : () -> ()
      %eq3A_52 = arith.constant 0 : i32
      %eq3A_53 = arith.cmpi eq, %arg1, %eq3A_52 : i32
      %convert_element_type3A_54 = arith.extui %eq3A_53 : i1 to i32
      %cond3A_55 = arith.constant 0 : i32
      %cond3A_56 = arith.cmpi ne, %convert_element_type3A_54, %cond3A_55 : i32
      scf.if %cond3A_56 {
        "tpu.region"() ({
          %run_scoped3A_57 = tpu.sem_alloc : memref<!tpu.dma_semaphore, #tpu.memory_space<semaphore_mem>>
          %dma_start3A_58 = arith.constant 9984 : i32
          %dma_start3A_59 = arith.constant 0 : i32
          %dma_start3A_60 = tpu.memref_slice %arg11[%dma_start3A_58, %dma_start3A_59] : memref<10000x128xf32, #tpu.memory_space<vmem_shared>> -> memref<16x128xf32, #tpu.memory_space<vmem_shared>>
          %dma_start3A_61 = arith.constant 9984 : i32
          %dma_start3A_62 = arith.constant 0 : i32
          %dma_start3A_63 = tpu.memref_slice %arg2[%dma_start3A_61, %dma_start3A_62] : memref<10000x128xf32, #tpu.memory_space<hbm>> -> memref<16x128xf32, #tpu.memory_space<hbm>>
          tpu.enqueue_dma source(%dma_start3A_63 : memref<16x128xf32, #tpu.memory_space<hbm>>) target(%dma_start3A_60 : memref<16x128xf32, #tpu.memory_space<vmem_shared>>) target_semaphore(%run_scoped3A_57 : memref<!tpu.dma_semaphore, #tpu.memory_space<semaphore_mem>>)
          %dma_wait3A_64 = arith.constant 9984 : i32
          %dma_wait3A_65 = arith.constant 0 : i32
          %dma_wait3A_66 = tpu.memref_slice %arg11[%dma_wait3A_64, %dma_wait3A_65] : memref<10000x128xf32, #tpu.memory_space<vmem_shared>> -> memref<16x128xf32, #tpu.memory_space<vmem_shared>>
          %dma_wait3A_67 = arith.constant 9984 : i32
          %dma_wait3A_68 = arith.constant 0 : i32
          %dma_wait3A_69 = tpu.memref_slice %arg2[%dma_wait3A_67, %dma_wait3A_68] : memref<10000x128xf32, #tpu.memory_space<hbm>> -> memref<16x128xf32, #tpu.memory_space<hbm>>
          tpu.wait_dma2 semaphore(%run_scoped3A_57 : memref<!tpu.dma_semaphore, #tpu.memory_space<semaphore_mem>>) src(%dma_wait3A_69 : memref<16x128xf32, #tpu.memory_space<hbm>>) dst(%dma_wait3A_66 : memref<16x128xf32, #tpu.memory_space<vmem_shared>>)
          tpu.yield
        }) : () -> ()
      } else {
      }
    } else {
    }
    %ne3A = arith.constant 0 : i32
    %ne3A_12 = arith.cmpi ne, %arg0, %ne3A : i32
    %convert_element_type3A_13 = arith.extui %ne3A_12 : i1 to i32
    %cond3A_14 = arith.constant 0 : i32
    %cond3A_15 = arith.cmpi ne, %convert_element_type3A_13, %cond3A_14 : i32
    scf.if %cond3A_15 {
      %mul3A_50 = arith.constant 624 : i32
      %mul3A_51 = arith.muli %arg1, %mul3A_50 : i32
      "tpu.region"() ({
        %run_scoped3A_57 = tpu.sem_alloc : memref<!tpu.dma_semaphore, #tpu.memory_space<semaphore_mem>>
        %dma_start3A_58 = arith.constant 0 : i32
        %dma_start3A_59 = tpu.memref_slice %arg11[%mul3A_51, %dma_start3A_58] : memref<10000x128xf32, #tpu.memory_space<vmem_shared>> -> memref<624x128xf32, #tpu.memory_space<vmem_shared>>
        %dma_start3A_60 = arith.constant 0 : i32
        %dma_start3A_61 = tpu.memref_slice %arg3[%mul3A_51, %dma_start3A_60] : memref<10000x128xf32, #tpu.memory_space<hbm>> -> memref<624x128xf32, #tpu.memory_space<hbm>>
        tpu.enqueue_dma source(%dma_start3A_61 : memref<624x128xf32, #tpu.memory_space<hbm>>) target(%dma_start3A_59 : memref<624x128xf32, #tpu.memory_space<vmem_shared>>) target_semaphore(%run_scoped3A_57 : memref<!tpu.dma_semaphore, #tpu.memory_space<semaphore_mem>>)
        %dma_wait3A_62 = arith.constant 0 : i32
        %dma_wait3A_63 = tpu.memref_slice %arg11[%mul3A_51, %dma_wait3A_62] : memref<10000x128xf32, #tpu.memory_space<vmem_shared>> -> memref<624x128xf32, #tpu.memory_space<vmem_shared>>
        %dma_wait3A_64 = arith.constant 0 : i32
        %dma_wait3A_65 = tpu.memref_slice %arg3[%mul3A_51, %dma_wait3A_64] : memref<10000x128xf32, #tpu.memory_space<hbm>> -> memref<624x128xf32, #tpu.memory_space<hbm>>
        tpu.wait_dma2 semaphore(%run_scoped3A_57 : memref<!tpu.dma_semaphore, #tpu.memory_space<semaphore_mem>>) src(%dma_wait3A_65 : memref<624x128xf32, #tpu.memory_space<hbm>>) dst(%dma_wait3A_63 : memref<624x128xf32, #tpu.memory_space<vmem_shared>>)
        tpu.yield
      }) : () -> ()
      %eq3A_52 = arith.constant 0 : i32
      %eq3A_53 = arith.cmpi eq, %arg1, %eq3A_52 : i32
      %convert_element_type3A_54 = arith.extui %eq3A_53 : i1 to i32
      %cond3A_55 = arith.constant 0 : i32
      %cond3A_56 = arith.cmpi ne, %convert_element_type3A_54, %cond3A_55 : i32
      scf.if %cond3A_56 {
        "tpu.region"() ({
          %run_scoped3A_57 = tpu.sem_alloc : memref<!tpu.dma_semaphore, #tpu.memory_space<semaphore_mem>>
          %dma_start3A_58 = arith.constant 9984 : i32
          %dma_start3A_59 = arith.constant 0 : i32
          %dma_start3A_60 = tpu.memref_slice %arg11[%dma_start3A_58, %dma_start3A_59] : memref<10000x128xf32, #tpu.memory_space<vmem_shared>> -> memref<16x128xf32, #tpu.memory_space<vmem_shared>>
          %dma_start3A_61 = arith.constant 9984 : i32
          %dma_start3A_62 = arith.constant 0 : i32
          %dma_start3A_63 = tpu.memref_slice %arg3[%dma_start3A_61, %dma_start3A_62] : memref<10000x128xf32, #tpu.memory_space<hbm>> -> memref<16x128xf32, #tpu.memory_space<hbm>>
          tpu.enqueue_dma source(%dma_start3A_63 : memref<16x128xf32, #tpu.memory_space<hbm>>) target(%dma_start3A_60 : memref<16x128xf32, #tpu.memory_space<vmem_shared>>) target_semaphore(%run_scoped3A_57 : memref<!tpu.dma_semaphore, #tpu.memory_space<semaphore_mem>>)
          %dma_wait3A_64 = arith.constant 9984 : i32
          %dma_wait3A_65 = arith.constant 0 : i32
          %dma_wait3A_66 = tpu.memref_slice %arg11[%dma_wait3A_64, %dma_wait3A_65] : memref<10000x128xf32, #tpu.memory_space<vmem_shared>> -> memref<16x128xf32, #tpu.memory_space<vmem_shared>>
          %dma_wait3A_67 = arith.constant 9984 : i32
          %dma_wait3A_68 = arith.constant 0 : i32
          %dma_wait3A_69 = tpu.memref_slice %arg3[%dma_wait3A_67, %dma_wait3A_68] : memref<10000x128xf32, #tpu.memory_space<hbm>> -> memref<16x128xf32, #tpu.memory_space<hbm>>
          tpu.wait_dma2 semaphore(%run_scoped3A_57 : memref<!tpu.dma_semaphore, #tpu.memory_space<semaphore_mem>>) src(%dma_wait3A_69 : memref<16x128xf32, #tpu.memory_space<hbm>>) dst(%dma_wait3A_66 : memref<16x128xf32, #tpu.memory_space<vmem_shared>>)
          tpu.yield
        }) : () -> ()
      } else {
      }
    } else {
    }
    %barrier3A = arith.constant 0 : index
    tpu.barrier barrier_id(%barrier3A)
    %scan3A = arith.constant 0 : i32
    %scan3A_16 = arith.constant 0 : i32
    %scan3A_17 = arith.constant 61 : i32
    %scan3A_18 = arith.addi %scan3A_16, %scan3A_17 : i32
    %scan3A_19 = arith.constant 1 : i32
    scf.for %scan3A_50 = %scan3A_16 to %scan3A_18 step %scan3A_19  : i32 {
      %mul3A_51 = arith.constant 2 : i32
      %mul3A_52 = arith.muli %mul3A_51, %scan3A_50 : i32
      %mul3A_53 = arith.constant 80 : i32
      %mul3A_54 = arith.muli %mul3A_52, %mul3A_53 : i32
      %dma_wait3A_55 = tpu.memref_slice %arg7[%mul3A_54] : memref<10000xi32, #tpu.memory_space<vmem>> -> memref<80xi32, #tpu.memory_space<vmem>>
      %dma_wait3A_56 = arith.constant 0 : i32
      %dma_wait3A_57 = arith.constant 0 : i32
      %dma_wait3A_58 = tpu.memref_slice %arg2[%dma_wait3A_56, %dma_wait3A_57] : memref<10000x128xf32, #tpu.memory_space<hbm>> -> memref<10000x128xf32, #tpu.memory_space<hbm>>
      tpu.wait_indirect_dma semaphore(%arg12 : memref<!tpu.dma_semaphore, #tpu.memory_space<semaphore_mem>>) src(%dma_wait3A_58 : memref<10000x128xf32, #tpu.memory_space<hbm>>) dst(%arg9 : memref<80x128xf32, #tpu.memory_space<vmem>>)
      "tpu.region"() ({
        %run_scoped3A_89 = tpu.sem_alloc : memref<!tpu.dma_semaphore, #tpu.memory_space<semaphore_mem>>
        %dma_start3A_90 = arith.constant 0 : i32
        %dma_start3A_91 = tpu.memref_slice %arg8[%mul3A_52, %dma_start3A_90] : memref<125x80xi32, #tpu.memory_space<vmem>> -> memref<1x80xi32, #tpu.memory_space<vmem>>
        %dma_start3A_92 = tpu.memref_squeeze %dma_start3A_91 : memref<1x80xi32, #tpu.memory_space<vmem>> -> memref<80xi32, #tpu.memory_space<vmem>>
        %dma_start3A_93 = arith.constant 0 : i32
        %dma_start3A_94 = arith.constant 0 : i32
        %dma_start3A_95 = tpu.memref_slice %arg11[%dma_start3A_93, %dma_start3A_94] : memref<10000x128xf32, #tpu.memory_space<vmem_shared>> -> memref<10000x128xf32, #tpu.memory_space<vmem_shared>>
        tpu.enqueue_indirect_dma source(%arg9 : memref<80x128xf32, #tpu.memory_space<vmem>>) target(%dma_start3A_95 : memref<10000x128xf32, #tpu.memory_space<vmem_shared>>) offsets(%dma_start3A_92 : memref<80xi32, #tpu.memory_space<vmem>>) semaphore(%run_scoped3A_89 : memref<!tpu.dma_semaphore, #tpu.memory_space<semaphore_mem>>) {add = true}
        %dma_wait3A_96 = arith.constant 0 : i32
        %dma_wait3A_97 = tpu.memref_slice %arg8[%mul3A_52, %dma_wait3A_96] : memref<125x80xi32, #tpu.memory_space<vmem>> -> memref<1x80xi32, #tpu.memory_space<vmem>>
        %dma_wait3A_98 = tpu.memref_squeeze %dma_wait3A_97 : memref<1x80xi32, #tpu.memory_space<vmem>> -> memref<80xi32, #tpu.memory_space<vmem>>
        %dma_wait3A_99 = arith.constant 0 : i32
        %dma_wait3A_100 = arith.constant 0 : i32
        %dma_wait3A_101 = tpu.memref_slice %arg11[%dma_wait3A_99, %dma_wait3A_100] : memref<10000x128xf32, #tpu.memory_space<vmem_shared>> -> memref<10000x128xf32, #tpu.memory_space<vmem_shared>>
        tpu.wait_indirect_dma semaphore(%run_scoped3A_89 : memref<!tpu.dma_semaphore, #tpu.memory_space<semaphore_mem>>) src(%arg9 : memref<80x128xf32, #tpu.memory_space<vmem>>) dst(%dma_wait3A_101 : memref<10000x128xf32, #tpu.memory_space<vmem_shared>>)
        tpu.yield
      }) : () -> ()
      %mul3A_59 = arith.constant 2 : i32
      %mul3A_60 = arith.muli %mul3A_59, %scan3A_50 : i32
      %add3A_61 = arith.constant 2 : i32
      %add3A_62 = arith.addi %mul3A_60, %add3A_61 : i32
      %mul3A_63 = arith.constant 80 : i32
      %mul3A_64 = arith.muli %add3A_62, %mul3A_63 : i32
      %dma_start3A_65 = tpu.memref_slice %arg7[%mul3A_64] : memref<10000xi32, #tpu.memory_space<vmem>> -> memref<80xi32, #tpu.memory_space<vmem>>
      %dma_start3A_66 = arith.constant 0 : i32
      %dma_start3A_67 = arith.constant 0 : i32
      %dma_start3A_68 = tpu.memref_slice %arg2[%dma_start3A_66, %dma_start3A_67] : memref<10000x128xf32, #tpu.memory_space<hbm>> -> memref<10000x128xf32, #tpu.memory_space<hbm>>
      tpu.enqueue_indirect_dma source(%dma_start3A_68 : memref<10000x128xf32, #tpu.memory_space<hbm>>) target(%arg9 : memref<80x128xf32, #tpu.memory_space<vmem>>) offsets(%dma_start3A_65 : memref<80xi32, #tpu.memory_space<vmem>>) semaphore(%arg12 : memref<!tpu.dma_semaphore, #tpu.memory_space<semaphore_mem>>)
      %mul3A_69 = arith.constant 2 : i32
      %mul3A_70 = arith.muli %mul3A_69, %scan3A_50 : i32
      %add3A_71 = arith.constant 1 : i32
      %add3A_72 = arith.addi %mul3A_70, %add3A_71 : i32
      %mul3A_73 = arith.constant 80 : i32
      %mul3A_74 = arith.muli %add3A_72, %mul3A_73 : i32
      %dma_wait3A_75 = tpu.memref_slice %arg7[%mul3A_74] : memref<10000xi32, #tpu.memory_space<vmem>> -> memref<80xi32, #tpu.memory_space<vmem>>
      %dma_wait3A_76 = arith.constant 0 : i32
      %dma_wait3A_77 = arith.constant 0 : i32
      %dma_wait3A_78 = tpu.memref_slice %arg2[%dma_wait3A_76, %dma_wait3A_77] : memref<10000x128xf32, #tpu.memory_space<hbm>> -> memref<10000x128xf32, #tpu.memory_space<hbm>>
      tpu.wait_indirect_dma semaphore(%arg13 : memref<!tpu.dma_semaphore, #tpu.memory_space<semaphore_mem>>) src(%dma_wait3A_78 : memref<10000x128xf32, #tpu.memory_space<hbm>>) dst(%arg10 : memref<80x128xf32, #tpu.memory_space<vmem>>)
      "tpu.region"() ({
        %run_scoped3A_89 = tpu.sem_alloc : memref<!tpu.dma_semaphore, #tpu.memory_space<semaphore_mem>>
        %dma_start3A_90 = arith.constant 0 : i32
        %dma_start3A_91 = tpu.memref_slice %arg8[%add3A_72, %dma_start3A_90] : memref<125x80xi32, #tpu.memory_space<vmem>> -> memref<1x80xi32, #tpu.memory_space<vmem>>
        %dma_start3A_92 = tpu.memref_squeeze %dma_start3A_91 : memref<1x80xi32, #tpu.memory_space<vmem>> -> memref<80xi32, #tpu.memory_space<vmem>>
        %dma_start3A_93 = arith.constant 0 : i32
        %dma_start3A_94 = arith.constant 0 : i32
        %dma_start3A_95 = tpu.memref_slice %arg11[%dma_start3A_93, %dma_start3A_94] : memref<10000x128xf32, #tpu.memory_space<vmem_shared>> -> memref<10000x128xf32, #tpu.memory_space<vmem_shared>>
        tpu.enqueue_indirect_dma source(%arg10 : memref<80x128xf32, #tpu.memory_space<vmem>>) target(%dma_start3A_95 : memref<10000x128xf32, #tpu.memory_space<vmem_shared>>) offsets(%dma_start3A_92 : memref<80xi32, #tpu.memory_space<vmem>>) semaphore(%run_scoped3A_89 : memref<!tpu.dma_semaphore, #tpu.memory_space<semaphore_mem>>) {add = true}
        %dma_wait3A_96 = arith.constant 0 : i32
        %dma_wait3A_97 = tpu.memref_slice %arg8[%add3A_72, %dma_wait3A_96] : memref<125x80xi32, #tpu.memory_space<vmem>> -> memref<1x80xi32, #tpu.memory_space<vmem>>
        %dma_wait3A_98 = tpu.memref_squeeze %dma_wait3A_97 : memref<1x80xi32, #tpu.memory_space<vmem>> -> memref<80xi32, #tpu.memory_space<vmem>>
        %dma_wait3A_99 = arith.constant 0 : i32
        %dma_wait3A_100 = arith.constant 0 : i32
        %dma_wait3A_101 = tpu.memref_slice %arg11[%dma_wait3A_99, %dma_wait3A_100] : memref<10000x128xf32, #tpu.memory_space<vmem_shared>> -> memref<10000x128xf32, #tpu.memory_space<vmem_shared>>
        tpu.wait_indirect_dma semaphore(%run_scoped3A_89 : memref<!tpu.dma_semaphore, #tpu.memory_space<semaphore_mem>>) src(%arg10 : memref<80x128xf32, #tpu.memory_space<vmem>>) dst(%dma_wait3A_101 : memref<10000x128xf32, #tpu.memory_space<vmem_shared>>)
        tpu.yield
      }) : () -> ()
      %mul3A_79 = arith.constant 2 : i32
      %mul3A_80 = arith.muli %mul3A_79, %scan3A_50 : i32
      %add3A_81 = arith.constant 3 : i32
      %add3A_82 = arith.addi %mul3A_80, %add3A_81 : i32
      %mul3A_83 = arith.constant 80 : i32
      %mul3A_84 = arith.muli %add3A_82, %mul3A_83 : i32
      %dma_start3A_85 = tpu.memref_slice %arg7[%mul3A_84] : memref<10000xi32, #tpu.memory_space<vmem>> -> memref<80xi32, #tpu.memory_space<vmem>>
      %dma_start3A_86 = arith.constant 0 : i32
      %dma_start3A_87 = arith.constant 0 : i32
      %dma_start3A_88 = tpu.memref_slice %arg2[%dma_start3A_86, %dma_start3A_87] : memref<10000x128xf32, #tpu.memory_space<hbm>> -> memref<10000x128xf32, #tpu.memory_space<hbm>>
      tpu.enqueue_indirect_dma source(%dma_start3A_88 : memref<10000x128xf32, #tpu.memory_space<hbm>>) target(%arg10 : memref<80x128xf32, #tpu.memory_space<vmem>>) offsets(%dma_start3A_85 : memref<80xi32, #tpu.memory_space<vmem>>) semaphore(%arg13 : memref<!tpu.dma_semaphore, #tpu.memory_space<semaphore_mem>>)
    }
    %scan3A_20 = arith.constant 61 : i32
    %dma_wait3A = arith.constant 9760 : i32
    %dma_wait3A_21 = tpu.memref_slice %arg7[%dma_wait3A] : memref<10000xi32, #tpu.memory_space<vmem>> -> memref<80xi32, #tpu.memory_space<vmem>>
    %dma_wait3A_22 = arith.constant 0 : i32
    %dma_wait3A_23 = arith.constant 0 : i32
    %dma_wait3A_24 = tpu.memref_slice %arg2[%dma_wait3A_22, %dma_wait3A_23] : memref<10000x128xf32, #tpu.memory_space<hbm>> -> memref<10000x128xf32, #tpu.memory_space<hbm>>
    tpu.wait_indirect_dma semaphore(%arg12 : memref<!tpu.dma_semaphore, #tpu.memory_space<semaphore_mem>>) src(%dma_wait3A_24 : memref<10000x128xf32, #tpu.memory_space<hbm>>) dst(%arg9 : memref<80x128xf32, #tpu.memory_space<vmem>>)
    %run_scoped3A = arith.constant 122 : i32
    "tpu.region"() ({
      %run_scoped3A_50 = tpu.sem_alloc : memref<!tpu.dma_semaphore, #tpu.memory_space<semaphore_mem>>
      %dma_start3A_51 = arith.constant 0 : i32
      %dma_start3A_52 = tpu.memref_slice %arg8[%run_scoped3A, %dma_start3A_51] : memref<125x80xi32, #tpu.memory_space<vmem>> -> memref<1x80xi32, #tpu.memory_space<vmem>>
      %dma_start3A_53 = tpu.memref_squeeze %dma_start3A_52 : memref<1x80xi32, #tpu.memory_space<vmem>> -> memref<80xi32, #tpu.memory_space<vmem>>
      %dma_start3A_54 = arith.constant 0 : i32
      %dma_start3A_55 = arith.constant 0 : i32
      %dma_start3A_56 = tpu.memref_slice %arg11[%dma_start3A_54, %dma_start3A_55] : memref<10000x128xf32, #tpu.memory_space<vmem_shared>> -> memref<10000x128xf32, #tpu.memory_space<vmem_shared>>
      tpu.enqueue_indirect_dma source(%arg9 : memref<80x128xf32, #tpu.memory_space<vmem>>) target(%dma_start3A_56 : memref<10000x128xf32, #tpu.memory_space<vmem_shared>>) offsets(%dma_start3A_53 : memref<80xi32, #tpu.memory_space<vmem>>) semaphore(%run_scoped3A_50 : memref<!tpu.dma_semaphore, #tpu.memory_space<semaphore_mem>>) {add = true}
      %dma_wait3A_57 = arith.constant 0 : i32
      %dma_wait3A_58 = tpu.memref_slice %arg8[%run_scoped3A, %dma_wait3A_57] : memref<125x80xi32, #tpu.memory_space<vmem>> -> memref<1x80xi32, #tpu.memory_space<vmem>>
      %dma_wait3A_59 = tpu.memref_squeeze %dma_wait3A_58 : memref<1x80xi32, #tpu.memory_space<vmem>> -> memref<80xi32, #tpu.memory_space<vmem>>
      %dma_wait3A_60 = arith.constant 0 : i32
      %dma_wait3A_61 = arith.constant 0 : i32
      %dma_wait3A_62 = tpu.memref_slice %arg11[%dma_wait3A_60, %dma_wait3A_61] : memref<10000x128xf32, #tpu.memory_space<vmem_shared>> -> memref<10000x128xf32, #tpu.memory_space<vmem_shared>>
      tpu.wait_indirect_dma semaphore(%run_scoped3A_50 : memref<!tpu.dma_semaphore, #tpu.memory_space<semaphore_mem>>) src(%arg9 : memref<80x128xf32, #tpu.memory_space<vmem>>) dst(%dma_wait3A_62 : memref<10000x128xf32, #tpu.memory_space<vmem_shared>>)
      tpu.yield
    }) : () -> ()
    %dma_start3A_25 = arith.constant 9920 : i32
    %dma_start3A_26 = tpu.memref_slice %arg7[%dma_start3A_25] : memref<10000xi32, #tpu.memory_space<vmem>> -> memref<80xi32, #tpu.memory_space<vmem>>
    %dma_start3A_27 = arith.constant 0 : i32
    %dma_start3A_28 = arith.constant 0 : i32
    %dma_start3A_29 = tpu.memref_slice %arg2[%dma_start3A_27, %dma_start3A_28] : memref<10000x128xf32, #tpu.memory_space<hbm>> -> memref<10000x128xf32, #tpu.memory_space<hbm>>
    tpu.enqueue_indirect_dma source(%dma_start3A_29 : memref<10000x128xf32, #tpu.memory_space<hbm>>) target(%arg9 : memref<80x128xf32, #tpu.memory_space<vmem>>) offsets(%dma_start3A_26 : memref<80xi32, #tpu.memory_space<vmem>>) semaphore(%arg12 : memref<!tpu.dma_semaphore, #tpu.memory_space<semaphore_mem>>)
    %dma_wait3A_30 = arith.constant 9840 : i32
    %dma_wait3A_31 = tpu.memref_slice %arg7[%dma_wait3A_30] : memref<10000xi32, #tpu.memory_space<vmem>> -> memref<80xi32, #tpu.memory_space<vmem>>
    %dma_wait3A_32 = arith.constant 0 : i32
    %dma_wait3A_33 = arith.constant 0 : i32
    %dma_wait3A_34 = tpu.memref_slice %arg2[%dma_wait3A_32, %dma_wait3A_33] : memref<10000x128xf32, #tpu.memory_space<hbm>> -> memref<10000x128xf32, #tpu.memory_space<hbm>>
    tpu.wait_indirect_dma semaphore(%arg13 : memref<!tpu.dma_semaphore, #tpu.memory_space<semaphore_mem>>) src(%dma_wait3A_34 : memref<10000x128xf32, #tpu.memory_space<hbm>>) dst(%arg10 : memref<80x128xf32, #tpu.memory_space<vmem>>)
    %run_scoped3A_35 = arith.constant 123 : i32
    "tpu.region"() ({
      %run_scoped3A_50 = tpu.sem_alloc : memref<!tpu.dma_semaphore, #tpu.memory_space<semaphore_mem>>
      %dma_start3A_51 = arith.constant 0 : i32
      %dma_start3A_52 = tpu.memref_slice %arg8[%run_scoped3A_35, %dma_start3A_51] : memref<125x80xi32, #tpu.memory_space<vmem>> -> memref<1x80xi32, #tpu.memory_space<vmem>>
      %dma_start3A_53 = tpu.memref_squeeze %dma_start3A_52 : memref<1x80xi32, #tpu.memory_space<vmem>> -> memref<80xi32, #tpu.memory_space<vmem>>
      %dma_start3A_54 = arith.constant 0 : i32
      %dma_start3A_55 = arith.constant 0 : i32
      %dma_start3A_56 = tpu.memref_slice %arg11[%dma_start3A_54, %dma_start3A_55] : memref<10000x128xf32, #tpu.memory_space<vmem_shared>> -> memref<10000x128xf32, #tpu.memory_space<vmem_shared>>
      tpu.enqueue_indirect_dma source(%arg10 : memref<80x128xf32, #tpu.memory_space<vmem>>) target(%dma_start3A_56 : memref<10000x128xf32, #tpu.memory_space<vmem_shared>>) offsets(%dma_start3A_53 : memref<80xi32, #tpu.memory_space<vmem>>) semaphore(%run_scoped3A_50 : memref<!tpu.dma_semaphore, #tpu.memory_space<semaphore_mem>>) {add = true}
      %dma_wait3A_57 = arith.constant 0 : i32
      %dma_wait3A_58 = tpu.memref_slice %arg8[%run_scoped3A_35, %dma_wait3A_57] : memref<125x80xi32, #tpu.memory_space<vmem>> -> memref<1x80xi32, #tpu.memory_space<vmem>>
      %dma_wait3A_59 = tpu.memref_squeeze %dma_wait3A_58 : memref<1x80xi32, #tpu.memory_space<vmem>> -> memref<80xi32, #tpu.memory_space<vmem>>
      %dma_wait3A_60 = arith.constant 0 : i32
      %dma_wait3A_61 = arith.constant 0 : i32
      %dma_wait3A_62 = tpu.memref_slice %arg11[%dma_wait3A_60, %dma_wait3A_61] : memref<10000x128xf32, #tpu.memory_space<vmem_shared>> -> memref<10000x128xf32, #tpu.memory_space<vmem_shared>>
      tpu.wait_indirect_dma semaphore(%run_scoped3A_50 : memref<!tpu.dma_semaphore, #tpu.memory_space<semaphore_mem>>) src(%arg10 : memref<80x128xf32, #tpu.memory_space<vmem>>) dst(%dma_wait3A_62 : memref<10000x128xf32, #tpu.memory_space<vmem_shared>>)
      tpu.yield
    }) : () -> ()
    %dma_wait3A_36 = arith.constant 9920 : i32
    %dma_wait3A_37 = tpu.memref_slice %arg7[%dma_wait3A_36] : memref<10000xi32, #tpu.memory_space<vmem>> -> memref<80xi32, #tpu.memory_space<vmem>>
    %dma_wait3A_38 = arith.constant 0 : i32
    %dma_wait3A_39 = arith.constant 0 : i32
    %dma_wait3A_40 = tpu.memref_slice %arg2[%dma_wait3A_38, %dma_wait3A_39] : memref<10000x128xf32, #tpu.memory_space<hbm>> -> memref<10000x128xf32, #tpu.memory_space<hbm>>
    tpu.wait_indirect_dma semaphore(%arg12 : memref<!tpu.dma_semaphore, #tpu.memory_space<semaphore_mem>>) src(%dma_wait3A_40 : memref<10000x128xf32, #tpu.memory_space<hbm>>) dst(%arg9 : memref<80x128xf32, #tpu.memory_space<vmem>>)
    %run_scoped3A_41 = arith.constant 124 : i32
    "tpu.region"() ({
      %run_scoped3A_50 = tpu.sem_alloc : memref<!tpu.dma_semaphore, #tpu.memory_space<semaphore_mem>>
      %dma_start3A_51 = arith.constant 0 : i32
      %dma_start3A_52 = tpu.memref_slice %arg8[%run_scoped3A_41, %dma_start3A_51] : memref<125x80xi32, #tpu.memory_space<vmem>> -> memref<1x80xi32, #tpu.memory_space<vmem>>
      %dma_start3A_53 = tpu.memref_squeeze %dma_start3A_52 : memref<1x80xi32, #tpu.memory_space<vmem>> -> memref<80xi32, #tpu.memory_space<vmem>>
      %dma_start3A_54 = arith.constant 0 : i32
      %dma_start3A_55 = arith.constant 0 : i32
      %dma_start3A_56 = tpu.memref_slice %arg11[%dma_start3A_54, %dma_start3A_55] : memref<10000x128xf32, #tpu.memory_space<vmem_shared>> -> memref<10000x128xf32, #tpu.memory_space<vmem_shared>>
      tpu.enqueue_indirect_dma source(%arg9 : memref<80x128xf32, #tpu.memory_space<vmem>>) target(%dma_start3A_56 : memref<10000x128xf32, #tpu.memory_space<vmem_shared>>) offsets(%dma_start3A_53 : memref<80xi32, #tpu.memory_space<vmem>>) semaphore(%run_scoped3A_50 : memref<!tpu.dma_semaphore, #tpu.memory_space<semaphore_mem>>) {add = true}
      %dma_wait3A_57 = arith.constant 0 : i32
      %dma_wait3A_58 = tpu.memref_slice %arg8[%run_scoped3A_41, %dma_wait3A_57] : memref<125x80xi32, #tpu.memory_space<vmem>> -> memref<1x80xi32, #tpu.memory_space<vmem>>
      %dma_wait3A_59 = tpu.memref_squeeze %dma_wait3A_58 : memref<1x80xi32, #tpu.memory_space<vmem>> -> memref<80xi32, #tpu.memory_space<vmem>>
      %dma_wait3A_60 = arith.constant 0 : i32
      %dma_wait3A_61 = arith.constant 0 : i32
      %dma_wait3A_62 = tpu.memref_slice %arg11[%dma_wait3A_60, %dma_wait3A_61] : memref<10000x128xf32, #tpu.memory_space<vmem_shared>> -> memref<10000x128xf32, #tpu.memory_space<vmem_shared>>
      tpu.wait_indirect_dma semaphore(%run_scoped3A_50 : memref<!tpu.dma_semaphore, #tpu.memory_space<semaphore_mem>>) src(%arg9 : memref<80x128xf32, #tpu.memory_space<vmem>>) dst(%dma_wait3A_62 : memref<10000x128xf32, #tpu.memory_space<vmem_shared>>)
      tpu.yield
    }) : () -> ()
    %barrier3A_42 = arith.constant 0 : index
    tpu.barrier barrier_id(%barrier3A_42)
    %mul3A_43 = arith.constant 624 : i32
    %mul3A_44 = arith.muli %arg1, %mul3A_43 : i32
    "tpu.region"() ({
      %run_scoped3A_50 = tpu.sem_alloc : memref<!tpu.dma_semaphore, #tpu.memory_space<semaphore_mem>>
      %dma_start3A_51 = arith.constant 0 : i32
      %dma_start3A_52 = tpu.memref_slice %arg6[%arg0, %mul3A_44, %dma_start3A_51] : memref<2x10000x128xf32, #tpu.memory_space<hbm>> -> memref<1x624x128xf32, #tpu.memory_space<hbm>>
      %dma_start3A_53 = tpu.memref_squeeze %dma_start3A_52 : memref<1x624x128xf32, #tpu.memory_space<hbm>> -> memref<624x128xf32, #tpu.memory_space<hbm>>
      %dma_start3A_54 = arith.constant 0 : i32
      %dma_start3A_55 = tpu.memref_slice %arg11[%mul3A_44, %dma_start3A_54] : memref<10000x128xf32, #tpu.memory_space<vmem_shared>> -> memref<624x128xf32, #tpu.memory_space<vmem_shared>>
      tpu.enqueue_dma source(%dma_start3A_55 : memref<624x128xf32, #tpu.memory_space<vmem_shared>>) target(%dma_start3A_53 : memref<624x128xf32, #tpu.memory_space<hbm>>) target_semaphore(%run_scoped3A_50 : memref<!tpu.dma_semaphore, #tpu.memory_space<semaphore_mem>>)
      %dma_wait3A_56 = arith.constant 0 : i32
      %dma_wait3A_57 = tpu.memref_slice %arg6[%arg0, %mul3A_44, %dma_wait3A_56] : memref<2x10000x128xf32, #tpu.memory_space<hbm>> -> memref<1x624x128xf32, #tpu.memory_space<hbm>>
      %dma_wait3A_58 = tpu.memref_squeeze %dma_wait3A_57 : memref<1x624x128xf32, #tpu.memory_space<hbm>> -> memref<624x128xf32, #tpu.memory_space<hbm>>
      %dma_wait3A_59 = arith.constant 0 : i32
      %dma_wait3A_60 = tpu.memref_slice %arg11[%mul3A_44, %dma_wait3A_59] : memref<10000x128xf32, #tpu.memory_space<vmem_shared>> -> memref<624x128xf32, #tpu.memory_space<vmem_shared>>
      tpu.wait_dma2 semaphore(%run_scoped3A_50 : memref<!tpu.dma_semaphore, #tpu.memory_space<semaphore_mem>>) src(%dma_wait3A_60 : memref<624x128xf32, #tpu.memory_space<vmem_shared>>) dst(%dma_wait3A_58 : memref<624x128xf32, #tpu.memory_space<hbm>>)
      tpu.yield
    }) : () -> ()
    %eq3A_45 = arith.constant 0 : i32
    %eq3A_46 = arith.cmpi eq, %arg1, %eq3A_45 : i32
    %convert_element_type3A_47 = arith.extui %eq3A_46 : i1 to i32
    %cond3A_48 = arith.constant 0 : i32
    %cond3A_49 = arith.cmpi ne, %convert_element_type3A_47, %cond3A_48 : i32
    scf.if %cond3A_49 {
      "tpu.region"() ({
        %run_scoped3A_50 = tpu.sem_alloc : memref<!tpu.dma_semaphore, #tpu.memory_space<semaphore_mem>>
        %dma_start3A_51 = arith.constant 9984 : i32
        %dma_start3A_52 = arith.constant 0 : i32
        %dma_start3A_53 = tpu.memref_slice %arg6[%arg0, %dma_start3A_51, %dma_start3A_52] : memref<2x10000x128xf32, #tpu.memory_space<hbm>> -> memref<1x16x128xf32, #tpu.memory_space<hbm>>
        %dma_start3A_54 = tpu.memref_squeeze %dma_start3A_53 : memref<1x16x128xf32, #tpu.memory_space<hbm>> -> memref<16x128xf32, #tpu.memory_space<hbm>>
        %dma_start3A_55 = arith.constant 9984 : i32
        %dma_start3A_56 = arith.constant 0 : i32
        %dma_start3A_57 = tpu.memref_slice %arg11[%dma_start3A_55, %dma_start3A_56] : memref<10000x128xf32, #tpu.memory_space<vmem_shared>> -> memref<16x128xf32, #tpu.memory_space<vmem_shared>>
        tpu.enqueue_dma source(%dma_start3A_57 : memref<16x128xf32, #tpu.memory_space<vmem_shared>>) target(%dma_start3A_54 : memref<16x128xf32, #tpu.memory_space<hbm>>) target_semaphore(%run_scoped3A_50 : memref<!tpu.dma_semaphore, #tpu.memory_space<semaphore_mem>>)
        %dma_wait3A_58 = arith.constant 9984 : i32
        %dma_wait3A_59 = arith.constant 0 : i32
        %dma_wait3A_60 = tpu.memref_slice %arg6[%arg0, %dma_wait3A_58, %dma_wait3A_59] : memref<2x10000x128xf32, #tpu.memory_space<hbm>> -> memref<1x16x128xf32, #tpu.memory_space<hbm>>
        %dma_wait3A_61 = tpu.memref_squeeze %dma_wait3A_60 : memref<1x16x128xf32, #tpu.memory_space<hbm>> -> memref<16x128xf32, #tpu.memory_space<hbm>>
        %dma_wait3A_62 = arith.constant 9984 : i32
        %dma_wait3A_63 = arith.constant 0 : i32
        %dma_wait3A_64 = tpu.memref_slice %arg11[%dma_wait3A_62, %dma_wait3A_63] : memref<10000x128xf32, #tpu.memory_space<vmem_shared>> -> memref<16x128xf32, #tpu.memory_space<vmem_shared>>
        tpu.wait_dma2 semaphore(%run_scoped3A_50 : memref<!tpu.dma_semaphore, #tpu.memory_space<semaphore_mem>>) src(%dma_wait3A_64 : memref<16x128xf32, #tpu.memory_space<vmem_shared>>) dst(%dma_wait3A_61 : memref<16x128xf32, #tpu.memory_space<hbm>>)
        tpu.yield
      }) : () -> ()
    } else {
    }
    return
  }
}

#map = affine_map<(d0, d1) -> (0, 0)>
#map1 = affine_map<(d0, d1) -> (0, 0, 0)>
module attributes {stable_mosaic.version = 14 : i64} {
  func.func @scatter_kernel(%arg0: i32, %arg1: i32, %arg2: memref<10000x128xf32, #tpu.memory_space<hbm>>, %arg3: memref<10000x128xf32, #tpu.memory_space<hbm>>, %arg4: memref<32x10000xi32, #tpu.memory_space<hbm>>, %arg5: memref<32x125x80xi32, #tpu.memory_space<hbm>>, %arg6: memref<2x10000x128xf32, #tpu.memory_space<hbm>>, %arg7: memref<10000xi32, #tpu.memory_space<vmem>>, %arg8: memref<125x80xi32, #tpu.memory_space<vmem>>, %arg9: memref<80x128xf32, #tpu.memory_space<vmem>>, %arg10: memref<80x128xf32, #tpu.memory_space<vmem>>, %arg11: memref<10000x128xf32, #tpu.memory_space<vmem_shared>>, %arg12: memref<!tpu.dma_semaphore, #tpu.memory_space<semaphore_mem>>, %arg13: memref<!tpu.dma_semaphore, #tpu.memory_space<semaphore_mem>>) attributes {dimension_semantics = [#tpu.dimension_semantics<core_parallel>, #tpu.dimension_semantics<subcore_parallel>], iteration_bounds = array<i64: 2, 16>, scalar_prefetch = 0 : i64, scratch_operands = 7 : i64, tpu.core_type = #tpu.core_type<sc_vector_subcore>, window_params = [{transform_indices = #map}, {transform_indices = #map}, {transform_indices = #map}, {transform_indices = #map1}, {transform_indices = #map1}]} {
    %mul3A = arith.constant 16 : i32
    %mul3A_0 = arith.muli %arg0, %mul3A : i32
    %add3A = arith.addi %mul3A_0, %arg1 : i32
    "tpu.region"() ({
      %run_scoped3A_50 = tpu.sem_alloc : memref<!tpu.dma_semaphore, #tpu.memory_space<semaphore_mem>>
      %dma_start3A_51 = arith.constant 0 : i32
      %dma_start3A_52 = tpu.memref_slice %arg4[%add3A, %dma_start3A_51] : memref<32x10000xi32, #tpu.memory_space<hbm>> -> memref<1x10000xi32, #tpu.memory_space<hbm>>
      %dma_start3A_53 = tpu.memref_squeeze %dma_start3A_52 : memref<1x10000xi32, #tpu.memory_space<hbm>> -> memref<10000xi32, #tpu.memory_space<hbm>>
      %dma_start3A_54 = arith.constant 0 : i32
      %dma_start3A_55 = tpu.memref_slice %arg4[%add3A, %dma_start3A_54] : memref<32x10000xi32, #tpu.memory_space<hbm>> -> memref<1x10000xi32, #tpu.memory_space<hbm>>
      %dma_start3A_56 = tpu.memref_squeeze %dma_start3A_55 : memref<1x10000xi32, #tpu.memory_space<hbm>> -> memref<10000xi32, #tpu.memory_space<hbm>>
      tpu.enqueue_dma source(%dma_start3A_56 : memref<10000xi32, #tpu.memory_space<hbm>>) target(%arg7 : memref<10000xi32, #tpu.memory_space<vmem>>) target_semaphore(%run_scoped3A_50 : memref<!tpu.dma_semaphore, #tpu.memory_space<semaphore_mem>>)
      %dma_wait3A_57 = arith.constant 0 : i32
      %dma_wait3A_58 = tpu.memref_slice %arg4[%add3A, %dma_wait3A_57] : memref<32x10000xi32, #tpu.memory_space<hbm>> -> memref<1x10000xi32, #tpu.memory_space<hbm>>
      %dma_wait3A_59 = tpu.memref_squeeze %dma_wait3A_58 : memref<1x10000xi32, #tpu.memory_space<hbm>> -> memref<10000xi32, #tpu.memory_space<hbm>>
      %dma_wait3A_60 = arith.constant 0 : i32
      %dma_wait3A_61 = tpu.memref_slice %arg4[%add3A, %dma_wait3A_60] : memref<32x10000xi32, #tpu.memory_space<hbm>> -> memref<1x10000xi32, #tpu.memory_space<hbm>>
      %dma_wait3A_62 = tpu.memref_squeeze %dma_wait3A_61 : memref<1x10000xi32, #tpu.memory_space<hbm>> -> memref<10000xi32, #tpu.memory_space<hbm>>
      tpu.wait_dma2 semaphore(%run_scoped3A_50 : memref<!tpu.dma_semaphore, #tpu.memory_space<semaphore_mem>>) src(%dma_wait3A_62 : memref<10000xi32, #tpu.memory_space<hbm>>) dst(%arg7 : memref<10000xi32, #tpu.memory_space<vmem>>)
      tpu.yield
    }) : () -> ()
    "tpu.region"() ({
      %run_scoped3A_50 = tpu.sem_alloc : memref<!tpu.dma_semaphore, #tpu.memory_space<semaphore_mem>>
      %dma_start3A_51 = arith.constant 0 : i32
      %dma_start3A_52 = arith.constant 0 : i32
      %dma_start3A_53 = tpu.memref_slice %arg5[%add3A, %dma_start3A_51, %dma_start3A_52] : memref<32x125x80xi32, #tpu.memory_space<hbm>> -> memref<1x125x80xi32, #tpu.memory_space<hbm>>
      %dma_start3A_54 = tpu.memref_squeeze %dma_start3A_53 : memref<1x125x80xi32, #tpu.memory_space<hbm>> -> memref<125x80xi32, #tpu.memory_space<hbm>>
      %dma_start3A_55 = arith.constant 0 : i32
      %dma_start3A_56 = arith.constant 0 : i32
      %dma_start3A_57 = tpu.memref_slice %arg5[%add3A, %dma_start3A_55, %dma_start3A_56] : memref<32x125x80xi32, #tpu.memory_space<hbm>> -> memref<1x125x80xi32, #tpu.memory_space<hbm>>
      %dma_start3A_58 = tpu.memref_squeeze %dma_start3A_57 : memref<1x125x80xi32, #tpu.memory_space<hbm>> -> memref<125x80xi32, #tpu.memory_space<hbm>>
      tpu.enqueue_dma source(%dma_start3A_58 : memref<125x80xi32, #tpu.memory_space<hbm>>) target(%arg8 : memref<125x80xi32, #tpu.memory_space<vmem>>) target_semaphore(%run_scoped3A_50 : memref<!tpu.dma_semaphore, #tpu.memory_space<semaphore_mem>>)
      %dma_wait3A_59 = arith.constant 0 : i32
      %dma_wait3A_60 = arith.constant 0 : i32
      %dma_wait3A_61 = tpu.memref_slice %arg5[%add3A, %dma_wait3A_59, %dma_wait3A_60] : memref<32x125x80xi32, #tpu.memory_space<hbm>> -> memref<1x125x80xi32, #tpu.memory_space<hbm>>
      %dma_wait3A_62 = tpu.memref_squeeze %dma_wait3A_61 : memref<1x125x80xi32, #tpu.memory_space<hbm>> -> memref<125x80xi32, #tpu.memory_space<hbm>>
      %dma_wait3A_63 = arith.constant 0 : i32
      %dma_wait3A_64 = arith.constant 0 : i32
      %dma_wait3A_65 = tpu.memref_slice %arg5[%add3A, %dma_wait3A_63, %dma_wait3A_64] : memref<32x125x80xi32, #tpu.memory_space<hbm>> -> memref<1x125x80xi32, #tpu.memory_space<hbm>>
      %dma_wait3A_66 = tpu.memref_squeeze %dma_wait3A_65 : memref<1x125x80xi32, #tpu.memory_space<hbm>> -> memref<125x80xi32, #tpu.memory_space<hbm>>
      tpu.wait_dma2 semaphore(%run_scoped3A_50 : memref<!tpu.dma_semaphore, #tpu.memory_space<semaphore_mem>>) src(%dma_wait3A_66 : memref<125x80xi32, #tpu.memory_space<hbm>>) dst(%arg8 : memref<125x80xi32, #tpu.memory_space<vmem>>)
      tpu.yield
    }) : () -> ()
    %dma_start3A = arith.constant 0 : i32
    %dma_start3A_1 = tpu.memref_slice %arg7[%dma_start3A] : memref<10000xi32, #tpu.memory_space<vmem>> -> memref<80xi32, #tpu.memory_space<vmem>>
    %dma_start3A_2 = arith.constant 0 : i32
    %dma_start3A_3 = arith.constant 0 : i32
    %dma_start3A_4 = tpu.memref_slice %arg2[%dma_start3A_2, %dma_start3A_3] : memref<10000x128xf32, #tpu.memory_space<hbm>> -> memref<10000x128xf32, #tpu.memory_space<hbm>>
    tpu.enqueue_indirect_dma source(%dma_start3A_4 : memref<10000x128xf32, #tpu.memory_space<hbm>>) target(%arg9 : memref<80x128xf32, #tpu.memory_space<vmem>>) offsets(%dma_start3A_1 : memref<80xi32, #tpu.memory_space<vmem>>) semaphore(%arg12 : memref<!tpu.dma_semaphore, #tpu.memory_space<semaphore_mem>>)
    %dma_start3A_5 = arith.constant 80 : i32
    %dma_start3A_6 = tpu.memref_slice %arg7[%dma_start3A_5] : memref<10000xi32, #tpu.memory_space<vmem>> -> memref<80xi32, #tpu.memory_space<vmem>>
    %dma_start3A_7 = arith.constant 0 : i32
    %dma_start3A_8 = arith.constant 0 : i32
    %dma_start3A_9 = tpu.memref_slice %arg2[%dma_start3A_7, %dma_start3A_8] : memref<10000x128xf32, #tpu.memory_space<hbm>> -> memref<10000x128xf32, #tpu.memory_space<hbm>>
    tpu.enqueue_indirect_dma source(%dma_start3A_9 : memref<10000x128xf32, #tpu.memory_space<hbm>>) target(%arg10 : memref<80x128xf32, #tpu.memory_space<vmem>>) offsets(%dma_start3A_6 : memref<80xi32, #tpu.memory_space<vmem>>) semaphore(%arg13 : memref<!tpu.dma_semaphore, #tpu.memory_space<semaphore_mem>>)
    %eq3A = arith.constant 0 : i32
    %eq3A_10 = arith.cmpi eq, %arg0, %eq3A : i32
    %convert_element_type3A = arith.extui %eq3A_10 : i1 to i32
    %cond3A = arith.constant 0 : i32
    %cond3A_11 = arith.cmpi ne, %convert_element_type3A, %cond3A : i32
    scf.if %cond3A_11 {
      %mul3A_50 = arith.constant 624 : i32
      %mul3A_51 = arith.muli %arg1, %mul3A_50 : i32
      "tpu.region"() ({
        %run_scoped3A_57 = tpu.sem_alloc : memref<!tpu.dma_semaphore, #tpu.memory_space<semaphore_mem>>
        %dma_start3A_58 = arith.constant 0 : i32
        %dma_start3A_59 = tpu.memref_slice %arg11[%mul3A_51, %dma_start3A_58] : memref<10000x128xf32, #tpu.memory_space<vmem_shared>> -> memref<624x128xf32, #tpu.memory_space<vmem_shared>>
        %dma_start3A_60 = arith.constant 0 : i32
        %dma_start3A_61 = tpu.memref_slice %arg2[%mul3A_51, %dma_start3A_60] : memref<10000x128xf32, #tpu.memory_space<hbm>> -> memref<624x128xf32, #tpu.memory_space<hbm>>
        tpu.enqueue_dma source(%dma_start3A_61 : memref<624x128xf32, #tpu.memory_space<hbm>>) target(%dma_start3A_59 : memref<624x128xf32, #tpu.memory_space<vmem_shared>>) target_semaphore(%run_scoped3A_57 : memref<!tpu.dma_semaphore, #tpu.memory_space<semaphore_mem>>)
        %dma_wait3A_62 = arith.constant 0 : i32
        %dma_wait3A_63 = tpu.memref_slice %arg11[%mul3A_51, %dma_wait3A_62] : memref<10000x128xf32, #tpu.memory_space<vmem_shared>> -> memref<624x128xf32, #tpu.memory_space<vmem_shared>>
        %dma_wait3A_64 = arith.constant 0 : i32
        %dma_wait3A_65 = tpu.memref_slice %arg2[%mul3A_51, %dma_wait3A_64] : memref<10000x128xf32, #tpu.memory_space<hbm>> -> memref<624x128xf32, #tpu.memory_space<hbm>>
        tpu.wait_dma2 semaphore(%run_scoped3A_57 : memref<!tpu.dma_semaphore, #tpu.memory_space<semaphore_mem>>) src(%dma_wait3A_65 : memref<624x128xf32, #tpu.memory_space<hbm>>) dst(%dma_wait3A_63 : memref<624x128xf32, #tpu.memory_space<vmem_shared>>)
        tpu.yield
      }) : () -> ()
      %eq3A_52 = arith.constant 0 : i32
      %eq3A_53 = arith.cmpi eq, %arg1, %eq3A_52 : i32
      %convert_element_type3A_54 = arith.extui %eq3A_53 : i1 to i32
      %cond3A_55 = arith.constant 0 : i32
      %cond3A_56 = arith.cmpi ne, %convert_element_type3A_54, %cond3A_55 : i32
      scf.if %cond3A_56 {
        "tpu.region"() ({
          %run_scoped3A_57 = tpu.sem_alloc : memref<!tpu.dma_semaphore, #tpu.memory_space<semaphore_mem>>
          %dma_start3A_58 = arith.constant 9984 : i32
          %dma_start3A_59 = arith.constant 0 : i32
          %dma_start3A_60 = tpu.memref_slice %arg11[%dma_start3A_58, %dma_start3A_59] : memref<10000x128xf32, #tpu.memory_space<vmem_shared>> -> memref<16x128xf32, #tpu.memory_space<vmem_shared>>
          %dma_start3A_61 = arith.constant 9984 : i32
          %dma_start3A_62 = arith.constant 0 : i32
          %dma_start3A_63 = tpu.memref_slice %arg2[%dma_start3A_61, %dma_start3A_62] : memref<10000x128xf32, #tpu.memory_space<hbm>> -> memref<16x128xf32, #tpu.memory_space<hbm>>
          tpu.enqueue_dma source(%dma_start3A_63 : memref<16x128xf32, #tpu.memory_space<hbm>>) target(%dma_start3A_60 : memref<16x128xf32, #tpu.memory_space<vmem_shared>>) target_semaphore(%run_scoped3A_57 : memref<!tpu.dma_semaphore, #tpu.memory_space<semaphore_mem>>)
          %dma_wait3A_64 = arith.constant 9984 : i32
          %dma_wait3A_65 = arith.constant 0 : i32
          %dma_wait3A_66 = tpu.memref_slice %arg11[%dma_wait3A_64, %dma_wait3A_65] : memref<10000x128xf32, #tpu.memory_space<vmem_shared>> -> memref<16x128xf32, #tpu.memory_space<vmem_shared>>
          %dma_wait3A_67 = arith.constant 9984 : i32
          %dma_wait3A_68 = arith.constant 0 : i32
          %dma_wait3A_69 = tpu.memref_slice %arg2[%dma_wait3A_67, %dma_wait3A_68] : memref<10000x128xf32, #tpu.memory_space<hbm>> -> memref<16x128xf32, #tpu.memory_space<hbm>>
          tpu.wait_dma2 semaphore(%run_scoped3A_57 : memref<!tpu.dma_semaphore, #tpu.memory_space<semaphore_mem>>) src(%dma_wait3A_69 : memref<16x128xf32, #tpu.memory_space<hbm>>) dst(%dma_wait3A_66 : memref<16x128xf32, #tpu.memory_space<vmem_shared>>)
          tpu.yield
        }) : () -> ()
      } else {
      }
    } else {
    }
    %ne3A = arith.constant 0 : i32
    %ne3A_12 = arith.cmpi ne, %arg0, %ne3A : i32
    %convert_element_type3A_13 = arith.extui %ne3A_12 : i1 to i32
    %cond3A_14 = arith.constant 0 : i32
    %cond3A_15 = arith.cmpi ne, %convert_element_type3A_13, %cond3A_14 : i32
    scf.if %cond3A_15 {
      %mul3A_50 = arith.constant 624 : i32
      %mul3A_51 = arith.muli %arg1, %mul3A_50 : i32
      "tpu.region"() ({
        %run_scoped3A_57 = tpu.sem_alloc : memref<!tpu.dma_semaphore, #tpu.memory_space<semaphore_mem>>
        %dma_start3A_58 = arith.constant 0 : i32
        %dma_start3A_59 = tpu.memref_slice %arg11[%mul3A_51, %dma_start3A_58] : memref<10000x128xf32, #tpu.memory_space<vmem_shared>> -> memref<624x128xf32, #tpu.memory_space<vmem_shared>>
        %dma_start3A_60 = arith.constant 0 : i32
        %dma_start3A_61 = tpu.memref_slice %arg3[%mul3A_51, %dma_start3A_60] : memref<10000x128xf32, #tpu.memory_space<hbm>> -> memref<624x128xf32, #tpu.memory_space<hbm>>
        tpu.enqueue_dma source(%dma_start3A_61 : memref<624x128xf32, #tpu.memory_space<hbm>>) target(%dma_start3A_59 : memref<624x128xf32, #tpu.memory_space<vmem_shared>>) target_semaphore(%run_scoped3A_57 : memref<!tpu.dma_semaphore, #tpu.memory_space<semaphore_mem>>)
        %dma_wait3A_62 = arith.constant 0 : i32
        %dma_wait3A_63 = tpu.memref_slice %arg11[%mul3A_51, %dma_wait3A_62] : memref<10000x128xf32, #tpu.memory_space<vmem_shared>> -> memref<624x128xf32, #tpu.memory_space<vmem_shared>>
        %dma_wait3A_64 = arith.constant 0 : i32
        %dma_wait3A_65 = tpu.memref_slice %arg3[%mul3A_51, %dma_wait3A_64] : memref<10000x128xf32, #tpu.memory_space<hbm>> -> memref<624x128xf32, #tpu.memory_space<hbm>>
        tpu.wait_dma2 semaphore(%run_scoped3A_57 : memref<!tpu.dma_semaphore, #tpu.memory_space<semaphore_mem>>) src(%dma_wait3A_65 : memref<624x128xf32, #tpu.memory_space<hbm>>) dst(%dma_wait3A_63 : memref<624x128xf32, #tpu.memory_space<vmem_shared>>)
        tpu.yield
      }) : () -> ()
      %eq3A_52 = arith.constant 0 : i32
      %eq3A_53 = arith.cmpi eq, %arg1, %eq3A_52 : i32
      %convert_element_type3A_54 = arith.extui %eq3A_53 : i1 to i32
      %cond3A_55 = arith.constant 0 : i32
      %cond3A_56 = arith.cmpi ne, %convert_element_type3A_54, %cond3A_55 : i32
      scf.if %cond3A_56 {
        "tpu.region"() ({
          %run_scoped3A_57 = tpu.sem_alloc : memref<!tpu.dma_semaphore, #tpu.memory_space<semaphore_mem>>
          %dma_start3A_58 = arith.constant 9984 : i32
          %dma_start3A_59 = arith.constant 0 : i32
          %dma_start3A_60 = tpu.memref_slice %arg11[%dma_start3A_58, %dma_start3A_59] : memref<10000x128xf32, #tpu.memory_space<vmem_shared>> -> memref<16x128xf32, #tpu.memory_space<vmem_shared>>
          %dma_start3A_61 = arith.constant 9984 : i32
          %dma_start3A_62 = arith.constant 0 : i32
          %dma_start3A_63 = tpu.memref_slice %arg3[%dma_start3A_61, %dma_start3A_62] : memref<10000x128xf32, #tpu.memory_space<hbm>> -> memref<16x128xf32, #tpu.memory_space<hbm>>
          tpu.enqueue_dma source(%dma_start3A_63 : memref<16x128xf32, #tpu.memory_space<hbm>>) target(%dma_start3A_60 : memref<16x128xf32, #tpu.memory_space<vmem_shared>>) target_semaphore(%run_scoped3A_57 : memref<!tpu.dma_semaphore, #tpu.memory_space<semaphore_mem>>)
          %dma_wait3A_64 = arith.constant 9984 : i32
          %dma_wait3A_65 = arith.constant 0 : i32
          %dma_wait3A_66 = tpu.memref_slice %arg11[%dma_wait3A_64, %dma_wait3A_65] : memref<10000x128xf32, #tpu.memory_space<vmem_shared>> -> memref<16x128xf32, #tpu.memory_space<vmem_shared>>
          %dma_wait3A_67 = arith.constant 9984 : i32
          %dma_wait3A_68 = arith.constant 0 : i32
          %dma_wait3A_69 = tpu.memref_slice %arg3[%dma_wait3A_67, %dma_wait3A_68] : memref<10000x128xf32, #tpu.memory_space<hbm>> -> memref<16x128xf32, #tpu.memory_space<hbm>>
          tpu.wait_dma2 semaphore(%run_scoped3A_57 : memref<!tpu.dma_semaphore, #tpu.memory_space<semaphore_mem>>) src(%dma_wait3A_69 : memref<16x128xf32, #tpu.memory_space<hbm>>) dst(%dma_wait3A_66 : memref<16x128xf32, #tpu.memory_space<vmem_shared>>)
          tpu.yield
        }) : () -> ()
      } else {
      }
    } else {
    }
    %barrier3A = arith.constant 0 : index
    tpu.barrier barrier_id(%barrier3A)
    %scan3A = arith.constant 0 : i32
    %scan3A_16 = arith.constant 0 : i32
    %scan3A_17 = arith.constant 61 : i32
    %scan3A_18 = arith.addi %scan3A_16, %scan3A_17 : i32
    %scan3A_19 = arith.constant 1 : i32
    scf.for %scan3A_50 = %scan3A_16 to %scan3A_18 step %scan3A_19  : i32 {
      %mul3A_51 = arith.constant 2 : i32
      %mul3A_52 = arith.muli %mul3A_51, %scan3A_50 : i32
      %mul3A_53 = arith.constant 80 : i32
      %mul3A_54 = arith.muli %mul3A_52, %mul3A_53 : i32
      %dma_wait3A_55 = tpu.memref_slice %arg7[%mul3A_54] : memref<10000xi32, #tpu.memory_space<vmem>> -> memref<80xi32, #tpu.memory_space<vmem>>
      %dma_wait3A_56 = arith.constant 0 : i32
      %dma_wait3A_57 = arith.constant 0 : i32
      %dma_wait3A_58 = tpu.memref_slice %arg2[%dma_wait3A_56, %dma_wait3A_57] : memref<10000x128xf32, #tpu.memory_space<hbm>> -> memref<10000x128xf32, #tpu.memory_space<hbm>>
      tpu.wait_indirect_dma semaphore(%arg12 : memref<!tpu.dma_semaphore, #tpu.memory_space<semaphore_mem>>) src(%dma_wait3A_58 : memref<10000x128xf32, #tpu.memory_space<hbm>>) dst(%arg9 : memref<80x128xf32, #tpu.memory_space<vmem>>)
      "tpu.region"() ({
        %run_scoped3A_89 = tpu.sem_alloc : memref<!tpu.dma_semaphore, #tpu.memory_space<semaphore_mem>>
        %dma_start3A_90 = arith.constant 0 : i32
        %dma_start3A_91 = tpu.memref_slice %arg8[%mul3A_52, %dma_start3A_90] : memref<125x80xi32, #tpu.memory_space<vmem>> -> memref<1x80xi32, #tpu.memory_space<vmem>>
        %dma_start3A_92 = tpu.memref_squeeze %dma_start3A_91 : memref<1x80xi32, #tpu.memory_space<vmem>> -> memref<80xi32, #tpu.memory_space<vmem>>
        %dma_start3A_93 = arith.constant 0 : i32
        %dma_start3A_94 = arith.constant 0 : i32
        %dma_start3A_95 = tpu.memref_slice %arg11[%dma_start3A_93, %dma_start3A_94] : memref<10000x128xf32, #tpu.memory_space<vmem_shared>> -> memref<10000x128xf32, #tpu.memory_space<vmem_shared>>
        tpu.enqueue_indirect_dma source(%arg9 : memref<80x128xf32, #tpu.memory_space<vmem>>) target(%dma_start3A_95 : memref<10000x128xf32, #tpu.memory_space<vmem_shared>>) offsets(%dma_start3A_92 : memref<80xi32, #tpu.memory_space<vmem>>) semaphore(%run_scoped3A_89 : memref<!tpu.dma_semaphore, #tpu.memory_space<semaphore_mem>>) {add = true}
        %dma_wait3A_96 = arith.constant 0 : i32
        %dma_wait3A_97 = tpu.memref_slice %arg8[%mul3A_52, %dma_wait3A_96] : memref<125x80xi32, #tpu.memory_space<vmem>> -> memref<1x80xi32, #tpu.memory_space<vmem>>
        %dma_wait3A_98 = tpu.memref_squeeze %dma_wait3A_97 : memref<1x80xi32, #tpu.memory_space<vmem>> -> memref<80xi32, #tpu.memory_space<vmem>>
        %dma_wait3A_99 = arith.constant 0 : i32
        %dma_wait3A_100 = arith.constant 0 : i32
        %dma_wait3A_101 = tpu.memref_slice %arg11[%dma_wait3A_99, %dma_wait3A_100] : memref<10000x128xf32, #tpu.memory_space<vmem_shared>> -> memref<10000x128xf32, #tpu.memory_space<vmem_shared>>
        tpu.wait_indirect_dma semaphore(%run_scoped3A_89 : memref<!tpu.dma_semaphore, #tpu.memory_space<semaphore_mem>>) src(%arg9 : memref<80x128xf32, #tpu.memory_space<vmem>>) dst(%dma_wait3A_101 : memref<10000x128xf32, #tpu.memory_space<vmem_shared>>)
        tpu.yield
      }) : () -> ()
      %mul3A_59 = arith.constant 2 : i32
      %mul3A_60 = arith.muli %mul3A_59, %scan3A_50 : i32
      %add3A_61 = arith.constant 2 : i32
      %add3A_62 = arith.addi %mul3A_60, %add3A_61 : i32
      %mul3A_63 = arith.constant 80 : i32
      %mul3A_64 = arith.muli %add3A_62, %mul3A_63 : i32
      %dma_start3A_65 = tpu.memref_slice %arg7[%mul3A_64] : memref<10000xi32, #tpu.memory_space<vmem>> -> memref<80xi32, #tpu.memory_space<vmem>>
      %dma_start3A_66 = arith.constant 0 : i32
      %dma_start3A_67 = arith.constant 0 : i32
      %dma_start3A_68 = tpu.memref_slice %arg2[%dma_start3A_66, %dma_start3A_67] : memref<10000x128xf32, #tpu.memory_space<hbm>> -> memref<10000x128xf32, #tpu.memory_space<hbm>>
      tpu.enqueue_indirect_dma source(%dma_start3A_68 : memref<10000x128xf32, #tpu.memory_space<hbm>>) target(%arg9 : memref<80x128xf32, #tpu.memory_space<vmem>>) offsets(%dma_start3A_65 : memref<80xi32, #tpu.memory_space<vmem>>) semaphore(%arg12 : memref<!tpu.dma_semaphore, #tpu.memory_space<semaphore_mem>>)
      %mul3A_69 = arith.constant 2 : i32
      %mul3A_70 = arith.muli %mul3A_69, %scan3A_50 : i32
      %add3A_71 = arith.constant 1 : i32
      %add3A_72 = arith.addi %mul3A_70, %add3A_71 : i32
      %mul3A_73 = arith.constant 80 : i32
      %mul3A_74 = arith.muli %add3A_72, %mul3A_73 : i32
      %dma_wait3A_75 = tpu.memref_slice %arg7[%mul3A_74] : memref<10000xi32, #tpu.memory_space<vmem>> -> memref<80xi32, #tpu.memory_space<vmem>>
      %dma_wait3A_76 = arith.constant 0 : i32
      %dma_wait3A_77 = arith.constant 0 : i32
      %dma_wait3A_78 = tpu.memref_slice %arg2[%dma_wait3A_76, %dma_wait3A_77] : memref<10000x128xf32, #tpu.memory_space<hbm>> -> memref<10000x128xf32, #tpu.memory_space<hbm>>
      tpu.wait_indirect_dma semaphore(%arg13 : memref<!tpu.dma_semaphore, #tpu.memory_space<semaphore_mem>>) src(%dma_wait3A_78 : memref<10000x128xf32, #tpu.memory_space<hbm>>) dst(%arg10 : memref<80x128xf32, #tpu.memory_space<vmem>>)
      "tpu.region"() ({
        %run_scoped3A_89 = tpu.sem_alloc : memref<!tpu.dma_semaphore, #tpu.memory_space<semaphore_mem>>
        %dma_start3A_90 = arith.constant 0 : i32
        %dma_start3A_91 = tpu.memref_slice %arg8[%add3A_72, %dma_start3A_90] : memref<125x80xi32, #tpu.memory_space<vmem>> -> memref<1x80xi32, #tpu.memory_space<vmem>>
        %dma_start3A_92 = tpu.memref_squeeze %dma_start3A_91 : memref<1x80xi32, #tpu.memory_space<vmem>> -> memref<80xi32, #tpu.memory_space<vmem>>
        %dma_start3A_93 = arith.constant 0 : i32
        %dma_start3A_94 = arith.constant 0 : i32
        %dma_start3A_95 = tpu.memref_slice %arg11[%dma_start3A_93, %dma_start3A_94] : memref<10000x128xf32, #tpu.memory_space<vmem_shared>> -> memref<10000x128xf32, #tpu.memory_space<vmem_shared>>
        tpu.enqueue_indirect_dma source(%arg10 : memref<80x128xf32, #tpu.memory_space<vmem>>) target(%dma_start3A_95 : memref<10000x128xf32, #tpu.memory_space<vmem_shared>>) offsets(%dma_start3A_92 : memref<80xi32, #tpu.memory_space<vmem>>) semaphore(%run_scoped3A_89 : memref<!tpu.dma_semaphore, #tpu.memory_space<semaphore_mem>>) {add = true}
        %dma_wait3A_96 = arith.constant 0 : i32
        %dma_wait3A_97 = tpu.memref_slice %arg8[%add3A_72, %dma_wait3A_96] : memref<125x80xi32, #tpu.memory_space<vmem>> -> memref<1x80xi32, #tpu.memory_space<vmem>>
        %dma_wait3A_98 = tpu.memref_squeeze %dma_wait3A_97 : memref<1x80xi32, #tpu.memory_space<vmem>> -> memref<80xi32, #tpu.memory_space<vmem>>
        %dma_wait3A_99 = arith.constant 0 : i32
        %dma_wait3A_100 = arith.constant 0 : i32
        %dma_wait3A_101 = tpu.memref_slice %arg11[%dma_wait3A_99, %dma_wait3A_100] : memref<10000x128xf32, #tpu.memory_space<vmem_shared>> -> memref<10000x128xf32, #tpu.memory_space<vmem_shared>>
        tpu.wait_indirect_dma semaphore(%run_scoped3A_89 : memref<!tpu.dma_semaphore, #tpu.memory_space<semaphore_mem>>) src(%arg10 : memref<80x128xf32, #tpu.memory_space<vmem>>) dst(%dma_wait3A_101 : memref<10000x128xf32, #tpu.memory_space<vmem_shared>>)
        tpu.yield
      }) : () -> ()
      %mul3A_79 = arith.constant 2 : i32
      %mul3A_80 = arith.muli %mul3A_79, %scan3A_50 : i32
      %add3A_81 = arith.constant 3 : i32
      %add3A_82 = arith.addi %mul3A_80, %add3A_81 : i32
      %mul3A_83 = arith.constant 80 : i32
      %mul3A_84 = arith.muli %add3A_82, %mul3A_83 : i32
      %dma_start3A_85 = tpu.memref_slice %arg7[%mul3A_84] : memref<10000xi32, #tpu.memory_space<vmem>> -> memref<80xi32, #tpu.memory_space<vmem>>
      %dma_start3A_86 = arith.constant 0 : i32
      %dma_start3A_87 = arith.constant 0 : i32
      %dma_start3A_88 = tpu.memref_slice %arg2[%dma_start3A_86, %dma_start3A_87] : memref<10000x128xf32, #tpu.memory_space<hbm>> -> memref<10000x128xf32, #tpu.memory_space<hbm>>
      tpu.enqueue_indirect_dma source(%dma_start3A_88 : memref<10000x128xf32, #tpu.memory_space<hbm>>) target(%arg10 : memref<80x128xf32, #tpu.memory_space<vmem>>) offsets(%dma_start3A_85 : memref<80xi32, #tpu.memory_space<vmem>>) semaphore(%arg13 : memref<!tpu.dma_semaphore, #tpu.memory_space<semaphore_mem>>)
    }
    %scan3A_20 = arith.constant 61 : i32
    %dma_wait3A = arith.constant 9760 : i32
    %dma_wait3A_21 = tpu.memref_slice %arg7[%dma_wait3A] : memref<10000xi32, #tpu.memory_space<vmem>> -> memref<80xi32, #tpu.memory_space<vmem>>
    %dma_wait3A_22 = arith.constant 0 : i32
    %dma_wait3A_23 = arith.constant 0 : i32
    %dma_wait3A_24 = tpu.memref_slice %arg2[%dma_wait3A_22, %dma_wait3A_23] : memref<10000x128xf32, #tpu.memory_space<hbm>> -> memref<10000x128xf32, #tpu.memory_space<hbm>>
    tpu.wait_indirect_dma semaphore(%arg12 : memref<!tpu.dma_semaphore, #tpu.memory_space<semaphore_mem>>) src(%dma_wait3A_24 : memref<10000x128xf32, #tpu.memory_space<hbm>>) dst(%arg9 : memref<80x128xf32, #tpu.memory_space<vmem>>)
    %run_scoped3A = arith.constant 122 : i32
    "tpu.region"() ({
      %run_scoped3A_50 = tpu.sem_alloc : memref<!tpu.dma_semaphore, #tpu.memory_space<semaphore_mem>>
      %dma_start3A_51 = arith.constant 0 : i32
      %dma_start3A_52 = tpu.memref_slice %arg8[%run_scoped3A, %dma_start3A_51] : memref<125x80xi32, #tpu.memory_space<vmem>> -> memref<1x80xi32, #tpu.memory_space<vmem>>
      %dma_start3A_53 = tpu.memref_squeeze %dma_start3A_52 : memref<1x80xi32, #tpu.memory_space<vmem>> -> memref<80xi32, #tpu.memory_space<vmem>>
      %dma_start3A_54 = arith.constant 0 : i32
      %dma_start3A_55 = arith.constant 0 : i32
      %dma_start3A_56 = tpu.memref_slice %arg11[%dma_start3A_54, %dma_start3A_55] : memref<10000x128xf32, #tpu.memory_space<vmem_shared>> -> memref<10000x128xf32, #tpu.memory_space<vmem_shared>>
      tpu.enqueue_indirect_dma source(%arg9 : memref<80x128xf32, #tpu.memory_space<vmem>>) target(%dma_start3A_56 : memref<10000x128xf32, #tpu.memory_space<vmem_shared>>) offsets(%dma_start3A_53 : memref<80xi32, #tpu.memory_space<vmem>>) semaphore(%run_scoped3A_50 : memref<!tpu.dma_semaphore, #tpu.memory_space<semaphore_mem>>) {add = true}
      %dma_wait3A_57 = arith.constant 0 : i32
      %dma_wait3A_58 = tpu.memref_slice %arg8[%run_scoped3A, %dma_wait3A_57] : memref<125x80xi32, #tpu.memory_space<vmem>> -> memref<1x80xi32, #tpu.memory_space<vmem>>
      %dma_wait3A_59 = tpu.memref_squeeze %dma_wait3A_58 : memref<1x80xi32, #tpu.memory_space<vmem>> -> memref<80xi32, #tpu.memory_space<vmem>>
      %dma_wait3A_60 = arith.constant 0 : i32
      %dma_wait3A_61 = arith.constant 0 : i32
      %dma_wait3A_62 = tpu.memref_slice %arg11[%dma_wait3A_60, %dma_wait3A_61] : memref<10000x128xf32, #tpu.memory_space<vmem_shared>> -> memref<10000x128xf32, #tpu.memory_space<vmem_shared>>
      tpu.wait_indirect_dma semaphore(%run_scoped3A_50 : memref<!tpu.dma_semaphore, #tpu.memory_space<semaphore_mem>>) src(%arg9 : memref<80x128xf32, #tpu.memory_space<vmem>>) dst(%dma_wait3A_62 : memref<10000x128xf32, #tpu.memory_space<vmem_shared>>)
      tpu.yield
    }) : () -> ()
    %dma_start3A_25 = arith.constant 9920 : i32
    %dma_start3A_26 = tpu.memref_slice %arg7[%dma_start3A_25] : memref<10000xi32, #tpu.memory_space<vmem>> -> memref<80xi32, #tpu.memory_space<vmem>>
    %dma_start3A_27 = arith.constant 0 : i32
    %dma_start3A_28 = arith.constant 0 : i32
    %dma_start3A_29 = tpu.memref_slice %arg2[%dma_start3A_27, %dma_start3A_28] : memref<10000x128xf32, #tpu.memory_space<hbm>> -> memref<10000x128xf32, #tpu.memory_space<hbm>>
    tpu.enqueue_indirect_dma source(%dma_start3A_29 : memref<10000x128xf32, #tpu.memory_space<hbm>>) target(%arg9 : memref<80x128xf32, #tpu.memory_space<vmem>>) offsets(%dma_start3A_26 : memref<80xi32, #tpu.memory_space<vmem>>) semaphore(%arg12 : memref<!tpu.dma_semaphore, #tpu.memory_space<semaphore_mem>>)
    %dma_wait3A_30 = arith.constant 9840 : i32
    %dma_wait3A_31 = tpu.memref_slice %arg7[%dma_wait3A_30] : memref<10000xi32, #tpu.memory_space<vmem>> -> memref<80xi32, #tpu.memory_space<vmem>>
    %dma_wait3A_32 = arith.constant 0 : i32
    %dma_wait3A_33 = arith.constant 0 : i32
    %dma_wait3A_34 = tpu.memref_slice %arg2[%dma_wait3A_32, %dma_wait3A_33] : memref<10000x128xf32, #tpu.memory_space<hbm>> -> memref<10000x128xf32, #tpu.memory_space<hbm>>
    tpu.wait_indirect_dma semaphore(%arg13 : memref<!tpu.dma_semaphore, #tpu.memory_space<semaphore_mem>>) src(%dma_wait3A_34 : memref<10000x128xf32, #tpu.memory_space<hbm>>) dst(%arg10 : memref<80x128xf32, #tpu.memory_space<vmem>>)
    %run_scoped3A_35 = arith.constant 123 : i32
    "tpu.region"() ({
      %run_scoped3A_50 = tpu.sem_alloc : memref<!tpu.dma_semaphore, #tpu.memory_space<semaphore_mem>>
      %dma_start3A_51 = arith.constant 0 : i32
      %dma_start3A_52 = tpu.memref_slice %arg8[%run_scoped3A_35, %dma_start3A_51] : memref<125x80xi32, #tpu.memory_space<vmem>> -> memref<1x80xi32, #tpu.memory_space<vmem>>
      %dma_start3A_53 = tpu.memref_squeeze %dma_start3A_52 : memref<1x80xi32, #tpu.memory_space<vmem>> -> memref<80xi32, #tpu.memory_space<vmem>>
      %dma_start3A_54 = arith.constant 0 : i32
      %dma_start3A_55 = arith.constant 0 : i32
      %dma_start3A_56 = tpu.memref_slice %arg11[%dma_start3A_54, %dma_start3A_55] : memref<10000x128xf32, #tpu.memory_space<vmem_shared>> -> memref<10000x128xf32, #tpu.memory_space<vmem_shared>>
      tpu.enqueue_indirect_dma source(%arg10 : memref<80x128xf32, #tpu.memory_space<vmem>>) target(%dma_start3A_56 : memref<10000x128xf32, #tpu.memory_space<vmem_shared>>) offsets(%dma_start3A_53 : memref<80xi32, #tpu.memory_space<vmem>>) semaphore(%run_scoped3A_50 : memref<!tpu.dma_semaphore, #tpu.memory_space<semaphore_mem>>) {add = true}
      %dma_wait3A_57 = arith.constant 0 : i32
      %dma_wait3A_58 = tpu.memref_slice %arg8[%run_scoped3A_35, %dma_wait3A_57] : memref<125x80xi32, #tpu.memory_space<vmem>> -> memref<1x80xi32, #tpu.memory_space<vmem>>
      %dma_wait3A_59 = tpu.memref_squeeze %dma_wait3A_58 : memref<1x80xi32, #tpu.memory_space<vmem>> -> memref<80xi32, #tpu.memory_space<vmem>>
      %dma_wait3A_60 = arith.constant 0 : i32
      %dma_wait3A_61 = arith.constant 0 : i32
      %dma_wait3A_62 = tpu.memref_slice %arg11[%dma_wait3A_60, %dma_wait3A_61] : memref<10000x128xf32, #tpu.memory_space<vmem_shared>> -> memref<10000x128xf32, #tpu.memory_space<vmem_shared>>
      tpu.wait_indirect_dma semaphore(%run_scoped3A_50 : memref<!tpu.dma_semaphore, #tpu.memory_space<semaphore_mem>>) src(%arg10 : memref<80x128xf32, #tpu.memory_space<vmem>>) dst(%dma_wait3A_62 : memref<10000x128xf32, #tpu.memory_space<vmem_shared>>)
      tpu.yield
    }) : () -> ()
    %dma_wait3A_36 = arith.constant 9920 : i32
    %dma_wait3A_37 = tpu.memref_slice %arg7[%dma_wait3A_36] : memref<10000xi32, #tpu.memory_space<vmem>> -> memref<80xi32, #tpu.memory_space<vmem>>
    %dma_wait3A_38 = arith.constant 0 : i32
    %dma_wait3A_39 = arith.constant 0 : i32
    %dma_wait3A_40 = tpu.memref_slice %arg2[%dma_wait3A_38, %dma_wait3A_39] : memref<10000x128xf32, #tpu.memory_space<hbm>> -> memref<10000x128xf32, #tpu.memory_space<hbm>>
    tpu.wait_indirect_dma semaphore(%arg12 : memref<!tpu.dma_semaphore, #tpu.memory_space<semaphore_mem>>) src(%dma_wait3A_40 : memref<10000x128xf32, #tpu.memory_space<hbm>>) dst(%arg9 : memref<80x128xf32, #tpu.memory_space<vmem>>)
    %run_scoped3A_41 = arith.constant 124 : i32
    "tpu.region"() ({
      %run_scoped3A_50 = tpu.sem_alloc : memref<!tpu.dma_semaphore, #tpu.memory_space<semaphore_mem>>
      %dma_start3A_51 = arith.constant 0 : i32
      %dma_start3A_52 = tpu.memref_slice %arg8[%run_scoped3A_41, %dma_start3A_51] : memref<125x80xi32, #tpu.memory_space<vmem>> -> memref<1x80xi32, #tpu.memory_space<vmem>>
      %dma_start3A_53 = tpu.memref_squeeze %dma_start3A_52 : memref<1x80xi32, #tpu.memory_space<vmem>> -> memref<80xi32, #tpu.memory_space<vmem>>
      %dma_start3A_54 = arith.constant 0 : i32
      %dma_start3A_55 = arith.constant 0 : i32
      %dma_start3A_56 = tpu.memref_slice %arg11[%dma_start3A_54, %dma_start3A_55] : memref<10000x128xf32, #tpu.memory_space<vmem_shared>> -> memref<10000x128xf32, #tpu.memory_space<vmem_shared>>
      tpu.enqueue_indirect_dma source(%arg9 : memref<80x128xf32, #tpu.memory_space<vmem>>) target(%dma_start3A_56 : memref<10000x128xf32, #tpu.memory_space<vmem_shared>>) offsets(%dma_start3A_53 : memref<80xi32, #tpu.memory_space<vmem>>) semaphore(%run_scoped3A_50 : memref<!tpu.dma_semaphore, #tpu.memory_space<semaphore_mem>>) {add = true}
      %dma_wait3A_57 = arith.constant 0 : i32
      %dma_wait3A_58 = tpu.memref_slice %arg8[%run_scoped3A_41, %dma_wait3A_57] : memref<125x80xi32, #tpu.memory_space<vmem>> -> memref<1x80xi32, #tpu.memory_space<vmem>>
      %dma_wait3A_59 = tpu.memref_squeeze %dma_wait3A_58 : memref<1x80xi32, #tpu.memory_space<vmem>> -> memref<80xi32, #tpu.memory_space<vmem>>
      %dma_wait3A_60 = arith.constant 0 : i32
      %dma_wait3A_61 = arith.constant 0 : i32
      %dma_wait3A_62 = tpu.memref_slice %arg11[%dma_wait3A_60, %dma_wait3A_61] : memref<10000x128xf32, #tpu.memory_space<vmem_shared>> -> memref<10000x128xf32, #tpu.memory_space<vmem_shared>>
      tpu.wait_indirect_dma semaphore(%run_scoped3A_50 : memref<!tpu.dma_semaphore, #tpu.memory_space<semaphore_mem>>) src(%arg9 : memref<80x128xf32, #tpu.memory_space<vmem>>) dst(%dma_wait3A_62 : memref<10000x128xf32, #tpu.memory_space<vmem_shared>>)
      tpu.yield
    }) : () -> ()
    %barrier3A_42 = arith.constant 0 : index
    tpu.barrier barrier_id(%barrier3A_42)
    %mul3A_43 = arith.constant 624 : i32
    %mul3A_44 = arith.muli %arg1, %mul3A_43 : i32
    "tpu.region"() ({
      %run_scoped3A_50 = tpu.sem_alloc : memref<!tpu.dma_semaphore, #tpu.memory_space<semaphore_mem>>
      %dma_start3A_51 = arith.constant 0 : i32
      %dma_start3A_52 = tpu.memref_slice %arg6[%arg0, %mul3A_44, %dma_start3A_51] : memref<2x10000x128xf32, #tpu.memory_space<hbm>> -> memref<1x624x128xf32, #tpu.memory_space<hbm>>
      %dma_start3A_53 = tpu.memref_squeeze %dma_start3A_52 : memref<1x624x128xf32, #tpu.memory_space<hbm>> -> memref<624x128xf32, #tpu.memory_space<hbm>>
      %dma_start3A_54 = arith.constant 0 : i32
      %dma_start3A_55 = tpu.memref_slice %arg11[%mul3A_44, %dma_start3A_54] : memref<10000x128xf32, #tpu.memory_space<vmem_shared>> -> memref<624x128xf32, #tpu.memory_space<vmem_shared>>
      tpu.enqueue_dma source(%dma_start3A_55 : memref<624x128xf32, #tpu.memory_space<vmem_shared>>) target(%dma_start3A_53 : memref<624x128xf32, #tpu.memory_space<hbm>>) target_semaphore(%run_scoped3A_50 : memref<!tpu.dma_semaphore, #tpu.memory_space<semaphore_mem>>)
      %dma_wait3A_56 = arith.constant 0 : i32
      %dma_wait3A_57 = tpu.memref_slice %arg6[%arg0, %mul3A_44, %dma_wait3A_56] : memref<2x10000x128xf32, #tpu.memory_space<hbm>> -> memref<1x624x128xf32, #tpu.memory_space<hbm>>
      %dma_wait3A_58 = tpu.memref_squeeze %dma_wait3A_57 : memref<1x624x128xf32, #tpu.memory_space<hbm>> -> memref<624x128xf32, #tpu.memory_space<hbm>>
      %dma_wait3A_59 = arith.constant 0 : i32
      %dma_wait3A_60 = tpu.memref_slice %arg11[%mul3A_44, %dma_wait3A_59] : memref<10000x128xf32, #tpu.memory_space<vmem_shared>> -> memref<624x128xf32, #tpu.memory_space<vmem_shared>>
      tpu.wait_dma2 semaphore(%run_scoped3A_50 : memref<!tpu.dma_semaphore, #tpu.memory_space<semaphore_mem>>) src(%dma_wait3A_60 : memref<624x128xf32, #tpu.memory_space<vmem_shared>>) dst(%dma_wait3A_58 : memref<624x128xf32, #tpu.memory_space<hbm>>)
      tpu.yield
    }) : () -> ()
    %eq3A_45 = arith.constant 0 : i32
    %eq3A_46 = arith.cmpi eq, %arg1, %eq3A_45 : i32
    %convert_element_type3A_47 = arith.extui %eq3A_46 : i1 to i32
    %cond3A_48 = arith.constant 0 : i32
    %cond3A_49 = arith.cmpi ne, %convert_element_type3A_47, %cond3A_48 : i32
    scf.if %cond3A_49 {
      "tpu.region"() ({
        %run_scoped3A_50 = tpu.sem_alloc : memref<!tpu.dma_semaphore, #tpu.memory_space<semaphore_mem>>
        %dma_start3A_51 = arith.constant 9984 : i32
        %dma_start3A_52 = arith.constant 0 : i32
        %dma_start3A_53 = tpu.memref_slice %arg6[%arg0, %dma_start3A_51, %dma_start3A_52] : memref<2x10000x128xf32, #tpu.memory_space<hbm>> -> memref<1x16x128xf32, #tpu.memory_space<hbm>>
        %dma_start3A_54 = tpu.memref_squeeze %dma_start3A_53 : memref<1x16x128xf32, #tpu.memory_space<hbm>> -> memref<16x128xf32, #tpu.memory_space<hbm>>
        %dma_start3A_55 = arith.constant 9984 : i32
        %dma_start3A_56 = arith.constant 0 : i32
        %dma_start3A_57 = tpu.memref_slice %arg11[%dma_start3A_55, %dma_start3A_56] : memref<10000x128xf32, #tpu.memory_space<vmem_shared>> -> memref<16x128xf32, #tpu.memory_space<vmem_shared>>
        tpu.enqueue_dma source(%dma_start3A_57 : memref<16x128xf32, #tpu.memory_space<vmem_shared>>) target(%dma_start3A_54 : memref<16x128xf32, #tpu.memory_space<hbm>>) target_semaphore(%run_scoped3A_50 : memref<!tpu.dma_semaphore, #tpu.memory_space<semaphore_mem>>)
        %dma_wait3A_58 = arith.constant 9984 : i32
        %dma_wait3A_59 = arith.constant 0 : i32
        %dma_wait3A_60 = tpu.memref_slice %arg6[%arg0, %dma_wait3A_58, %dma_wait3A_59] : memref<2x10000x128xf32, #tpu.memory_space<hbm>> -> memref<1x16x128xf32, #tpu.memory_space<hbm>>
        %dma_wait3A_61 = tpu.memref_squeeze %dma_wait3A_60 : memref<1x16x128xf32, #tpu.memory_space<hbm>> -> memref<16x128xf32, #tpu.memory_space<hbm>>
        %dma_wait3A_62 = arith.constant 9984 : i32
        %dma_wait3A_63 = arith.constant 0 : i32
        %dma_wait3A_64 = tpu.memref_slice %arg11[%dma_wait3A_62, %dma_wait3A_63] : memref<10000x128xf32, #tpu.memory_space<vmem_shared>> -> memref<16x128xf32, #tpu.memory_space<vmem_shared>>
        tpu.wait_dma2 semaphore(%run_scoped3A_50 : memref<!tpu.dma_semaphore, #tpu.memory_space<semaphore_mem>>) src(%dma_wait3A_64 : memref<16x128xf32, #tpu.memory_space<vmem_shared>>) dst(%dma_wait3A_61 : memref<16x128xf32, #tpu.memory_space<hbm>>)
        tpu.yield
      }) : () -> ()
    } else {
    }
    return
  }
}

#map = affine_map<(d0, d1) -> (0, 0, 0)>
#map1 = affine_map<(d0, d1) -> (0, 0)>
module attributes {stable_mosaic.version = 14 : i64} {
  func.func @degree_kernel(%arg0: i32, %arg1: i32, %arg2: memref<2x10000x8xf32, #tpu.memory_space<hbm>>, %arg3: memref<80x8xf32, #tpu.memory_space<hbm>>, %arg4: memref<32x125x80xi32, #tpu.memory_space<hbm>>, %arg5: memref<2x10000x8xf32, #tpu.memory_space<hbm>>, %arg6: memref<125x80xi32, #tpu.memory_space<vmem>>, %arg7: memref<80x8xf32, #tpu.memory_space<vmem>>, %arg8: memref<10000x8xf32, #tpu.memory_space<vmem_shared>>, %arg9: memref<!tpu.dma_semaphore, #tpu.memory_space<semaphore_mem>>) attributes {dimension_semantics = [#tpu.dimension_semantics<core_parallel>, #tpu.dimension_semantics<subcore_parallel>], iteration_bounds = array<i64: 2, 16>, scalar_prefetch = 0 : i64, scratch_operands = 4 : i64, tpu.core_type = #tpu.core_type<sc_vector_subcore>, window_params = [{transform_indices = #map}, {transform_indices = #map1}, {transform_indices = #map}, {transform_indices = #map}]} {
    %mul3A = arith.constant 16 : i32
    %mul3A_0 = arith.muli %arg0, %mul3A : i32
    %add3A = arith.addi %mul3A_0, %arg1 : i32
    %mul3A_1 = arith.constant 624 : i32
    %mul3A_2 = arith.muli %arg1, %mul3A_1 : i32
    "tpu.region"() ({
      %run_scoped3A = tpu.sem_alloc : memref<!tpu.dma_semaphore, #tpu.memory_space<semaphore_mem>>
      %dma_start3A = arith.constant 0 : i32
      %dma_start3A_24 = tpu.memref_slice %arg8[%mul3A_2, %dma_start3A] : memref<10000x8xf32, #tpu.memory_space<vmem_shared>> -> memref<624x8xf32, #tpu.memory_space<vmem_shared>>
      %dma_start3A_25 = arith.constant 0 : i32
      %dma_start3A_26 = arith.constant 0 : i32
      %dma_start3A_27 = tpu.memref_slice %arg2[%arg0, %dma_start3A_25, %dma_start3A_26] : memref<2x10000x8xf32, #tpu.memory_space<hbm>> -> memref<1x10000x8xf32, #tpu.memory_space<hbm>>
      %dma_start3A_28 = tpu.memref_squeeze %dma_start3A_27 : memref<1x10000x8xf32, #tpu.memory_space<hbm>> -> memref<10000x8xf32, #tpu.memory_space<hbm>>
      %dma_start3A_29 = arith.constant 0 : i32
      %dma_start3A_30 = tpu.memref_slice %dma_start3A_28[%mul3A_2, %dma_start3A_29] : memref<10000x8xf32, #tpu.memory_space<hbm>> -> memref<624x8xf32, #tpu.memory_space<hbm>>
      tpu.enqueue_dma source(%dma_start3A_30 : memref<624x8xf32, #tpu.memory_space<hbm>>) target(%dma_start3A_24 : memref<624x8xf32, #tpu.memory_space<vmem_shared>>) target_semaphore(%run_scoped3A : memref<!tpu.dma_semaphore, #tpu.memory_space<semaphore_mem>>)
      %dma_wait3A = arith.constant 0 : i32
      %dma_wait3A_31 = tpu.memref_slice %arg8[%mul3A_2, %dma_wait3A] : memref<10000x8xf32, #tpu.memory_space<vmem_shared>> -> memref<624x8xf32, #tpu.memory_space<vmem_shared>>
      %dma_wait3A_32 = arith.constant 0 : i32
      %dma_wait3A_33 = arith.constant 0 : i32
      %dma_wait3A_34 = tpu.memref_slice %arg2[%arg0, %dma_wait3A_32, %dma_wait3A_33] : memref<2x10000x8xf32, #tpu.memory_space<hbm>> -> memref<1x10000x8xf32, #tpu.memory_space<hbm>>
      %dma_wait3A_35 = tpu.memref_squeeze %dma_wait3A_34 : memref<1x10000x8xf32, #tpu.memory_space<hbm>> -> memref<10000x8xf32, #tpu.memory_space<hbm>>
      %dma_wait3A_36 = arith.constant 0 : i32
      %dma_wait3A_37 = tpu.memref_slice %dma_wait3A_35[%mul3A_2, %dma_wait3A_36] : memref<10000x8xf32, #tpu.memory_space<hbm>> -> memref<624x8xf32, #tpu.memory_space<hbm>>
      tpu.wait_dma2 semaphore(%run_scoped3A : memref<!tpu.dma_semaphore, #tpu.memory_space<semaphore_mem>>) src(%dma_wait3A_37 : memref<624x8xf32, #tpu.memory_space<hbm>>) dst(%dma_wait3A_31 : memref<624x8xf32, #tpu.memory_space<vmem_shared>>)
      tpu.yield
    }) : () -> ()
    %eq3A = arith.constant 0 : i32
    %eq3A_3 = arith.cmpi eq, %arg1, %eq3A : i32
    %convert_element_type3A = arith.extui %eq3A_3 : i1 to i32
    %cond3A = arith.constant 0 : i32
    %cond3A_4 = arith.cmpi ne, %convert_element_type3A, %cond3A : i32
    scf.if %cond3A_4 {
      "tpu.region"() ({
        %run_scoped3A = tpu.sem_alloc : memref<!tpu.dma_semaphore, #tpu.memory_space<semaphore_mem>>
        %dma_start3A = arith.constant 9984 : i32
        %dma_start3A_24 = arith.constant 0 : i32
        %dma_start3A_25 = tpu.memref_slice %arg8[%dma_start3A, %dma_start3A_24] : memref<10000x8xf32, #tpu.memory_space<vmem_shared>> -> memref<16x8xf32, #tpu.memory_space<vmem_shared>>
        %dma_start3A_26 = arith.constant 0 : i32
        %dma_start3A_27 = arith.constant 0 : i32
        %dma_start3A_28 = tpu.memref_slice %arg2[%arg0, %dma_start3A_26, %dma_start3A_27] : memref<2x10000x8xf32, #tpu.memory_space<hbm>> -> memref<1x10000x8xf32, #tpu.memory_space<hbm>>
        %dma_start3A_29 = tpu.memref_squeeze %dma_start3A_28 : memref<1x10000x8xf32, #tpu.memory_space<hbm>> -> memref<10000x8xf32, #tpu.memory_space<hbm>>
        %dma_start3A_30 = arith.constant 9984 : i32
        %dma_start3A_31 = arith.constant 0 : i32
        %dma_start3A_32 = tpu.memref_slice %dma_start3A_29[%dma_start3A_30, %dma_start3A_31] : memref<10000x8xf32, #tpu.memory_space<hbm>> -> memref<16x8xf32, #tpu.memory_space<hbm>>
        tpu.enqueue_dma source(%dma_start3A_32 : memref<16x8xf32, #tpu.memory_space<hbm>>) target(%dma_start3A_25 : memref<16x8xf32, #tpu.memory_space<vmem_shared>>) target_semaphore(%run_scoped3A : memref<!tpu.dma_semaphore, #tpu.memory_space<semaphore_mem>>)
        %dma_wait3A = arith.constant 9984 : i32
        %dma_wait3A_33 = arith.constant 0 : i32
        %dma_wait3A_34 = tpu.memref_slice %arg8[%dma_wait3A, %dma_wait3A_33] : memref<10000x8xf32, #tpu.memory_space<vmem_shared>> -> memref<16x8xf32, #tpu.memory_space<vmem_shared>>
        %dma_wait3A_35 = arith.constant 0 : i32
        %dma_wait3A_36 = arith.constant 0 : i32
        %dma_wait3A_37 = tpu.memref_slice %arg2[%arg0, %dma_wait3A_35, %dma_wait3A_36] : memref<2x10000x8xf32, #tpu.memory_space<hbm>> -> memref<1x10000x8xf32, #tpu.memory_space<hbm>>
        %dma_wait3A_38 = tpu.memref_squeeze %dma_wait3A_37 : memref<1x10000x8xf32, #tpu.memory_space<hbm>> -> memref<10000x8xf32, #tpu.memory_space<hbm>>
        %dma_wait3A_39 = arith.constant 9984 : i32
        %dma_wait3A_40 = arith.constant 0 : i32
        %dma_wait3A_41 = tpu.memref_slice %dma_wait3A_38[%dma_wait3A_39, %dma_wait3A_40] : memref<10000x8xf32, #tpu.memory_space<hbm>> -> memref<16x8xf32, #tpu.memory_space<hbm>>
        tpu.wait_dma2 semaphore(%run_scoped3A : memref<!tpu.dma_semaphore, #tpu.memory_space<semaphore_mem>>) src(%dma_wait3A_41 : memref<16x8xf32, #tpu.memory_space<hbm>>) dst(%dma_wait3A_34 : memref<16x8xf32, #tpu.memory_space<vmem_shared>>)
        tpu.yield
      }) : () -> ()
    } else {
    }
    "tpu.region"() ({
      %run_scoped3A = tpu.sem_alloc : memref<!tpu.dma_semaphore, #tpu.memory_space<semaphore_mem>>
      tpu.enqueue_dma source(%arg3 : memref<80x8xf32, #tpu.memory_space<hbm>>) target(%arg7 : memref<80x8xf32, #tpu.memory_space<vmem>>) target_semaphore(%run_scoped3A : memref<!tpu.dma_semaphore, #tpu.memory_space<semaphore_mem>>)
      tpu.wait_dma2 semaphore(%run_scoped3A : memref<!tpu.dma_semaphore, #tpu.memory_space<semaphore_mem>>) src(%arg3 : memref<80x8xf32, #tpu.memory_space<hbm>>) dst(%arg7 : memref<80x8xf32, #tpu.memory_space<vmem>>)
      tpu.yield
    }) : () -> ()
    "tpu.region"() ({
      %run_scoped3A = tpu.sem_alloc : memref<!tpu.dma_semaphore, #tpu.memory_space<semaphore_mem>>
      %dma_start3A = arith.constant 0 : i32
      %dma_start3A_24 = arith.constant 0 : i32
      %dma_start3A_25 = tpu.memref_slice %arg4[%add3A, %dma_start3A, %dma_start3A_24] : memref<32x125x80xi32, #tpu.memory_space<hbm>> -> memref<1x125x80xi32, #tpu.memory_space<hbm>>
      %dma_start3A_26 = tpu.memref_squeeze %dma_start3A_25 : memref<1x125x80xi32, #tpu.memory_space<hbm>> -> memref<125x80xi32, #tpu.memory_space<hbm>>
      %dma_start3A_27 = arith.constant 0 : i32
      %dma_start3A_28 = arith.constant 0 : i32
      %dma_start3A_29 = tpu.memref_slice %arg4[%add3A, %dma_start3A_27, %dma_start3A_28] : memref<32x125x80xi32, #tpu.memory_space<hbm>> -> memref<1x125x80xi32, #tpu.memory_space<hbm>>
      %dma_start3A_30 = tpu.memref_squeeze %dma_start3A_29 : memref<1x125x80xi32, #tpu.memory_space<hbm>> -> memref<125x80xi32, #tpu.memory_space<hbm>>
      tpu.enqueue_dma source(%dma_start3A_30 : memref<125x80xi32, #tpu.memory_space<hbm>>) target(%arg6 : memref<125x80xi32, #tpu.memory_space<vmem>>) target_semaphore(%run_scoped3A : memref<!tpu.dma_semaphore, #tpu.memory_space<semaphore_mem>>)
      %dma_wait3A = arith.constant 0 : i32
      %dma_wait3A_31 = arith.constant 0 : i32
      %dma_wait3A_32 = tpu.memref_slice %arg4[%add3A, %dma_wait3A, %dma_wait3A_31] : memref<32x125x80xi32, #tpu.memory_space<hbm>> -> memref<1x125x80xi32, #tpu.memory_space<hbm>>
      %dma_wait3A_33 = tpu.memref_squeeze %dma_wait3A_32 : memref<1x125x80xi32, #tpu.memory_space<hbm>> -> memref<125x80xi32, #tpu.memory_space<hbm>>
      %dma_wait3A_34 = arith.constant 0 : i32
      %dma_wait3A_35 = arith.constant 0 : i32
      %dma_wait3A_36 = tpu.memref_slice %arg4[%add3A, %dma_wait3A_34, %dma_wait3A_35] : memref<32x125x80xi32, #tpu.memory_space<hbm>> -> memref<1x125x80xi32, #tpu.memory_space<hbm>>
      %dma_wait3A_37 = tpu.memref_squeeze %dma_wait3A_36 : memref<1x125x80xi32, #tpu.memory_space<hbm>> -> memref<125x80xi32, #tpu.memory_space<hbm>>
      tpu.wait_dma2 semaphore(%run_scoped3A : memref<!tpu.dma_semaphore, #tpu.memory_space<semaphore_mem>>) src(%dma_wait3A_37 : memref<125x80xi32, #tpu.memory_space<hbm>>) dst(%arg6 : memref<125x80xi32, #tpu.memory_space<vmem>>)
      tpu.yield
    }) : () -> ()
    %barrier3A = arith.constant 0 : index
    tpu.barrier barrier_id(%barrier3A)
    %scan3A = arith.constant 0 : i32
    %scan3A_5 = arith.constant 0 : i32
    %scan3A_6 = arith.constant 125 : i32
    %scan3A_7 = arith.addi %scan3A_5, %scan3A_6 : i32
    %scan3A_8 = arith.constant 1 : i32
    scf.for %scan3A_24 = %scan3A_5 to %scan3A_7 step %scan3A_8  : i32 {
      %dma_start3A = arith.constant 0 : i32
      %dma_start3A_25 = tpu.memref_slice %arg6[%scan3A_24, %dma_start3A] : memref<125x80xi32, #tpu.memory_space<vmem>> -> memref<1x80xi32, #tpu.memory_space<vmem>>
      %dma_start3A_26 = tpu.memref_squeeze %dma_start3A_25 : memref<1x80xi32, #tpu.memory_space<vmem>> -> memref<80xi32, #tpu.memory_space<vmem>>
      %dma_start3A_27 = arith.constant 0 : i32
      %dma_start3A_28 = arith.constant 0 : i32
      %dma_start3A_29 = tpu.memref_slice %arg8[%dma_start3A_27, %dma_start3A_28] : memref<10000x8xf32, #tpu.memory_space<vmem_shared>> -> memref<10000x8xf32, #tpu.memory_space<vmem_shared>>
      tpu.enqueue_indirect_dma source(%arg7 : memref<80x8xf32, #tpu.memory_space<vmem>>) target(%dma_start3A_29 : memref<10000x8xf32, #tpu.memory_space<vmem_shared>>) offsets(%dma_start3A_26 : memref<80xi32, #tpu.memory_space<vmem>>) semaphore(%arg9 : memref<!tpu.dma_semaphore, #tpu.memory_space<semaphore_mem>>) {add = true}
    }
    %scan3A_9 = arith.constant 125 : i32
    %scan3A_10 = arith.constant 0 : i32
    %scan3A_11 = arith.constant 0 : i32
    %scan3A_12 = arith.constant 125 : i32
    %scan3A_13 = arith.addi %scan3A_11, %scan3A_12 : i32
    %scan3A_14 = arith.constant 1 : i32
    scf.for %scan3A_24 = %scan3A_11 to %scan3A_13 step %scan3A_14  : i32 {
      %dma_wait3A = arith.constant 0 : i32
      %dma_wait3A_25 = tpu.memref_slice %arg6[%scan3A_24, %dma_wait3A] : memref<125x80xi32, #tpu.memory_space<vmem>> -> memref<1x80xi32, #tpu.memory_space<vmem>>
      %dma_wait3A_26 = tpu.memref_squeeze %dma_wait3A_25 : memref<1x80xi32, #tpu.memory_space<vmem>> -> memref<80xi32, #tpu.memory_space<vmem>>
      %dma_wait3A_27 = arith.constant 0 : i32
      %dma_wait3A_28 = arith.constant 0 : i32
      %dma_wait3A_29 = tpu.memref_slice %arg8[%dma_wait3A_27, %dma_wait3A_28] : memref<10000x8xf32, #tpu.memory_space<vmem_shared>> -> memref<10000x8xf32, #tpu.memory_space<vmem_shared>>
      tpu.wait_indirect_dma semaphore(%arg9 : memref<!tpu.dma_semaphore, #tpu.memory_space<semaphore_mem>>) src(%arg7 : memref<80x8xf32, #tpu.memory_space<vmem>>) dst(%dma_wait3A_29 : memref<10000x8xf32, #tpu.memory_space<vmem_shared>>)
    }
    %scan3A_15 = arith.constant 125 : i32
    %barrier3A_16 = arith.constant 0 : index
    tpu.barrier barrier_id(%barrier3A_16)
    %mul3A_17 = arith.constant 624 : i32
    %mul3A_18 = arith.muli %arg1, %mul3A_17 : i32
    "tpu.region"() ({
      %run_scoped3A = tpu.sem_alloc : memref<!tpu.dma_semaphore, #tpu.memory_space<semaphore_mem>>
      %dma_start3A = arith.constant 0 : i32
      %dma_start3A_24 = tpu.memref_slice %arg5[%arg0, %mul3A_18, %dma_start3A] : memref<2x10000x8xf32, #tpu.memory_space<hbm>> -> memref<1x624x8xf32, #tpu.memory_space<hbm>>
      %dma_start3A_25 = tpu.memref_squeeze %dma_start3A_24 : memref<1x624x8xf32, #tpu.memory_space<hbm>> -> memref<624x8xf32, #tpu.memory_space<hbm>>
      %dma_start3A_26 = arith.constant 0 : i32
      %dma_start3A_27 = tpu.memref_slice %arg8[%mul3A_18, %dma_start3A_26] : memref<10000x8xf32, #tpu.memory_space<vmem_shared>> -> memref<624x8xf32, #tpu.memory_space<vmem_shared>>
      tpu.enqueue_dma source(%dma_start3A_27 : memref<624x8xf32, #tpu.memory_space<vmem_shared>>) target(%dma_start3A_25 : memref<624x8xf32, #tpu.memory_space<hbm>>) target_semaphore(%run_scoped3A : memref<!tpu.dma_semaphore, #tpu.memory_space<semaphore_mem>>)
      %dma_wait3A = arith.constant 0 : i32
      %dma_wait3A_28 = tpu.memref_slice %arg5[%arg0, %mul3A_18, %dma_wait3A] : memref<2x10000x8xf32, #tpu.memory_space<hbm>> -> memref<1x624x8xf32, #tpu.memory_space<hbm>>
      %dma_wait3A_29 = tpu.memref_squeeze %dma_wait3A_28 : memref<1x624x8xf32, #tpu.memory_space<hbm>> -> memref<624x8xf32, #tpu.memory_space<hbm>>
      %dma_wait3A_30 = arith.constant 0 : i32
      %dma_wait3A_31 = tpu.memref_slice %arg8[%mul3A_18, %dma_wait3A_30] : memref<10000x8xf32, #tpu.memory_space<vmem_shared>> -> memref<624x8xf32, #tpu.memory_space<vmem_shared>>
      tpu.wait_dma2 semaphore(%run_scoped3A : memref<!tpu.dma_semaphore, #tpu.memory_space<semaphore_mem>>) src(%dma_wait3A_31 : memref<624x8xf32, #tpu.memory_space<vmem_shared>>) dst(%dma_wait3A_29 : memref<624x8xf32, #tpu.memory_space<hbm>>)
      tpu.yield
    }) : () -> ()
    %eq3A_19 = arith.constant 0 : i32
    %eq3A_20 = arith.cmpi eq, %arg1, %eq3A_19 : i32
    %convert_element_type3A_21 = arith.extui %eq3A_20 : i1 to i32
    %cond3A_22 = arith.constant 0 : i32
    %cond3A_23 = arith.cmpi ne, %convert_element_type3A_21, %cond3A_22 : i32
    scf.if %cond3A_23 {
      "tpu.region"() ({
        %run_scoped3A = tpu.sem_alloc : memref<!tpu.dma_semaphore, #tpu.memory_space<semaphore_mem>>
        %dma_start3A = arith.constant 9984 : i32
        %dma_start3A_24 = arith.constant 0 : i32
        %dma_start3A_25 = tpu.memref_slice %arg5[%arg0, %dma_start3A, %dma_start3A_24] : memref<2x10000x8xf32, #tpu.memory_space<hbm>> -> memref<1x16x8xf32, #tpu.memory_space<hbm>>
        %dma_start3A_26 = tpu.memref_squeeze %dma_start3A_25 : memref<1x16x8xf32, #tpu.memory_space<hbm>> -> memref<16x8xf32, #tpu.memory_space<hbm>>
        %dma_start3A_27 = arith.constant 9984 : i32
        %dma_start3A_28 = arith.constant 0 : i32
        %dma_start3A_29 = tpu.memref_slice %arg8[%dma_start3A_27, %dma_start3A_28] : memref<10000x8xf32, #tpu.memory_space<vmem_shared>> -> memref<16x8xf32, #tpu.memory_space<vmem_shared>>
        tpu.enqueue_dma source(%dma_start3A_29 : memref<16x8xf32, #tpu.memory_space<vmem_shared>>) target(%dma_start3A_26 : memref<16x8xf32, #tpu.memory_space<hbm>>) target_semaphore(%run_scoped3A : memref<!tpu.dma_semaphore, #tpu.memory_space<semaphore_mem>>)
        %dma_wait3A = arith.constant 9984 : i32
        %dma_wait3A_30 = arith.constant 0 : i32
        %dma_wait3A_31 = tpu.memref_slice %arg5[%arg0, %dma_wait3A, %dma_wait3A_30] : memref<2x10000x8xf32, #tpu.memory_space<hbm>> -> memref<1x16x8xf32, #tpu.memory_space<hbm>>
        %dma_wait3A_32 = tpu.memref_squeeze %dma_wait3A_31 : memref<1x16x8xf32, #tpu.memory_space<hbm>> -> memref<16x8xf32, #tpu.memory_space<hbm>>
        %dma_wait3A_33 = arith.constant 9984 : i32
        %dma_wait3A_34 = arith.constant 0 : i32
        %dma_wait3A_35 = tpu.memref_slice %arg8[%dma_wait3A_33, %dma_wait3A_34] : memref<10000x8xf32, #tpu.memory_space<vmem_shared>> -> memref<16x8xf32, #tpu.memory_space<vmem_shared>>
        tpu.wait_dma2 semaphore(%run_scoped3A : memref<!tpu.dma_semaphore, #tpu.memory_space<semaphore_mem>>) src(%dma_wait3A_35 : memref<16x8xf32, #tpu.memory_space<vmem_shared>>) dst(%dma_wait3A_32 : memref<16x8xf32, #tpu.memory_space<hbm>>)
        tpu.yield
      }) : () -> ()
    } else {
    }
    return
  }
}

#map = affine_map<(d0, d1) -> (0, 0)>
#map1 = affine_map<(d0, d1) -> (0, 0, 0)>
module attributes {stable_mosaic.version = 14 : i64} {
  func.func @scatter_kernel(%arg0: i32, %arg1: i32, %arg2: memref<10000x128xf32, #tpu.memory_space<hbm>>, %arg3: memref<10000x128xf32, #tpu.memory_space<hbm>>, %arg4: memref<32x10000xi32, #tpu.memory_space<hbm>>, %arg5: memref<32x125x80xi32, #tpu.memory_space<hbm>>, %arg6: memref<2x10000x128xf32, #tpu.memory_space<hbm>>, %arg7: memref<10000xi32, #tpu.memory_space<vmem>>, %arg8: memref<125x80xi32, #tpu.memory_space<vmem>>, %arg9: memref<80x128xf32, #tpu.memory_space<vmem>>, %arg10: memref<80x128xf32, #tpu.memory_space<vmem>>, %arg11: memref<10000x128xf32, #tpu.memory_space<vmem_shared>>, %arg12: memref<!tpu.dma_semaphore, #tpu.memory_space<semaphore_mem>>, %arg13: memref<!tpu.dma_semaphore, #tpu.memory_space<semaphore_mem>>) attributes {dimension_semantics = [#tpu.dimension_semantics<core_parallel>, #tpu.dimension_semantics<subcore_parallel>], iteration_bounds = array<i64: 2, 16>, scalar_prefetch = 0 : i64, scratch_operands = 7 : i64, tpu.core_type = #tpu.core_type<sc_vector_subcore>, window_params = [{transform_indices = #map}, {transform_indices = #map}, {transform_indices = #map}, {transform_indices = #map1}, {transform_indices = #map1}]} {
    %mul3A = arith.constant 16 : i32
    %mul3A_0 = arith.muli %arg0, %mul3A : i32
    %add3A = arith.addi %mul3A_0, %arg1 : i32
    "tpu.region"() ({
      %run_scoped3A_50 = tpu.sem_alloc : memref<!tpu.dma_semaphore, #tpu.memory_space<semaphore_mem>>
      %dma_start3A_51 = arith.constant 0 : i32
      %dma_start3A_52 = tpu.memref_slice %arg4[%add3A, %dma_start3A_51] : memref<32x10000xi32, #tpu.memory_space<hbm>> -> memref<1x10000xi32, #tpu.memory_space<hbm>>
      %dma_start3A_53 = tpu.memref_squeeze %dma_start3A_52 : memref<1x10000xi32, #tpu.memory_space<hbm>> -> memref<10000xi32, #tpu.memory_space<hbm>>
      %dma_start3A_54 = arith.constant 0 : i32
      %dma_start3A_55 = tpu.memref_slice %arg4[%add3A, %dma_start3A_54] : memref<32x10000xi32, #tpu.memory_space<hbm>> -> memref<1x10000xi32, #tpu.memory_space<hbm>>
      %dma_start3A_56 = tpu.memref_squeeze %dma_start3A_55 : memref<1x10000xi32, #tpu.memory_space<hbm>> -> memref<10000xi32, #tpu.memory_space<hbm>>
      tpu.enqueue_dma source(%dma_start3A_56 : memref<10000xi32, #tpu.memory_space<hbm>>) target(%arg7 : memref<10000xi32, #tpu.memory_space<vmem>>) target_semaphore(%run_scoped3A_50 : memref<!tpu.dma_semaphore, #tpu.memory_space<semaphore_mem>>)
      %dma_wait3A_57 = arith.constant 0 : i32
      %dma_wait3A_58 = tpu.memref_slice %arg4[%add3A, %dma_wait3A_57] : memref<32x10000xi32, #tpu.memory_space<hbm>> -> memref<1x10000xi32, #tpu.memory_space<hbm>>
      %dma_wait3A_59 = tpu.memref_squeeze %dma_wait3A_58 : memref<1x10000xi32, #tpu.memory_space<hbm>> -> memref<10000xi32, #tpu.memory_space<hbm>>
      %dma_wait3A_60 = arith.constant 0 : i32
      %dma_wait3A_61 = tpu.memref_slice %arg4[%add3A, %dma_wait3A_60] : memref<32x10000xi32, #tpu.memory_space<hbm>> -> memref<1x10000xi32, #tpu.memory_space<hbm>>
      %dma_wait3A_62 = tpu.memref_squeeze %dma_wait3A_61 : memref<1x10000xi32, #tpu.memory_space<hbm>> -> memref<10000xi32, #tpu.memory_space<hbm>>
      tpu.wait_dma2 semaphore(%run_scoped3A_50 : memref<!tpu.dma_semaphore, #tpu.memory_space<semaphore_mem>>) src(%dma_wait3A_62 : memref<10000xi32, #tpu.memory_space<hbm>>) dst(%arg7 : memref<10000xi32, #tpu.memory_space<vmem>>)
      tpu.yield
    }) : () -> ()
    "tpu.region"() ({
      %run_scoped3A_50 = tpu.sem_alloc : memref<!tpu.dma_semaphore, #tpu.memory_space<semaphore_mem>>
      %dma_start3A_51 = arith.constant 0 : i32
      %dma_start3A_52 = arith.constant 0 : i32
      %dma_start3A_53 = tpu.memref_slice %arg5[%add3A, %dma_start3A_51, %dma_start3A_52] : memref<32x125x80xi32, #tpu.memory_space<hbm>> -> memref<1x125x80xi32, #tpu.memory_space<hbm>>
      %dma_start3A_54 = tpu.memref_squeeze %dma_start3A_53 : memref<1x125x80xi32, #tpu.memory_space<hbm>> -> memref<125x80xi32, #tpu.memory_space<hbm>>
      %dma_start3A_55 = arith.constant 0 : i32
      %dma_start3A_56 = arith.constant 0 : i32
      %dma_start3A_57 = tpu.memref_slice %arg5[%add3A, %dma_start3A_55, %dma_start3A_56] : memref<32x125x80xi32, #tpu.memory_space<hbm>> -> memref<1x125x80xi32, #tpu.memory_space<hbm>>
      %dma_start3A_58 = tpu.memref_squeeze %dma_start3A_57 : memref<1x125x80xi32, #tpu.memory_space<hbm>> -> memref<125x80xi32, #tpu.memory_space<hbm>>
      tpu.enqueue_dma source(%dma_start3A_58 : memref<125x80xi32, #tpu.memory_space<hbm>>) target(%arg8 : memref<125x80xi32, #tpu.memory_space<vmem>>) target_semaphore(%run_scoped3A_50 : memref<!tpu.dma_semaphore, #tpu.memory_space<semaphore_mem>>)
      %dma_wait3A_59 = arith.constant 0 : i32
      %dma_wait3A_60 = arith.constant 0 : i32
      %dma_wait3A_61 = tpu.memref_slice %arg5[%add3A, %dma_wait3A_59, %dma_wait3A_60] : memref<32x125x80xi32, #tpu.memory_space<hbm>> -> memref<1x125x80xi32, #tpu.memory_space<hbm>>
      %dma_wait3A_62 = tpu.memref_squeeze %dma_wait3A_61 : memref<1x125x80xi32, #tpu.memory_space<hbm>> -> memref<125x80xi32, #tpu.memory_space<hbm>>
      %dma_wait3A_63 = arith.constant 0 : i32
      %dma_wait3A_64 = arith.constant 0 : i32
      %dma_wait3A_65 = tpu.memref_slice %arg5[%add3A, %dma_wait3A_63, %dma_wait3A_64] : memref<32x125x80xi32, #tpu.memory_space<hbm>> -> memref<1x125x80xi32, #tpu.memory_space<hbm>>
      %dma_wait3A_66 = tpu.memref_squeeze %dma_wait3A_65 : memref<1x125x80xi32, #tpu.memory_space<hbm>> -> memref<125x80xi32, #tpu.memory_space<hbm>>
      tpu.wait_dma2 semaphore(%run_scoped3A_50 : memref<!tpu.dma_semaphore, #tpu.memory_space<semaphore_mem>>) src(%dma_wait3A_66 : memref<125x80xi32, #tpu.memory_space<hbm>>) dst(%arg8 : memref<125x80xi32, #tpu.memory_space<vmem>>)
      tpu.yield
    }) : () -> ()
    %dma_start3A = arith.constant 0 : i32
    %dma_start3A_1 = tpu.memref_slice %arg7[%dma_start3A] : memref<10000xi32, #tpu.memory_space<vmem>> -> memref<80xi32, #tpu.memory_space<vmem>>
    %dma_start3A_2 = arith.constant 0 : i32
    %dma_start3A_3 = arith.constant 0 : i32
    %dma_start3A_4 = tpu.memref_slice %arg2[%dma_start3A_2, %dma_start3A_3] : memref<10000x128xf32, #tpu.memory_space<hbm>> -> memref<10000x128xf32, #tpu.memory_space<hbm>>
    tpu.enqueue_indirect_dma source(%dma_start3A_4 : memref<10000x128xf32, #tpu.memory_space<hbm>>) target(%arg9 : memref<80x128xf32, #tpu.memory_space<vmem>>) offsets(%dma_start3A_1 : memref<80xi32, #tpu.memory_space<vmem>>) semaphore(%arg12 : memref<!tpu.dma_semaphore, #tpu.memory_space<semaphore_mem>>)
    %dma_start3A_5 = arith.constant 80 : i32
    %dma_start3A_6 = tpu.memref_slice %arg7[%dma_start3A_5] : memref<10000xi32, #tpu.memory_space<vmem>> -> memref<80xi32, #tpu.memory_space<vmem>>
    %dma_start3A_7 = arith.constant 0 : i32
    %dma_start3A_8 = arith.constant 0 : i32
    %dma_start3A_9 = tpu.memref_slice %arg2[%dma_start3A_7, %dma_start3A_8] : memref<10000x128xf32, #tpu.memory_space<hbm>> -> memref<10000x128xf32, #tpu.memory_space<hbm>>
    tpu.enqueue_indirect_dma source(%dma_start3A_9 : memref<10000x128xf32, #tpu.memory_space<hbm>>) target(%arg10 : memref<80x128xf32, #tpu.memory_space<vmem>>) offsets(%dma_start3A_6 : memref<80xi32, #tpu.memory_space<vmem>>) semaphore(%arg13 : memref<!tpu.dma_semaphore, #tpu.memory_space<semaphore_mem>>)
    %eq3A = arith.constant 0 : i32
    %eq3A_10 = arith.cmpi eq, %arg0, %eq3A : i32
    %convert_element_type3A = arith.extui %eq3A_10 : i1 to i32
    %cond3A = arith.constant 0 : i32
    %cond3A_11 = arith.cmpi ne, %convert_element_type3A, %cond3A : i32
    scf.if %cond3A_11 {
      %mul3A_50 = arith.constant 624 : i32
      %mul3A_51 = arith.muli %arg1, %mul3A_50 : i32
      "tpu.region"() ({
        %run_scoped3A_57 = tpu.sem_alloc : memref<!tpu.dma_semaphore, #tpu.memory_space<semaphore_mem>>
        %dma_start3A_58 = arith.constant 0 : i32
        %dma_start3A_59 = tpu.memref_slice %arg11[%mul3A_51, %dma_start3A_58] : memref<10000x128xf32, #tpu.memory_space<vmem_shared>> -> memref<624x128xf32, #tpu.memory_space<vmem_shared>>
        %dma_start3A_60 = arith.constant 0 : i32
        %dma_start3A_61 = tpu.memref_slice %arg2[%mul3A_51, %dma_start3A_60] : memref<10000x128xf32, #tpu.memory_space<hbm>> -> memref<624x128xf32, #tpu.memory_space<hbm>>
        tpu.enqueue_dma source(%dma_start3A_61 : memref<624x128xf32, #tpu.memory_space<hbm>>) target(%dma_start3A_59 : memref<624x128xf32, #tpu.memory_space<vmem_shared>>) target_semaphore(%run_scoped3A_57 : memref<!tpu.dma_semaphore, #tpu.memory_space<semaphore_mem>>)
        %dma_wait3A_62 = arith.constant 0 : i32
        %dma_wait3A_63 = tpu.memref_slice %arg11[%mul3A_51, %dma_wait3A_62] : memref<10000x128xf32, #tpu.memory_space<vmem_shared>> -> memref<624x128xf32, #tpu.memory_space<vmem_shared>>
        %dma_wait3A_64 = arith.constant 0 : i32
        %dma_wait3A_65 = tpu.memref_slice %arg2[%mul3A_51, %dma_wait3A_64] : memref<10000x128xf32, #tpu.memory_space<hbm>> -> memref<624x128xf32, #tpu.memory_space<hbm>>
        tpu.wait_dma2 semaphore(%run_scoped3A_57 : memref<!tpu.dma_semaphore, #tpu.memory_space<semaphore_mem>>) src(%dma_wait3A_65 : memref<624x128xf32, #tpu.memory_space<hbm>>) dst(%dma_wait3A_63 : memref<624x128xf32, #tpu.memory_space<vmem_shared>>)
        tpu.yield
      }) : () -> ()
      %eq3A_52 = arith.constant 0 : i32
      %eq3A_53 = arith.cmpi eq, %arg1, %eq3A_52 : i32
      %convert_element_type3A_54 = arith.extui %eq3A_53 : i1 to i32
      %cond3A_55 = arith.constant 0 : i32
      %cond3A_56 = arith.cmpi ne, %convert_element_type3A_54, %cond3A_55 : i32
      scf.if %cond3A_56 {
        "tpu.region"() ({
          %run_scoped3A_57 = tpu.sem_alloc : memref<!tpu.dma_semaphore, #tpu.memory_space<semaphore_mem>>
          %dma_start3A_58 = arith.constant 9984 : i32
          %dma_start3A_59 = arith.constant 0 : i32
          %dma_start3A_60 = tpu.memref_slice %arg11[%dma_start3A_58, %dma_start3A_59] : memref<10000x128xf32, #tpu.memory_space<vmem_shared>> -> memref<16x128xf32, #tpu.memory_space<vmem_shared>>
          %dma_start3A_61 = arith.constant 9984 : i32
          %dma_start3A_62 = arith.constant 0 : i32
          %dma_start3A_63 = tpu.memref_slice %arg2[%dma_start3A_61, %dma_start3A_62] : memref<10000x128xf32, #tpu.memory_space<hbm>> -> memref<16x128xf32, #tpu.memory_space<hbm>>
          tpu.enqueue_dma source(%dma_start3A_63 : memref<16x128xf32, #tpu.memory_space<hbm>>) target(%dma_start3A_60 : memref<16x128xf32, #tpu.memory_space<vmem_shared>>) target_semaphore(%run_scoped3A_57 : memref<!tpu.dma_semaphore, #tpu.memory_space<semaphore_mem>>)
          %dma_wait3A_64 = arith.constant 9984 : i32
          %dma_wait3A_65 = arith.constant 0 : i32
          %dma_wait3A_66 = tpu.memref_slice %arg11[%dma_wait3A_64, %dma_wait3A_65] : memref<10000x128xf32, #tpu.memory_space<vmem_shared>> -> memref<16x128xf32, #tpu.memory_space<vmem_shared>>
          %dma_wait3A_67 = arith.constant 9984 : i32
          %dma_wait3A_68 = arith.constant 0 : i32
          %dma_wait3A_69 = tpu.memref_slice %arg2[%dma_wait3A_67, %dma_wait3A_68] : memref<10000x128xf32, #tpu.memory_space<hbm>> -> memref<16x128xf32, #tpu.memory_space<hbm>>
          tpu.wait_dma2 semaphore(%run_scoped3A_57 : memref<!tpu.dma_semaphore, #tpu.memory_space<semaphore_mem>>) src(%dma_wait3A_69 : memref<16x128xf32, #tpu.memory_space<hbm>>) dst(%dma_wait3A_66 : memref<16x128xf32, #tpu.memory_space<vmem_shared>>)
          tpu.yield
        }) : () -> ()
      } else {
      }
    } else {
    }
    %ne3A = arith.constant 0 : i32
    %ne3A_12 = arith.cmpi ne, %arg0, %ne3A : i32
    %convert_element_type3A_13 = arith.extui %ne3A_12 : i1 to i32
    %cond3A_14 = arith.constant 0 : i32
    %cond3A_15 = arith.cmpi ne, %convert_element_type3A_13, %cond3A_14 : i32
    scf.if %cond3A_15 {
      %mul3A_50 = arith.constant 624 : i32
      %mul3A_51 = arith.muli %arg1, %mul3A_50 : i32
      "tpu.region"() ({
        %run_scoped3A_57 = tpu.sem_alloc : memref<!tpu.dma_semaphore, #tpu.memory_space<semaphore_mem>>
        %dma_start3A_58 = arith.constant 0 : i32
        %dma_start3A_59 = tpu.memref_slice %arg11[%mul3A_51, %dma_start3A_58] : memref<10000x128xf32, #tpu.memory_space<vmem_shared>> -> memref<624x128xf32, #tpu.memory_space<vmem_shared>>
        %dma_start3A_60 = arith.constant 0 : i32
        %dma_start3A_61 = tpu.memref_slice %arg3[%mul3A_51, %dma_start3A_60] : memref<10000x128xf32, #tpu.memory_space<hbm>> -> memref<624x128xf32, #tpu.memory_space<hbm>>
        tpu.enqueue_dma source(%dma_start3A_61 : memref<624x128xf32, #tpu.memory_space<hbm>>) target(%dma_start3A_59 : memref<624x128xf32, #tpu.memory_space<vmem_shared>>) target_semaphore(%run_scoped3A_57 : memref<!tpu.dma_semaphore, #tpu.memory_space<semaphore_mem>>)
        %dma_wait3A_62 = arith.constant 0 : i32
        %dma_wait3A_63 = tpu.memref_slice %arg11[%mul3A_51, %dma_wait3A_62] : memref<10000x128xf32, #tpu.memory_space<vmem_shared>> -> memref<624x128xf32, #tpu.memory_space<vmem_shared>>
        %dma_wait3A_64 = arith.constant 0 : i32
        %dma_wait3A_65 = tpu.memref_slice %arg3[%mul3A_51, %dma_wait3A_64] : memref<10000x128xf32, #tpu.memory_space<hbm>> -> memref<624x128xf32, #tpu.memory_space<hbm>>
        tpu.wait_dma2 semaphore(%run_scoped3A_57 : memref<!tpu.dma_semaphore, #tpu.memory_space<semaphore_mem>>) src(%dma_wait3A_65 : memref<624x128xf32, #tpu.memory_space<hbm>>) dst(%dma_wait3A_63 : memref<624x128xf32, #tpu.memory_space<vmem_shared>>)
        tpu.yield
      }) : () -> ()
      %eq3A_52 = arith.constant 0 : i32
      %eq3A_53 = arith.cmpi eq, %arg1, %eq3A_52 : i32
      %convert_element_type3A_54 = arith.extui %eq3A_53 : i1 to i32
      %cond3A_55 = arith.constant 0 : i32
      %cond3A_56 = arith.cmpi ne, %convert_element_type3A_54, %cond3A_55 : i32
      scf.if %cond3A_56 {
        "tpu.region"() ({
          %run_scoped3A_57 = tpu.sem_alloc : memref<!tpu.dma_semaphore, #tpu.memory_space<semaphore_mem>>
          %dma_start3A_58 = arith.constant 9984 : i32
          %dma_start3A_59 = arith.constant 0 : i32
          %dma_start3A_60 = tpu.memref_slice %arg11[%dma_start3A_58, %dma_start3A_59] : memref<10000x128xf32, #tpu.memory_space<vmem_shared>> -> memref<16x128xf32, #tpu.memory_space<vmem_shared>>
          %dma_start3A_61 = arith.constant 9984 : i32
          %dma_start3A_62 = arith.constant 0 : i32
          %dma_start3A_63 = tpu.memref_slice %arg3[%dma_start3A_61, %dma_start3A_62] : memref<10000x128xf32, #tpu.memory_space<hbm>> -> memref<16x128xf32, #tpu.memory_space<hbm>>
          tpu.enqueue_dma source(%dma_start3A_63 : memref<16x128xf32, #tpu.memory_space<hbm>>) target(%dma_start3A_60 : memref<16x128xf32, #tpu.memory_space<vmem_shared>>) target_semaphore(%run_scoped3A_57 : memref<!tpu.dma_semaphore, #tpu.memory_space<semaphore_mem>>)
          %dma_wait3A_64 = arith.constant 9984 : i32
          %dma_wait3A_65 = arith.constant 0 : i32
          %dma_wait3A_66 = tpu.memref_slice %arg11[%dma_wait3A_64, %dma_wait3A_65] : memref<10000x128xf32, #tpu.memory_space<vmem_shared>> -> memref<16x128xf32, #tpu.memory_space<vmem_shared>>
          %dma_wait3A_67 = arith.constant 9984 : i32
          %dma_wait3A_68 = arith.constant 0 : i32
          %dma_wait3A_69 = tpu.memref_slice %arg3[%dma_wait3A_67, %dma_wait3A_68] : memref<10000x128xf32, #tpu.memory_space<hbm>> -> memref<16x128xf32, #tpu.memory_space<hbm>>
          tpu.wait_dma2 semaphore(%run_scoped3A_57 : memref<!tpu.dma_semaphore, #tpu.memory_space<semaphore_mem>>) src(%dma_wait3A_69 : memref<16x128xf32, #tpu.memory_space<hbm>>) dst(%dma_wait3A_66 : memref<16x128xf32, #tpu.memory_space<vmem_shared>>)
          tpu.yield
        }) : () -> ()
      } else {
      }
    } else {
    }
    %barrier3A = arith.constant 0 : index
    tpu.barrier barrier_id(%barrier3A)
    %scan3A = arith.constant 0 : i32
    %scan3A_16 = arith.constant 0 : i32
    %scan3A_17 = arith.constant 61 : i32
    %scan3A_18 = arith.addi %scan3A_16, %scan3A_17 : i32
    %scan3A_19 = arith.constant 1 : i32
    scf.for %scan3A_50 = %scan3A_16 to %scan3A_18 step %scan3A_19  : i32 {
      %mul3A_51 = arith.constant 2 : i32
      %mul3A_52 = arith.muli %mul3A_51, %scan3A_50 : i32
      %mul3A_53 = arith.constant 80 : i32
      %mul3A_54 = arith.muli %mul3A_52, %mul3A_53 : i32
      %dma_wait3A_55 = tpu.memref_slice %arg7[%mul3A_54] : memref<10000xi32, #tpu.memory_space<vmem>> -> memref<80xi32, #tpu.memory_space<vmem>>
      %dma_wait3A_56 = arith.constant 0 : i32
      %dma_wait3A_57 = arith.constant 0 : i32
      %dma_wait3A_58 = tpu.memref_slice %arg2[%dma_wait3A_56, %dma_wait3A_57] : memref<10000x128xf32, #tpu.memory_space<hbm>> -> memref<10000x128xf32, #tpu.memory_space<hbm>>
      tpu.wait_indirect_dma semaphore(%arg12 : memref<!tpu.dma_semaphore, #tpu.memory_space<semaphore_mem>>) src(%dma_wait3A_58 : memref<10000x128xf32, #tpu.memory_space<hbm>>) dst(%arg9 : memref<80x128xf32, #tpu.memory_space<vmem>>)
      "tpu.region"() ({
        %run_scoped3A_89 = tpu.sem_alloc : memref<!tpu.dma_semaphore, #tpu.memory_space<semaphore_mem>>
        %dma_start3A_90 = arith.constant 0 : i32
        %dma_start3A_91 = tpu.memref_slice %arg8[%mul3A_52, %dma_start3A_90] : memref<125x80xi32, #tpu.memory_space<vmem>> -> memref<1x80xi32, #tpu.memory_space<vmem>>
        %dma_start3A_92 = tpu.memref_squeeze %dma_start3A_91 : memref<1x80xi32, #tpu.memory_space<vmem>> -> memref<80xi32, #tpu.memory_space<vmem>>
        %dma_start3A_93 = arith.constant 0 : i32
        %dma_start3A_94 = arith.constant 0 : i32
        %dma_start3A_95 = tpu.memref_slice %arg11[%dma_start3A_93, %dma_start3A_94] : memref<10000x128xf32, #tpu.memory_space<vmem_shared>> -> memref<10000x128xf32, #tpu.memory_space<vmem_shared>>
        tpu.enqueue_indirect_dma source(%arg9 : memref<80x128xf32, #tpu.memory_space<vmem>>) target(%dma_start3A_95 : memref<10000x128xf32, #tpu.memory_space<vmem_shared>>) offsets(%dma_start3A_92 : memref<80xi32, #tpu.memory_space<vmem>>) semaphore(%run_scoped3A_89 : memref<!tpu.dma_semaphore, #tpu.memory_space<semaphore_mem>>) {add = true}
        %dma_wait3A_96 = arith.constant 0 : i32
        %dma_wait3A_97 = tpu.memref_slice %arg8[%mul3A_52, %dma_wait3A_96] : memref<125x80xi32, #tpu.memory_space<vmem>> -> memref<1x80xi32, #tpu.memory_space<vmem>>
        %dma_wait3A_98 = tpu.memref_squeeze %dma_wait3A_97 : memref<1x80xi32, #tpu.memory_space<vmem>> -> memref<80xi32, #tpu.memory_space<vmem>>
        %dma_wait3A_99 = arith.constant 0 : i32
        %dma_wait3A_100 = arith.constant 0 : i32
        %dma_wait3A_101 = tpu.memref_slice %arg11[%dma_wait3A_99, %dma_wait3A_100] : memref<10000x128xf32, #tpu.memory_space<vmem_shared>> -> memref<10000x128xf32, #tpu.memory_space<vmem_shared>>
        tpu.wait_indirect_dma semaphore(%run_scoped3A_89 : memref<!tpu.dma_semaphore, #tpu.memory_space<semaphore_mem>>) src(%arg9 : memref<80x128xf32, #tpu.memory_space<vmem>>) dst(%dma_wait3A_101 : memref<10000x128xf32, #tpu.memory_space<vmem_shared>>)
        tpu.yield
      }) : () -> ()
      %mul3A_59 = arith.constant 2 : i32
      %mul3A_60 = arith.muli %mul3A_59, %scan3A_50 : i32
      %add3A_61 = arith.constant 2 : i32
      %add3A_62 = arith.addi %mul3A_60, %add3A_61 : i32
      %mul3A_63 = arith.constant 80 : i32
      %mul3A_64 = arith.muli %add3A_62, %mul3A_63 : i32
      %dma_start3A_65 = tpu.memref_slice %arg7[%mul3A_64] : memref<10000xi32, #tpu.memory_space<vmem>> -> memref<80xi32, #tpu.memory_space<vmem>>
      %dma_start3A_66 = arith.constant 0 : i32
      %dma_start3A_67 = arith.constant 0 : i32
      %dma_start3A_68 = tpu.memref_slice %arg2[%dma_start3A_66, %dma_start3A_67] : memref<10000x128xf32, #tpu.memory_space<hbm>> -> memref<10000x128xf32, #tpu.memory_space<hbm>>
      tpu.enqueue_indirect_dma source(%dma_start3A_68 : memref<10000x128xf32, #tpu.memory_space<hbm>>) target(%arg9 : memref<80x128xf32, #tpu.memory_space<vmem>>) offsets(%dma_start3A_65 : memref<80xi32, #tpu.memory_space<vmem>>) semaphore(%arg12 : memref<!tpu.dma_semaphore, #tpu.memory_space<semaphore_mem>>)
      %mul3A_69 = arith.constant 2 : i32
      %mul3A_70 = arith.muli %mul3A_69, %scan3A_50 : i32
      %add3A_71 = arith.constant 1 : i32
      %add3A_72 = arith.addi %mul3A_70, %add3A_71 : i32
      %mul3A_73 = arith.constant 80 : i32
      %mul3A_74 = arith.muli %add3A_72, %mul3A_73 : i32
      %dma_wait3A_75 = tpu.memref_slice %arg7[%mul3A_74] : memref<10000xi32, #tpu.memory_space<vmem>> -> memref<80xi32, #tpu.memory_space<vmem>>
      %dma_wait3A_76 = arith.constant 0 : i32
      %dma_wait3A_77 = arith.constant 0 : i32
      %dma_wait3A_78 = tpu.memref_slice %arg2[%dma_wait3A_76, %dma_wait3A_77] : memref<10000x128xf32, #tpu.memory_space<hbm>> -> memref<10000x128xf32, #tpu.memory_space<hbm>>
      tpu.wait_indirect_dma semaphore(%arg13 : memref<!tpu.dma_semaphore, #tpu.memory_space<semaphore_mem>>) src(%dma_wait3A_78 : memref<10000x128xf32, #tpu.memory_space<hbm>>) dst(%arg10 : memref<80x128xf32, #tpu.memory_space<vmem>>)
      "tpu.region"() ({
        %run_scoped3A_89 = tpu.sem_alloc : memref<!tpu.dma_semaphore, #tpu.memory_space<semaphore_mem>>
        %dma_start3A_90 = arith.constant 0 : i32
        %dma_start3A_91 = tpu.memref_slice %arg8[%add3A_72, %dma_start3A_90] : memref<125x80xi32, #tpu.memory_space<vmem>> -> memref<1x80xi32, #tpu.memory_space<vmem>>
        %dma_start3A_92 = tpu.memref_squeeze %dma_start3A_91 : memref<1x80xi32, #tpu.memory_space<vmem>> -> memref<80xi32, #tpu.memory_space<vmem>>
        %dma_start3A_93 = arith.constant 0 : i32
        %dma_start3A_94 = arith.constant 0 : i32
        %dma_start3A_95 = tpu.memref_slice %arg11[%dma_start3A_93, %dma_start3A_94] : memref<10000x128xf32, #tpu.memory_space<vmem_shared>> -> memref<10000x128xf32, #tpu.memory_space<vmem_shared>>
        tpu.enqueue_indirect_dma source(%arg10 : memref<80x128xf32, #tpu.memory_space<vmem>>) target(%dma_start3A_95 : memref<10000x128xf32, #tpu.memory_space<vmem_shared>>) offsets(%dma_start3A_92 : memref<80xi32, #tpu.memory_space<vmem>>) semaphore(%run_scoped3A_89 : memref<!tpu.dma_semaphore, #tpu.memory_space<semaphore_mem>>) {add = true}
        %dma_wait3A_96 = arith.constant 0 : i32
        %dma_wait3A_97 = tpu.memref_slice %arg8[%add3A_72, %dma_wait3A_96] : memref<125x80xi32, #tpu.memory_space<vmem>> -> memref<1x80xi32, #tpu.memory_space<vmem>>
        %dma_wait3A_98 = tpu.memref_squeeze %dma_wait3A_97 : memref<1x80xi32, #tpu.memory_space<vmem>> -> memref<80xi32, #tpu.memory_space<vmem>>
        %dma_wait3A_99 = arith.constant 0 : i32
        %dma_wait3A_100 = arith.constant 0 : i32
        %dma_wait3A_101 = tpu.memref_slice %arg11[%dma_wait3A_99, %dma_wait3A_100] : memref<10000x128xf32, #tpu.memory_space<vmem_shared>> -> memref<10000x128xf32, #tpu.memory_space<vmem_shared>>
        tpu.wait_indirect_dma semaphore(%run_scoped3A_89 : memref<!tpu.dma_semaphore, #tpu.memory_space<semaphore_mem>>) src(%arg10 : memref<80x128xf32, #tpu.memory_space<vmem>>) dst(%dma_wait3A_101 : memref<10000x128xf32, #tpu.memory_space<vmem_shared>>)
        tpu.yield
      }) : () -> ()
      %mul3A_79 = arith.constant 2 : i32
      %mul3A_80 = arith.muli %mul3A_79, %scan3A_50 : i32
      %add3A_81 = arith.constant 3 : i32
      %add3A_82 = arith.addi %mul3A_80, %add3A_81 : i32
      %mul3A_83 = arith.constant 80 : i32
      %mul3A_84 = arith.muli %add3A_82, %mul3A_83 : i32
      %dma_start3A_85 = tpu.memref_slice %arg7[%mul3A_84] : memref<10000xi32, #tpu.memory_space<vmem>> -> memref<80xi32, #tpu.memory_space<vmem>>
      %dma_start3A_86 = arith.constant 0 : i32
      %dma_start3A_87 = arith.constant 0 : i32
      %dma_start3A_88 = tpu.memref_slice %arg2[%dma_start3A_86, %dma_start3A_87] : memref<10000x128xf32, #tpu.memory_space<hbm>> -> memref<10000x128xf32, #tpu.memory_space<hbm>>
      tpu.enqueue_indirect_dma source(%dma_start3A_88 : memref<10000x128xf32, #tpu.memory_space<hbm>>) target(%arg10 : memref<80x128xf32, #tpu.memory_space<vmem>>) offsets(%dma_start3A_85 : memref<80xi32, #tpu.memory_space<vmem>>) semaphore(%arg13 : memref<!tpu.dma_semaphore, #tpu.memory_space<semaphore_mem>>)
    }
    %scan3A_20 = arith.constant 61 : i32
    %dma_wait3A = arith.constant 9760 : i32
    %dma_wait3A_21 = tpu.memref_slice %arg7[%dma_wait3A] : memref<10000xi32, #tpu.memory_space<vmem>> -> memref<80xi32, #tpu.memory_space<vmem>>
    %dma_wait3A_22 = arith.constant 0 : i32
    %dma_wait3A_23 = arith.constant 0 : i32
    %dma_wait3A_24 = tpu.memref_slice %arg2[%dma_wait3A_22, %dma_wait3A_23] : memref<10000x128xf32, #tpu.memory_space<hbm>> -> memref<10000x128xf32, #tpu.memory_space<hbm>>
    tpu.wait_indirect_dma semaphore(%arg12 : memref<!tpu.dma_semaphore, #tpu.memory_space<semaphore_mem>>) src(%dma_wait3A_24 : memref<10000x128xf32, #tpu.memory_space<hbm>>) dst(%arg9 : memref<80x128xf32, #tpu.memory_space<vmem>>)
    %run_scoped3A = arith.constant 122 : i32
    "tpu.region"() ({
      %run_scoped3A_50 = tpu.sem_alloc : memref<!tpu.dma_semaphore, #tpu.memory_space<semaphore_mem>>
      %dma_start3A_51 = arith.constant 0 : i32
      %dma_start3A_52 = tpu.memref_slice %arg8[%run_scoped3A, %dma_start3A_51] : memref<125x80xi32, #tpu.memory_space<vmem>> -> memref<1x80xi32, #tpu.memory_space<vmem>>
      %dma_start3A_53 = tpu.memref_squeeze %dma_start3A_52 : memref<1x80xi32, #tpu.memory_space<vmem>> -> memref<80xi32, #tpu.memory_space<vmem>>
      %dma_start3A_54 = arith.constant 0 : i32
      %dma_start3A_55 = arith.constant 0 : i32
      %dma_start3A_56 = tpu.memref_slice %arg11[%dma_start3A_54, %dma_start3A_55] : memref<10000x128xf32, #tpu.memory_space<vmem_shared>> -> memref<10000x128xf32, #tpu.memory_space<vmem_shared>>
      tpu.enqueue_indirect_dma source(%arg9 : memref<80x128xf32, #tpu.memory_space<vmem>>) target(%dma_start3A_56 : memref<10000x128xf32, #tpu.memory_space<vmem_shared>>) offsets(%dma_start3A_53 : memref<80xi32, #tpu.memory_space<vmem>>) semaphore(%run_scoped3A_50 : memref<!tpu.dma_semaphore, #tpu.memory_space<semaphore_mem>>) {add = true}
      %dma_wait3A_57 = arith.constant 0 : i32
      %dma_wait3A_58 = tpu.memref_slice %arg8[%run_scoped3A, %dma_wait3A_57] : memref<125x80xi32, #tpu.memory_space<vmem>> -> memref<1x80xi32, #tpu.memory_space<vmem>>
      %dma_wait3A_59 = tpu.memref_squeeze %dma_wait3A_58 : memref<1x80xi32, #tpu.memory_space<vmem>> -> memref<80xi32, #tpu.memory_space<vmem>>
      %dma_wait3A_60 = arith.constant 0 : i32
      %dma_wait3A_61 = arith.constant 0 : i32
      %dma_wait3A_62 = tpu.memref_slice %arg11[%dma_wait3A_60, %dma_wait3A_61] : memref<10000x128xf32, #tpu.memory_space<vmem_shared>> -> memref<10000x128xf32, #tpu.memory_space<vmem_shared>>
      tpu.wait_indirect_dma semaphore(%run_scoped3A_50 : memref<!tpu.dma_semaphore, #tpu.memory_space<semaphore_mem>>) src(%arg9 : memref<80x128xf32, #tpu.memory_space<vmem>>) dst(%dma_wait3A_62 : memref<10000x128xf32, #tpu.memory_space<vmem_shared>>)
      tpu.yield
    }) : () -> ()
    %dma_start3A_25 = arith.constant 9920 : i32
    %dma_start3A_26 = tpu.memref_slice %arg7[%dma_start3A_25] : memref<10000xi32, #tpu.memory_space<vmem>> -> memref<80xi32, #tpu.memory_space<vmem>>
    %dma_start3A_27 = arith.constant 0 : i32
    %dma_start3A_28 = arith.constant 0 : i32
    %dma_start3A_29 = tpu.memref_slice %arg2[%dma_start3A_27, %dma_start3A_28] : memref<10000x128xf32, #tpu.memory_space<hbm>> -> memref<10000x128xf32, #tpu.memory_space<hbm>>
    tpu.enqueue_indirect_dma source(%dma_start3A_29 : memref<10000x128xf32, #tpu.memory_space<hbm>>) target(%arg9 : memref<80x128xf32, #tpu.memory_space<vmem>>) offsets(%dma_start3A_26 : memref<80xi32, #tpu.memory_space<vmem>>) semaphore(%arg12 : memref<!tpu.dma_semaphore, #tpu.memory_space<semaphore_mem>>)
    %dma_wait3A_30 = arith.constant 9840 : i32
    %dma_wait3A_31 = tpu.memref_slice %arg7[%dma_wait3A_30] : memref<10000xi32, #tpu.memory_space<vmem>> -> memref<80xi32, #tpu.memory_space<vmem>>
    %dma_wait3A_32 = arith.constant 0 : i32
    %dma_wait3A_33 = arith.constant 0 : i32
    %dma_wait3A_34 = tpu.memref_slice %arg2[%dma_wait3A_32, %dma_wait3A_33] : memref<10000x128xf32, #tpu.memory_space<hbm>> -> memref<10000x128xf32, #tpu.memory_space<hbm>>
    tpu.wait_indirect_dma semaphore(%arg13 : memref<!tpu.dma_semaphore, #tpu.memory_space<semaphore_mem>>) src(%dma_wait3A_34 : memref<10000x128xf32, #tpu.memory_space<hbm>>) dst(%arg10 : memref<80x128xf32, #tpu.memory_space<vmem>>)
    %run_scoped3A_35 = arith.constant 123 : i32
    "tpu.region"() ({
      %run_scoped3A_50 = tpu.sem_alloc : memref<!tpu.dma_semaphore, #tpu.memory_space<semaphore_mem>>
      %dma_start3A_51 = arith.constant 0 : i32
      %dma_start3A_52 = tpu.memref_slice %arg8[%run_scoped3A_35, %dma_start3A_51] : memref<125x80xi32, #tpu.memory_space<vmem>> -> memref<1x80xi32, #tpu.memory_space<vmem>>
      %dma_start3A_53 = tpu.memref_squeeze %dma_start3A_52 : memref<1x80xi32, #tpu.memory_space<vmem>> -> memref<80xi32, #tpu.memory_space<vmem>>
      %dma_start3A_54 = arith.constant 0 : i32
      %dma_start3A_55 = arith.constant 0 : i32
      %dma_start3A_56 = tpu.memref_slice %arg11[%dma_start3A_54, %dma_start3A_55] : memref<10000x128xf32, #tpu.memory_space<vmem_shared>> -> memref<10000x128xf32, #tpu.memory_space<vmem_shared>>
      tpu.enqueue_indirect_dma source(%arg10 : memref<80x128xf32, #tpu.memory_space<vmem>>) target(%dma_start3A_56 : memref<10000x128xf32, #tpu.memory_space<vmem_shared>>) offsets(%dma_start3A_53 : memref<80xi32, #tpu.memory_space<vmem>>) semaphore(%run_scoped3A_50 : memref<!tpu.dma_semaphore, #tpu.memory_space<semaphore_mem>>) {add = true}
      %dma_wait3A_57 = arith.constant 0 : i32
      %dma_wait3A_58 = tpu.memref_slice %arg8[%run_scoped3A_35, %dma_wait3A_57] : memref<125x80xi32, #tpu.memory_space<vmem>> -> memref<1x80xi32, #tpu.memory_space<vmem>>
      %dma_wait3A_59 = tpu.memref_squeeze %dma_wait3A_58 : memref<1x80xi32, #tpu.memory_space<vmem>> -> memref<80xi32, #tpu.memory_space<vmem>>
      %dma_wait3A_60 = arith.constant 0 : i32
      %dma_wait3A_61 = arith.constant 0 : i32
      %dma_wait3A_62 = tpu.memref_slice %arg11[%dma_wait3A_60, %dma_wait3A_61] : memref<10000x128xf32, #tpu.memory_space<vmem_shared>> -> memref<10000x128xf32, #tpu.memory_space<vmem_shared>>
      tpu.wait_indirect_dma semaphore(%run_scoped3A_50 : memref<!tpu.dma_semaphore, #tpu.memory_space<semaphore_mem>>) src(%arg10 : memref<80x128xf32, #tpu.memory_space<vmem>>) dst(%dma_wait3A_62 : memref<10000x128xf32, #tpu.memory_space<vmem_shared>>)
      tpu.yield
    }) : () -> ()
    %dma_wait3A_36 = arith.constant 9920 : i32
    %dma_wait3A_37 = tpu.memref_slice %arg7[%dma_wait3A_36] : memref<10000xi32, #tpu.memory_space<vmem>> -> memref<80xi32, #tpu.memory_space<vmem>>
    %dma_wait3A_38 = arith.constant 0 : i32
    %dma_wait3A_39 = arith.constant 0 : i32
    %dma_wait3A_40 = tpu.memref_slice %arg2[%dma_wait3A_38, %dma_wait3A_39] : memref<10000x128xf32, #tpu.memory_space<hbm>> -> memref<10000x128xf32, #tpu.memory_space<hbm>>
    tpu.wait_indirect_dma semaphore(%arg12 : memref<!tpu.dma_semaphore, #tpu.memory_space<semaphore_mem>>) src(%dma_wait3A_40 : memref<10000x128xf32, #tpu.memory_space<hbm>>) dst(%arg9 : memref<80x128xf32, #tpu.memory_space<vmem>>)
    %run_scoped3A_41 = arith.constant 124 : i32
    "tpu.region"() ({
      %run_scoped3A_50 = tpu.sem_alloc : memref<!tpu.dma_semaphore, #tpu.memory_space<semaphore_mem>>
      %dma_start3A_51 = arith.constant 0 : i32
      %dma_start3A_52 = tpu.memref_slice %arg8[%run_scoped3A_41, %dma_start3A_51] : memref<125x80xi32, #tpu.memory_space<vmem>> -> memref<1x80xi32, #tpu.memory_space<vmem>>
      %dma_start3A_53 = tpu.memref_squeeze %dma_start3A_52 : memref<1x80xi32, #tpu.memory_space<vmem>> -> memref<80xi32, #tpu.memory_space<vmem>>
      %dma_start3A_54 = arith.constant 0 : i32
      %dma_start3A_55 = arith.constant 0 : i32
      %dma_start3A_56 = tpu.memref_slice %arg11[%dma_start3A_54, %dma_start3A_55] : memref<10000x128xf32, #tpu.memory_space<vmem_shared>> -> memref<10000x128xf32, #tpu.memory_space<vmem_shared>>
      tpu.enqueue_indirect_dma source(%arg9 : memref<80x128xf32, #tpu.memory_space<vmem>>) target(%dma_start3A_56 : memref<10000x128xf32, #tpu.memory_space<vmem_shared>>) offsets(%dma_start3A_53 : memref<80xi32, #tpu.memory_space<vmem>>) semaphore(%run_scoped3A_50 : memref<!tpu.dma_semaphore, #tpu.memory_space<semaphore_mem>>) {add = true}
      %dma_wait3A_57 = arith.constant 0 : i32
      %dma_wait3A_58 = tpu.memref_slice %arg8[%run_scoped3A_41, %dma_wait3A_57] : memref<125x80xi32, #tpu.memory_space<vmem>> -> memref<1x80xi32, #tpu.memory_space<vmem>>
      %dma_wait3A_59 = tpu.memref_squeeze %dma_wait3A_58 : memref<1x80xi32, #tpu.memory_space<vmem>> -> memref<80xi32, #tpu.memory_space<vmem>>
      %dma_wait3A_60 = arith.constant 0 : i32
      %dma_wait3A_61 = arith.constant 0 : i32
      %dma_wait3A_62 = tpu.memref_slice %arg11[%dma_wait3A_60, %dma_wait3A_61] : memref<10000x128xf32, #tpu.memory_space<vmem_shared>> -> memref<10000x128xf32, #tpu.memory_space<vmem_shared>>
      tpu.wait_indirect_dma semaphore(%run_scoped3A_50 : memref<!tpu.dma_semaphore, #tpu.memory_space<semaphore_mem>>) src(%arg9 : memref<80x128xf32, #tpu.memory_space<vmem>>) dst(%dma_wait3A_62 : memref<10000x128xf32, #tpu.memory_space<vmem_shared>>)
      tpu.yield
    }) : () -> ()
    %barrier3A_42 = arith.constant 0 : index
    tpu.barrier barrier_id(%barrier3A_42)
    %mul3A_43 = arith.constant 624 : i32
    %mul3A_44 = arith.muli %arg1, %mul3A_43 : i32
    "tpu.region"() ({
      %run_scoped3A_50 = tpu.sem_alloc : memref<!tpu.dma_semaphore, #tpu.memory_space<semaphore_mem>>
      %dma_start3A_51 = arith.constant 0 : i32
      %dma_start3A_52 = tpu.memref_slice %arg6[%arg0, %mul3A_44, %dma_start3A_51] : memref<2x10000x128xf32, #tpu.memory_space<hbm>> -> memref<1x624x128xf32, #tpu.memory_space<hbm>>
      %dma_start3A_53 = tpu.memref_squeeze %dma_start3A_52 : memref<1x624x128xf32, #tpu.memory_space<hbm>> -> memref<624x128xf32, #tpu.memory_space<hbm>>
      %dma_start3A_54 = arith.constant 0 : i32
      %dma_start3A_55 = tpu.memref_slice %arg11[%mul3A_44, %dma_start3A_54] : memref<10000x128xf32, #tpu.memory_space<vmem_shared>> -> memref<624x128xf32, #tpu.memory_space<vmem_shared>>
      tpu.enqueue_dma source(%dma_start3A_55 : memref<624x128xf32, #tpu.memory_space<vmem_shared>>) target(%dma_start3A_53 : memref<624x128xf32, #tpu.memory_space<hbm>>) target_semaphore(%run_scoped3A_50 : memref<!tpu.dma_semaphore, #tpu.memory_space<semaphore_mem>>)
      %dma_wait3A_56 = arith.constant 0 : i32
      %dma_wait3A_57 = tpu.memref_slice %arg6[%arg0, %mul3A_44, %dma_wait3A_56] : memref<2x10000x128xf32, #tpu.memory_space<hbm>> -> memref<1x624x128xf32, #tpu.memory_space<hbm>>
      %dma_wait3A_58 = tpu.memref_squeeze %dma_wait3A_57 : memref<1x624x128xf32, #tpu.memory_space<hbm>> -> memref<624x128xf32, #tpu.memory_space<hbm>>
      %dma_wait3A_59 = arith.constant 0 : i32
      %dma_wait3A_60 = tpu.memref_slice %arg11[%mul3A_44, %dma_wait3A_59] : memref<10000x128xf32, #tpu.memory_space<vmem_shared>> -> memref<624x128xf32, #tpu.memory_space<vmem_shared>>
      tpu.wait_dma2 semaphore(%run_scoped3A_50 : memref<!tpu.dma_semaphore, #tpu.memory_space<semaphore_mem>>) src(%dma_wait3A_60 : memref<624x128xf32, #tpu.memory_space<vmem_shared>>) dst(%dma_wait3A_58 : memref<624x128xf32, #tpu.memory_space<hbm>>)
      tpu.yield
    }) : () -> ()
    %eq3A_45 = arith.constant 0 : i32
    %eq3A_46 = arith.cmpi eq, %arg1, %eq3A_45 : i32
    %convert_element_type3A_47 = arith.extui %eq3A_46 : i1 to i32
    %cond3A_48 = arith.constant 0 : i32
    %cond3A_49 = arith.cmpi ne, %convert_element_type3A_47, %cond3A_48 : i32
    scf.if %cond3A_49 {
      "tpu.region"() ({
        %run_scoped3A_50 = tpu.sem_alloc : memref<!tpu.dma_semaphore, #tpu.memory_space<semaphore_mem>>
        %dma_start3A_51 = arith.constant 9984 : i32
        %dma_start3A_52 = arith.constant 0 : i32
        %dma_start3A_53 = tpu.memref_slice %arg6[%arg0, %dma_start3A_51, %dma_start3A_52] : memref<2x10000x128xf32, #tpu.memory_space<hbm>> -> memref<1x16x128xf32, #tpu.memory_space<hbm>>
        %dma_start3A_54 = tpu.memref_squeeze %dma_start3A_53 : memref<1x16x128xf32, #tpu.memory_space<hbm>> -> memref<16x128xf32, #tpu.memory_space<hbm>>
        %dma_start3A_55 = arith.constant 9984 : i32
        %dma_start3A_56 = arith.constant 0 : i32
        %dma_start3A_57 = tpu.memref_slice %arg11[%dma_start3A_55, %dma_start3A_56] : memref<10000x128xf32, #tpu.memory_space<vmem_shared>> -> memref<16x128xf32, #tpu.memory_space<vmem_shared>>
        tpu.enqueue_dma source(%dma_start3A_57 : memref<16x128xf32, #tpu.memory_space<vmem_shared>>) target(%dma_start3A_54 : memref<16x128xf32, #tpu.memory_space<hbm>>) target_semaphore(%run_scoped3A_50 : memref<!tpu.dma_semaphore, #tpu.memory_space<semaphore_mem>>)
        %dma_wait3A_58 = arith.constant 9984 : i32
        %dma_wait3A_59 = arith.constant 0 : i32
        %dma_wait3A_60 = tpu.memref_slice %arg6[%arg0, %dma_wait3A_58, %dma_wait3A_59] : memref<2x10000x128xf32, #tpu.memory_space<hbm>> -> memref<1x16x128xf32, #tpu.memory_space<hbm>>
        %dma_wait3A_61 = tpu.memref_squeeze %dma_wait3A_60 : memref<1x16x128xf32, #tpu.memory_space<hbm>> -> memref<16x128xf32, #tpu.memory_space<hbm>>
        %dma_wait3A_62 = arith.constant 9984 : i32
        %dma_wait3A_63 = arith.constant 0 : i32
        %dma_wait3A_64 = tpu.memref_slice %arg11[%dma_wait3A_62, %dma_wait3A_63] : memref<10000x128xf32, #tpu.memory_space<vmem_shared>> -> memref<16x128xf32, #tpu.memory_space<vmem_shared>>
        tpu.wait_dma2 semaphore(%run_scoped3A_50 : memref<!tpu.dma_semaphore, #tpu.memory_space<semaphore_mem>>) src(%dma_wait3A_64 : memref<16x128xf32, #tpu.memory_space<vmem_shared>>) dst(%dma_wait3A_61 : memref<16x128xf32, #tpu.memory_space<hbm>>)
        tpu.yield
      }) : () -> ()
    } else {
    }
    return
  }
}

module attributes {stable_mosaic.version = 14 : i64} {
  func.func @_tc_in_body(%arg0: i32, %arg1: memref<2000x128xf32, #tpu.memory_space<vmem>>, %arg2: memref<128x128xf32, #tpu.memory_space<vmem>>, %arg3: memref<1x128xf32, #tpu.memory_space<vmem>>, %arg4: memref<128x128xf32, #tpu.memory_space<vmem>>, %arg5: memref<2000x1xf32, #tpu.memory_space<vmem>>, %arg6: memref<2000x1xf32, #tpu.memory_space<vmem>>, %arg7: memref<2000x128xf32, #tpu.memory_space<vmem>>, %arg8: memref<2000x1xf32, #tpu.memory_space<vmem>>, %arg9: memref<2000x128xf32, #tpu.memory_space<vmem>>) attributes {dimension_semantics = [#tpu.dimension_semantics<arbitrary>], iteration_bounds = array<i64: 5>, scalar_prefetch = 0 : i64, scratch_operands = 0 : i64, tpu.core_type = #tpu.core_type<tc>, window_params = [{transform_indices = @transform_0, window_bounds = array<i64: 2000, 128>}, {pipeline_mode = #tpu.pipeline_mode<synchronous>, transform_indices = @transform_1, window_bounds = array<i64: 128, 128>}, {pipeline_mode = #tpu.pipeline_mode<synchronous>, transform_indices = @transform_2, window_bounds = array<i64: 1, 128>}, {pipeline_mode = #tpu.pipeline_mode<synchronous>, transform_indices = @transform_3, window_bounds = array<i64: 128, 128>}, {transform_indices = @transform_4, window_bounds = array<i64: 2000, 1>}, {transform_indices = @transform_5, window_bounds = array<i64: 2000, 1>}, {transform_indices = @transform_6, window_bounds = array<i64: 2000, 128>}, {transform_indices = @transform_7, window_bounds = array<i64: 2000, 1>}, {transform_indices = @transform_8, window_bounds = array<i64: 2000, 128>}]} {
    %get3A = arith.constant 0 : index
    %get3A_0 = arith.constant 0 : index
    %get3A_1 = vector.load %arg1[%get3A, %get3A_0] : memref<2000x128xf32, #tpu.memory_space<vmem>>, vector<2000x128xf32>
    %get3A_2 = arith.constant 0 : index
    %get3A_3 = arith.constant 0 : index
    %get3A_4 = vector.load %arg2[%get3A_2, %get3A_3] : memref<128x128xf32, #tpu.memory_space<vmem>>, vector<128x128xf32>
    %dot_general3A = arith.constant dense<0.000000e+00> : vector<2000x128xf32>
    %dot_general3A_5 = tpu.matmul %get3A_1, %get3A_4, %dot_general3A {dimension_numbers = #tpu.dot_dimension_numbers<[1], [0], [0], [1], [0, 0, 1, 1], [], []>, transpose_lhs_hint = false} : vector<2000x128xf32>, vector<128x128xf32>, vector<2000x128xf32> -> vector<2000x128xf32>
    %get3A_6 = arith.constant 0 : index
    %get3A_7 = arith.constant 0 : index
    %get3A_8 = vector.load %arg3[%get3A_6, %get3A_7] : memref<1x128xf32, #tpu.memory_space<vmem>>, vector<1x128xf32>
    %add3A = vector.broadcast %get3A_8 : vector<1x128xf32> to vector<2000x128xf32>
    %add3A_9 = arith.addf %dot_general3A_5, %add3A : vector<2000x128xf32>
    %get3A_10 = arith.constant 0 : index
    %get3A_11 = arith.constant 0 : index
    %get3A_12 = vector.load %arg5[%get3A_10, %get3A_11] : memref<2000x1xf32, #tpu.memory_space<vmem>>, vector<2000x1xf32>
    %get3A_13 = arith.constant 0 : index
    %get3A_14 = arith.constant 0 : index
    %get3A_15 = vector.load %arg6[%get3A_13, %get3A_14] : memref<2000x1xf32, #tpu.memory_space<vmem>>, vector<2000x1xf32>
    %add3A_16 = arith.addf %get3A_12, %get3A_15 : vector<2000x1xf32>
    %rsqrt3A = math.rsqrt %add3A_16 : vector<2000x1xf32>
    %swap3A = arith.constant 0 : index
    %swap3A_17 = arith.constant 0 : index
    %swap3A_18 = vector.load %arg7[%swap3A, %swap3A_17] : memref<2000x128xf32, #tpu.memory_space<vmem>>, vector<2000x128xf32>
    tpu.vector_store %arg7[%swap3A, %swap3A_17], %add3A_9 {strides = array<i32>} : memref<2000x128xf32, #tpu.memory_space<vmem>>, vector<2000x128xf32>,
    %swap3A_19 = arith.constant 0 : index
    %swap3A_20 = arith.constant 0 : index
    %swap3A_21 = vector.load %arg8[%swap3A_19, %swap3A_20] : memref<2000x1xf32, #tpu.memory_space<vmem>>, vector<2000x1xf32>
    tpu.vector_store %arg8[%swap3A_19, %swap3A_20], %rsqrt3A {strides = array<i32>} : memref<2000x1xf32, #tpu.memory_space<vmem>>, vector<2000x1xf32>,
    %get3A_22 = arith.constant 0 : index
    %get3A_23 = arith.constant 0 : index
    %get3A_24 = vector.load %arg4[%get3A_22, %get3A_23] : memref<128x128xf32, #tpu.memory_space<vmem>>, vector<128x128xf32>
    %dot_general3A_25 = arith.constant dense<0.000000e+00> : vector<2000x128xf32>
    %dot_general3A_26 = tpu.matmul %add3A_9, %get3A_24, %dot_general3A_25 {dimension_numbers = #tpu.dot_dimension_numbers<[1], [0], [0], [1], [0, 0, 1, 1], [], []>, transpose_lhs_hint = false} : vector<2000x128xf32>, vector<128x128xf32>, vector<2000x128xf32> -> vector<2000x128xf32>
    %mul3A = vector.broadcast %rsqrt3A : vector<2000x1xf32> to vector<2000x128xf32>
    %mul3A_27 = arith.mulf %mul3A, %dot_general3A_26 : vector<2000x128xf32>
    %swap3A_28 = arith.constant 0 : index
    %swap3A_29 = arith.constant 0 : index
    %swap3A_30 = vector.load %arg9[%swap3A_28, %swap3A_29] : memref<2000x128xf32, #tpu.memory_space<vmem>>, vector<2000x128xf32>
    tpu.vector_store %arg9[%swap3A_28, %swap3A_29], %mul3A_27 {strides = array<i32>} : memref<2000x128xf32, #tpu.memory_space<vmem>>, vector<2000x128xf32>,
    return
  }
  func.func @transform_0(%arg0: i32) -> (i32, i32) {
    %c0_i32 = arith.constant 0 : i32
    %c0_i32_0 = arith.constant 0 : i32
    return %arg0, %c0_i32 : i32, i32
  }
  func.func @transform_1(%arg0: i32) -> (i32, i32) {
    %c0_i32 = arith.constant 0 : i32
    %c0_i32_0 = arith.constant 0 : i32
    %c0_i32_1 = arith.constant 0 : i32
    return %c0_i32, %c0_i32_0 : i32, i32
  }
  func.func @transform_2(%arg0: i32) -> (i32, i32) {
    %c0_i32 = arith.constant 0 : i32
    %c0_i32_0 = arith.constant 0 : i32
    %c0_i32_1 = arith.constant 0 : i32
    return %c0_i32, %c0_i32_0 : i32, i32
  }
  func.func @transform_3(%arg0: i32) -> (i32, i32) {
    %c0_i32 = arith.constant 0 : i32
    %c0_i32_0 = arith.constant 0 : i32
    %c0_i32_1 = arith.constant 0 : i32
    return %c0_i32, %c0_i32_0 : i32, i32
  }
  func.func @transform_4(%arg0: i32) -> (i32, i32) {
    %c0_i32 = arith.constant 0 : i32
    %c0_i32_0 = arith.constant 0 : i32
    return %arg0, %c0_i32 : i32, i32
  }
  func.func @transform_5(%arg0: i32) -> (i32, i32) {
    %c0_i32 = arith.constant 0 : i32
    %c0_i32_0 = arith.constant 0 : i32
    return %arg0, %c0_i32 : i32, i32
  }
  func.func @transform_6(%arg0: i32) -> (i32, i32) {
    %c0_i32 = arith.constant 0 : i32
    %c0_i32_0 = arith.constant 0 : i32
    return %arg0, %c0_i32 : i32, i32
  }
  func.func @transform_7(%arg0: i32) -> (i32, i32) {
    %c0_i32 = arith.constant 0 : i32
    %c0_i32_0 = arith.constant 0 : i32
    return %arg0, %c0_i32 : i32, i32
  }
  func.func @transform_8(%arg0: i32) -> (i32, i32) {
    %c0_i32 = arith.constant 0 : i32
    %c0_i32_0 = arith.constant 0 : i32
    return %arg0, %c0_i32 : i32, i32
  }
}

module attributes {stable_mosaic.version = 14 : i64} {
  func.func @_tc_mid_body(%arg0: i32, %arg1: memref<2x2000x128xf32, #tpu.memory_space<vmem>>, %arg2: memref<2000x1xf32, #tpu.memory_space<vmem>>, %arg3: memref<1x128xf32, #tpu.memory_space<vmem>>, %arg4: memref<2000x128xf32, #tpu.memory_space<vmem>>, %arg5: memref<128x128xf32, #tpu.memory_space<vmem>>, %arg6: memref<1x128xf32, #tpu.memory_space<vmem>>, %arg7: memref<128x128xf32, #tpu.memory_space<vmem>>, %arg8: memref<2000x128xf32, #tpu.memory_space<vmem>>, %arg9: memref<2000x128xf32, #tpu.memory_space<vmem>>, %arg10: memref<2000x128xf32, #tpu.memory_space<vmem>>) attributes {dimension_semantics = [#tpu.dimension_semantics<arbitrary>], iteration_bounds = array<i64: 5>, scalar_prefetch = 0 : i64, scratch_operands = 0 : i64, tpu.core_type = #tpu.core_type<tc>, window_params = [{transform_indices = @transform_0, window_bounds = array<i64: 2, 2000, 128>}, {transform_indices = @transform_1, window_bounds = array<i64: 2000, 1>}, {pipeline_mode = #tpu.pipeline_mode<synchronous>, transform_indices = @transform_2, window_bounds = array<i64: 1, 128>}, {transform_indices = @transform_3, window_bounds = array<i64: 2000, 128>}, {pipeline_mode = #tpu.pipeline_mode<synchronous>, transform_indices = @transform_4, window_bounds = array<i64: 128, 128>}, {pipeline_mode = #tpu.pipeline_mode<synchronous>, transform_indices = @transform_5, window_bounds = array<i64: 1, 128>}, {pipeline_mode = #tpu.pipeline_mode<synchronous>, transform_indices = @transform_6, window_bounds = array<i64: 128, 128>}, {transform_indices = @transform_7, window_bounds = array<i64: 2000, 128>}, {transform_indices = @transform_8, window_bounds = array<i64: 2000, 128>}, {transform_indices = @transform_9, window_bounds = array<i64: 2000, 128>}]} {
    %get3A = arith.constant 0 : index
    %get3A_0 = arith.constant 0 : index
    %get3A_1 = vector.load %arg2[%get3A, %get3A_0] : memref<2000x1xf32, #tpu.memory_space<vmem>>, vector<2000x1xf32>
    %get3A_2 = arith.constant 0 : index
    %get3A_3 = arith.constant 0 : index
    %get3A_4 = arith.constant 0 : index
    %get3A_5 = vector.load %arg1[%get3A_2, %get3A_3, %get3A_4] : memref<2x2000x128xf32, #tpu.memory_space<vmem>>, vector<1x2000x128xf32>
    %get3A_6 = vector.shape_cast %get3A_5 : vector<1x2000x128xf32> to vector<2000x128xf32>
    %get3A_7 = arith.constant 1 : index
    %get3A_8 = arith.constant 0 : index
    %get3A_9 = arith.constant 0 : index
    %get3A_10 = vector.load %arg1[%get3A_7, %get3A_8, %get3A_9] : memref<2x2000x128xf32, #tpu.memory_space<vmem>>, vector<1x2000x128xf32>
    %get3A_11 = vector.shape_cast %get3A_10 : vector<1x2000x128xf32> to vector<2000x128xf32>
    %add3A = arith.addf %get3A_6, %get3A_11 : vector<2000x128xf32>
    %mul3A = vector.broadcast %get3A_1 : vector<2000x1xf32> to vector<2000x128xf32>
    %mul3A_12 = arith.mulf %mul3A, %add3A : vector<2000x128xf32>
    %get3A_13 = arith.constant 0 : index
    %get3A_14 = arith.constant 0 : index
    %get3A_15 = vector.load %arg3[%get3A_13, %get3A_14] : memref<1x128xf32, #tpu.memory_space<vmem>>, vector<1x128xf32>
    %add3A_16 = vector.broadcast %get3A_15 : vector<1x128xf32> to vector<2000x128xf32>
    %add3A_17 = arith.addf %mul3A_12, %add3A_16 : vector<2000x128xf32>
    %get3A_18 = arith.constant 0 : index
    %get3A_19 = arith.constant 0 : index
    %get3A_20 = vector.load %arg4[%get3A_18, %get3A_19] : memref<2000x128xf32, #tpu.memory_space<vmem>>, vector<2000x128xf32>
    %get3A_21 = arith.constant 0 : index
    %get3A_22 = arith.constant 0 : index
    %get3A_23 = vector.load %arg5[%get3A_21, %get3A_22] : memref<128x128xf32, #tpu.memory_space<vmem>>, vector<128x128xf32>
    %dot_general3A = arith.constant dense<0.000000e+00> : vector<2000x128xf32>
    %dot_general3A_24 = tpu.matmul %get3A_20, %get3A_23, %dot_general3A {dimension_numbers = #tpu.dot_dimension_numbers<[1], [0], [0], [1], [0, 0, 1, 1], [], []>, transpose_lhs_hint = false} : vector<2000x128xf32>, vector<128x128xf32>, vector<2000x128xf32> -> vector<2000x128xf32>
    %get3A_25 = arith.constant 0 : index
    %get3A_26 = arith.constant 0 : index
    %get3A_27 = vector.load %arg6[%get3A_25, %get3A_26] : memref<1x128xf32, #tpu.memory_space<vmem>>, vector<1x128xf32>
    %add3A_28 = vector.broadcast %get3A_27 : vector<1x128xf32> to vector<2000x128xf32>
    %add3A_29 = arith.addf %dot_general3A_24, %add3A_28 : vector<2000x128xf32>
    %add3A_30 = arith.addf %add3A_17, %add3A_29 : vector<2000x128xf32>
    %max3A = arith.constant 0.000000e+00 : f32
    %max3A_31 = vector.broadcast %max3A : f32 to vector<2000x128xf32>
    %max3A_32 = arith.maximumf %add3A_30, %max3A_31 : vector<2000x128xf32>
    %swap3A = arith.constant 0 : index
    %swap3A_33 = arith.constant 0 : index
    %swap3A_34 = vector.load %arg8[%swap3A, %swap3A_33] : memref<2000x128xf32, #tpu.memory_space<vmem>>, vector<2000x128xf32>
    tpu.vector_store %arg8[%swap3A, %swap3A_33], %max3A_32 {strides = array<i32>} : memref<2000x128xf32, #tpu.memory_space<vmem>>, vector<2000x128xf32>,
    %swap3A_35 = arith.constant 0 : index
    %swap3A_36 = arith.constant 0 : index
    %swap3A_37 = vector.load %arg9[%swap3A_35, %swap3A_36] : memref<2000x128xf32, #tpu.memory_space<vmem>>, vector<2000x128xf32>
    tpu.vector_store %arg9[%swap3A_35, %swap3A_36], %max3A_32 {strides = array<i32>} : memref<2000x128xf32, #tpu.memory_space<vmem>>, vector<2000x128xf32>,
    %get3A_38 = arith.constant 0 : index
    %get3A_39 = arith.constant 0 : index
    %get3A_40 = vector.load %arg7[%get3A_38, %get3A_39] : memref<128x128xf32, #tpu.memory_space<vmem>>, vector<128x128xf32>
    %dot_general3A_41 = arith.constant dense<0.000000e+00> : vector<2000x128xf32>
    %dot_general3A_42 = tpu.matmul %max3A_32, %get3A_40, %dot_general3A_41 {dimension_numbers = #tpu.dot_dimension_numbers<[1], [0], [0], [1], [0, 0, 1, 1], [], []>, transpose_lhs_hint = false} : vector<2000x128xf32>, vector<128x128xf32>, vector<2000x128xf32> -> vector<2000x128xf32>
    %mul3A_43 = vector.broadcast %get3A_1 : vector<2000x1xf32> to vector<2000x128xf32>
    %mul3A_44 = arith.mulf %mul3A_43, %dot_general3A_42 : vector<2000x128xf32>
    %swap3A_45 = arith.constant 0 : index
    %swap3A_46 = arith.constant 0 : index
    %swap3A_47 = vector.load %arg10[%swap3A_45, %swap3A_46] : memref<2000x128xf32, #tpu.memory_space<vmem>>, vector<2000x128xf32>
    tpu.vector_store %arg10[%swap3A_45, %swap3A_46], %mul3A_44 {strides = array<i32>} : memref<2000x128xf32, #tpu.memory_space<vmem>>, vector<2000x128xf32>,
    return
  }
  func.func @transform_0(%arg0: i32) -> (i32, i32, i32) {
    %c0_i32 = arith.constant 0 : i32
    %c0_i32_0 = arith.constant 0 : i32
    %c0_i32_1 = arith.constant 0 : i32
    return %c0_i32, %arg0, %c0_i32_0 : i32, i32, i32
  }
  func.func @transform_1(%arg0: i32) -> (i32, i32) {
    %c0_i32 = arith.constant 0 : i32
    %c0_i32_0 = arith.constant 0 : i32
    return %arg0, %c0_i32 : i32, i32
  }
  func.func @transform_2(%arg0: i32) -> (i32, i32) {
    %c0_i32 = arith.constant 0 : i32
    %c0_i32_0 = arith.constant 0 : i32
    %c0_i32_1 = arith.constant 0 : i32
    return %c0_i32, %c0_i32_0 : i32, i32
  }
  func.func @transform_3(%arg0: i32) -> (i32, i32) {
    %c0_i32 = arith.constant 0 : i32
    %c0_i32_0 = arith.constant 0 : i32
    return %arg0, %c0_i32 : i32, i32
  }
  func.func @transform_4(%arg0: i32) -> (i32, i32) {
    %c0_i32 = arith.constant 0 : i32
    %c0_i32_0 = arith.constant 0 : i32
    %c0_i32_1 = arith.constant 0 : i32
    return %c0_i32, %c0_i32_0 : i32, i32
  }
  func.func @transform_5(%arg0: i32) -> (i32, i32) {
    %c0_i32 = arith.constant 0 : i32
    %c0_i32_0 = arith.constant 0 : i32
    %c0_i32_1 = arith.constant 0 : i32
    return %c0_i32, %c0_i32_0 : i32, i32
  }
  func.func @transform_6(%arg0: i32) -> (i32, i32) {
    %c0_i32 = arith.constant 0 : i32
    %c0_i32_0 = arith.constant 0 : i32
    %c0_i32_1 = arith.constant 0 : i32
    return %c0_i32, %c0_i32_0 : i32, i32
  }
  func.func @transform_7(%arg0: i32) -> (i32, i32) {
    %c0_i32 = arith.constant 0 : i32
    %c0_i32_0 = arith.constant 0 : i32
    return %arg0, %c0_i32 : i32, i32
  }
  func.func @transform_8(%arg0: i32) -> (i32, i32) {
    %c0_i32 = arith.constant 0 : i32
    %c0_i32_0 = arith.constant 0 : i32
    return %arg0, %c0_i32 : i32, i32
  }
  func.func @transform_9(%arg0: i32) -> (i32, i32) {
    %c0_i32 = arith.constant 0 : i32
    %c0_i32_0 = arith.constant 0 : i32
    return %arg0, %c0_i32 : i32, i32
  }
}

module attributes {stable_mosaic.version = 14 : i64} {
  func.func @_tc_mid_body(%arg0: i32, %arg1: memref<2x2000x128xf32, #tpu.memory_space<vmem>>, %arg2: memref<2000x1xf32, #tpu.memory_space<vmem>>, %arg3: memref<1x128xf32, #tpu.memory_space<vmem>>, %arg4: memref<2000x128xf32, #tpu.memory_space<vmem>>, %arg5: memref<128x128xf32, #tpu.memory_space<vmem>>, %arg6: memref<1x128xf32, #tpu.memory_space<vmem>>, %arg7: memref<2000x128xf32, #tpu.memory_space<vmem>>, %arg8: memref<128x128xf32, #tpu.memory_space<vmem>>, %arg9: memref<2000x128xf32, #tpu.memory_space<vmem>>, %arg10: memref<2000x128xf32, #tpu.memory_space<vmem>>, %arg11: memref<2000x128xf32, #tpu.memory_space<vmem>>) attributes {dimension_semantics = [#tpu.dimension_semantics<arbitrary>], iteration_bounds = array<i64: 5>, scalar_prefetch = 0 : i64, scratch_operands = 0 : i64, tpu.core_type = #tpu.core_type<tc>, window_params = [{transform_indices = @transform_0, window_bounds = array<i64: 2, 2000, 128>}, {transform_indices = @transform_1, window_bounds = array<i64: 2000, 1>}, {pipeline_mode = #tpu.pipeline_mode<synchronous>, transform_indices = @transform_2, window_bounds = array<i64: 1, 128>}, {transform_indices = @transform_3, window_bounds = array<i64: 2000, 128>}, {pipeline_mode = #tpu.pipeline_mode<synchronous>, transform_indices = @transform_4, window_bounds = array<i64: 128, 128>}, {pipeline_mode = #tpu.pipeline_mode<synchronous>, transform_indices = @transform_5, window_bounds = array<i64: 1, 128>}, {transform_indices = @transform_6, window_bounds = array<i64: 2000, 128>}, {pipeline_mode = #tpu.pipeline_mode<synchronous>, transform_indices = @transform_7, window_bounds = array<i64: 128, 128>}, {transform_indices = @transform_8, window_bounds = array<i64: 2000, 128>}, {transform_indices = @transform_9, window_bounds = array<i64: 2000, 128>}, {transform_indices = @transform_10, window_bounds = array<i64: 2000, 128>}]} {
    %get3A = arith.constant 0 : index
    %get3A_0 = arith.constant 0 : index
    %get3A_1 = vector.load %arg2[%get3A, %get3A_0] : memref<2000x1xf32, #tpu.memory_space<vmem>>, vector<2000x1xf32>
    %get3A_2 = arith.constant 0 : index
    %get3A_3 = arith.constant 0 : index
    %get3A_4 = arith.constant 0 : index
    %get3A_5 = vector.load %arg1[%get3A_2, %get3A_3, %get3A_4] : memref<2x2000x128xf32, #tpu.memory_space<vmem>>, vector<1x2000x128xf32>
    %get3A_6 = vector.shape_cast %get3A_5 : vector<1x2000x128xf32> to vector<2000x128xf32>
    %get3A_7 = arith.constant 1 : index
    %get3A_8 = arith.constant 0 : index
    %get3A_9 = arith.constant 0 : index
    %get3A_10 = vector.load %arg1[%get3A_7, %get3A_8, %get3A_9] : memref<2x2000x128xf32, #tpu.memory_space<vmem>>, vector<1x2000x128xf32>
    %get3A_11 = vector.shape_cast %get3A_10 : vector<1x2000x128xf32> to vector<2000x128xf32>
    %add3A = arith.addf %get3A_6, %get3A_11 : vector<2000x128xf32>
    %mul3A = vector.broadcast %get3A_1 : vector<2000x1xf32> to vector<2000x128xf32>
    %mul3A_12 = arith.mulf %mul3A, %add3A : vector<2000x128xf32>
    %get3A_13 = arith.constant 0 : index
    %get3A_14 = arith.constant 0 : index
    %get3A_15 = vector.load %arg3[%get3A_13, %get3A_14] : memref<1x128xf32, #tpu.memory_space<vmem>>, vector<1x128xf32>
    %add3A_16 = vector.broadcast %get3A_15 : vector<1x128xf32> to vector<2000x128xf32>
    %add3A_17 = arith.addf %mul3A_12, %add3A_16 : vector<2000x128xf32>
    %get3A_18 = arith.constant 0 : index
    %get3A_19 = arith.constant 0 : index
    %get3A_20 = vector.load %arg4[%get3A_18, %get3A_19] : memref<2000x128xf32, #tpu.memory_space<vmem>>, vector<2000x128xf32>
    %get3A_21 = arith.constant 0 : index
    %get3A_22 = arith.constant 0 : index
    %get3A_23 = vector.load %arg5[%get3A_21, %get3A_22] : memref<128x128xf32, #tpu.memory_space<vmem>>, vector<128x128xf32>
    %dot_general3A = arith.constant dense<0.000000e+00> : vector<2000x128xf32>
    %dot_general3A_24 = tpu.matmul %get3A_20, %get3A_23, %dot_general3A {dimension_numbers = #tpu.dot_dimension_numbers<[1], [0], [0], [1], [0, 0, 1, 1], [], []>, transpose_lhs_hint = false} : vector<2000x128xf32>, vector<128x128xf32>, vector<2000x128xf32> -> vector<2000x128xf32>
    %get3A_25 = arith.constant 0 : index
    %get3A_26 = arith.constant 0 : index
    %get3A_27 = vector.load %arg6[%get3A_25, %get3A_26] : memref<1x128xf32, #tpu.memory_space<vmem>>, vector<1x128xf32>
    %add3A_28 = vector.broadcast %get3A_27 : vector<1x128xf32> to vector<2000x128xf32>
    %add3A_29 = arith.addf %dot_general3A_24, %add3A_28 : vector<2000x128xf32>
    %add3A_30 = arith.addf %add3A_17, %add3A_29 : vector<2000x128xf32>
    %max3A = arith.constant 0.000000e+00 : f32
    %max3A_31 = vector.broadcast %max3A : f32 to vector<2000x128xf32>
    %max3A_32 = arith.maximumf %add3A_30, %max3A_31 : vector<2000x128xf32>
    %get3A_33 = arith.constant 0 : index
    %get3A_34 = arith.constant 0 : index
    %get3A_35 = vector.load %arg7[%get3A_33, %get3A_34] : memref<2000x128xf32, #tpu.memory_space<vmem>>, vector<2000x128xf32>
    %add3A_36 = arith.addf %get3A_35, %max3A_32 : vector<2000x128xf32>
    %swap3A = arith.constant 0 : index
    %swap3A_37 = arith.constant 0 : index
    %swap3A_38 = vector.load %arg9[%swap3A, %swap3A_37] : memref<2000x128xf32, #tpu.memory_space<vmem>>, vector<2000x128xf32>
    tpu.vector_store %arg9[%swap3A, %swap3A_37], %max3A_32 {strides = array<i32>} : memref<2000x128xf32, #tpu.memory_space<vmem>>, vector<2000x128xf32>,
    %swap3A_39 = arith.constant 0 : index
    %swap3A_40 = arith.constant 0 : index
    %swap3A_41 = vector.load %arg10[%swap3A_39, %swap3A_40] : memref<2000x128xf32, #tpu.memory_space<vmem>>, vector<2000x128xf32>
    tpu.vector_store %arg10[%swap3A_39, %swap3A_40], %add3A_36 {strides = array<i32>} : memref<2000x128xf32, #tpu.memory_space<vmem>>, vector<2000x128xf32>,
    %get3A_42 = arith.constant 0 : index
    %get3A_43 = arith.constant 0 : index
    %get3A_44 = vector.load %arg8[%get3A_42, %get3A_43] : memref<128x128xf32, #tpu.memory_space<vmem>>, vector<128x128xf32>
    %dot_general3A_45 = arith.constant dense<0.000000e+00> : vector<2000x128xf32>
    %dot_general3A_46 = tpu.matmul %max3A_32, %get3A_44, %dot_general3A_45 {dimension_numbers = #tpu.dot_dimension_numbers<[1], [0], [0], [1], [0, 0, 1, 1], [], []>, transpose_lhs_hint = false} : vector<2000x128xf32>, vector<128x128xf32>, vector<2000x128xf32> -> vector<2000x128xf32>
    %mul3A_47 = vector.broadcast %get3A_1 : vector<2000x1xf32> to vector<2000x128xf32>
    %mul3A_48 = arith.mulf %mul3A_47, %dot_general3A_46 : vector<2000x128xf32>
    %swap3A_49 = arith.constant 0 : index
    %swap3A_50 = arith.constant 0 : index
    %swap3A_51 = vector.load %arg11[%swap3A_49, %swap3A_50] : memref<2000x128xf32, #tpu.memory_space<vmem>>, vector<2000x128xf32>
    tpu.vector_store %arg11[%swap3A_49, %swap3A_50], %mul3A_48 {strides = array<i32>} : memref<2000x128xf32, #tpu.memory_space<vmem>>, vector<2000x128xf32>,
    return
  }
  func.func @transform_0(%arg0: i32) -> (i32, i32, i32) {
    %c0_i32 = arith.constant 0 : i32
    %c0_i32_0 = arith.constant 0 : i32
    %c0_i32_1 = arith.constant 0 : i32
    return %c0_i32, %arg0, %c0_i32_0 : i32, i32, i32
  }
  func.func @transform_1(%arg0: i32) -> (i32, i32) {
    %c0_i32 = arith.constant 0 : i32
    %c0_i32_0 = arith.constant 0 : i32
    return %arg0, %c0_i32 : i32, i32
  }
  func.func @transform_2(%arg0: i32) -> (i32, i32) {
    %c0_i32 = arith.constant 0 : i32
    %c0_i32_0 = arith.constant 0 : i32
    %c0_i32_1 = arith.constant 0 : i32
    return %c0_i32, %c0_i32_0 : i32, i32
  }
  func.func @transform_3(%arg0: i32) -> (i32, i32) {
    %c0_i32 = arith.constant 0 : i32
    %c0_i32_0 = arith.constant 0 : i32
    return %arg0, %c0_i32 : i32, i32
  }
  func.func @transform_4(%arg0: i32) -> (i32, i32) {
    %c0_i32 = arith.constant 0 : i32
    %c0_i32_0 = arith.constant 0 : i32
    %c0_i32_1 = arith.constant 0 : i32
    return %c0_i32, %c0_i32_0 : i32, i32
  }
  func.func @transform_5(%arg0: i32) -> (i32, i32) {
    %c0_i32 = arith.constant 0 : i32
    %c0_i32_0 = arith.constant 0 : i32
    %c0_i32_1 = arith.constant 0 : i32
    return %c0_i32, %c0_i32_0 : i32, i32
  }
  func.func @transform_6(%arg0: i32) -> (i32, i32) {
    %c0_i32 = arith.constant 0 : i32
    %c0_i32_0 = arith.constant 0 : i32
    return %arg0, %c0_i32 : i32, i32
  }
  func.func @transform_7(%arg0: i32) -> (i32, i32) {
    %c0_i32 = arith.constant 0 : i32
    %c0_i32_0 = arith.constant 0 : i32
    %c0_i32_1 = arith.constant 0 : i32
    return %c0_i32, %c0_i32_0 : i32, i32
  }
  func.func @transform_8(%arg0: i32) -> (i32, i32) {
    %c0_i32 = arith.constant 0 : i32
    %c0_i32_0 = arith.constant 0 : i32
    return %arg0, %c0_i32 : i32, i32
  }
  func.func @transform_9(%arg0: i32) -> (i32, i32) {
    %c0_i32 = arith.constant 0 : i32
    %c0_i32_0 = arith.constant 0 : i32
    return %arg0, %c0_i32 : i32, i32
  }
  func.func @transform_10(%arg0: i32) -> (i32, i32) {
    %c0_i32 = arith.constant 0 : i32
    %c0_i32_0 = arith.constant 0 : i32
    return %arg0, %c0_i32 : i32, i32
  }
}

module attributes {stable_mosaic.version = 14 : i64} {
  func.func @_tc_out_body(%arg0: i32, %arg1: memref<2x2000x128xf32, #tpu.memory_space<vmem>>, %arg2: memref<2000x1xf32, #tpu.memory_space<vmem>>, %arg3: memref<1x128xf32, #tpu.memory_space<vmem>>, %arg4: memref<2000x128xf32, #tpu.memory_space<vmem>>, %arg5: memref<128x128xf32, #tpu.memory_space<vmem>>, %arg6: memref<1x128xf32, #tpu.memory_space<vmem>>, %arg7: memref<2000x128xf32, #tpu.memory_space<vmem>>, %arg8: memref<128x128xf32, #tpu.memory_space<vmem>>, %arg9: memref<1x128xf32, #tpu.memory_space<vmem>>, %arg10: memref<2000x128xf32, #tpu.memory_space<vmem>>) attributes {dimension_semantics = [#tpu.dimension_semantics<arbitrary>], iteration_bounds = array<i64: 5>, scalar_prefetch = 0 : i64, scratch_operands = 0 : i64, tpu.core_type = #tpu.core_type<tc>, window_params = [{transform_indices = @transform_0, window_bounds = array<i64: 2, 2000, 128>}, {transform_indices = @transform_1, window_bounds = array<i64: 2000, 1>}, {pipeline_mode = #tpu.pipeline_mode<synchronous>, transform_indices = @transform_2, window_bounds = array<i64: 1, 128>}, {transform_indices = @transform_3, window_bounds = array<i64: 2000, 128>}, {pipeline_mode = #tpu.pipeline_mode<synchronous>, transform_indices = @transform_4, window_bounds = array<i64: 128, 128>}, {pipeline_mode = #tpu.pipeline_mode<synchronous>, transform_indices = @transform_5, window_bounds = array<i64: 1, 128>}, {transform_indices = @transform_6, window_bounds = array<i64: 2000, 128>}, {pipeline_mode = #tpu.pipeline_mode<synchronous>, transform_indices = @transform_7, window_bounds = array<i64: 128, 128>}, {pipeline_mode = #tpu.pipeline_mode<synchronous>, transform_indices = @transform_8, window_bounds = array<i64: 1, 128>}, {transform_indices = @transform_9, window_bounds = array<i64: 2000, 128>}]} {
    %get3A = arith.constant 0 : index
    %get3A_0 = arith.constant 0 : index
    %get3A_1 = vector.load %arg2[%get3A, %get3A_0] : memref<2000x1xf32, #tpu.memory_space<vmem>>, vector<2000x1xf32>
    %get3A_2 = arith.constant 0 : index
    %get3A_3 = arith.constant 0 : index
    %get3A_4 = arith.constant 0 : index
    %get3A_5 = vector.load %arg1[%get3A_2, %get3A_3, %get3A_4] : memref<2x2000x128xf32, #tpu.memory_space<vmem>>, vector<1x2000x128xf32>
    %get3A_6 = vector.shape_cast %get3A_5 : vector<1x2000x128xf32> to vector<2000x128xf32>
    %get3A_7 = arith.constant 1 : index
    %get3A_8 = arith.constant 0 : index
    %get3A_9 = arith.constant 0 : index
    %get3A_10 = vector.load %arg1[%get3A_7, %get3A_8, %get3A_9] : memref<2x2000x128xf32, #tpu.memory_space<vmem>>, vector<1x2000x128xf32>
    %get3A_11 = vector.shape_cast %get3A_10 : vector<1x2000x128xf32> to vector<2000x128xf32>
    %add3A = arith.addf %get3A_6, %get3A_11 : vector<2000x128xf32>
    %mul3A = vector.broadcast %get3A_1 : vector<2000x1xf32> to vector<2000x128xf32>
    %mul3A_12 = arith.mulf %mul3A, %add3A : vector<2000x128xf32>
    %get3A_13 = arith.constant 0 : index
    %get3A_14 = arith.constant 0 : index
    %get3A_15 = vector.load %arg3[%get3A_13, %get3A_14] : memref<1x128xf32, #tpu.memory_space<vmem>>, vector<1x128xf32>
    %add3A_16 = vector.broadcast %get3A_15 : vector<1x128xf32> to vector<2000x128xf32>
    %add3A_17 = arith.addf %mul3A_12, %add3A_16 : vector<2000x128xf32>
    %get3A_18 = arith.constant 0 : index
    %get3A_19 = arith.constant 0 : index
    %get3A_20 = vector.load %arg4[%get3A_18, %get3A_19] : memref<2000x128xf32, #tpu.memory_space<vmem>>, vector<2000x128xf32>
    %get3A_21 = arith.constant 0 : index
    %get3A_22 = arith.constant 0 : index
    %get3A_23 = vector.load %arg5[%get3A_21, %get3A_22] : memref<128x128xf32, #tpu.memory_space<vmem>>, vector<128x128xf32>
    %dot_general3A = arith.constant dense<0.000000e+00> : vector<2000x128xf32>
    %dot_general3A_24 = tpu.matmul %get3A_20, %get3A_23, %dot_general3A {dimension_numbers = #tpu.dot_dimension_numbers<[1], [0], [0], [1], [0, 0, 1, 1], [], []>, transpose_lhs_hint = false} : vector<2000x128xf32>, vector<128x128xf32>, vector<2000x128xf32> -> vector<2000x128xf32>
    %get3A_25 = arith.constant 0 : index
    %get3A_26 = arith.constant 0 : index
    %get3A_27 = vector.load %arg6[%get3A_25, %get3A_26] : memref<1x128xf32, #tpu.memory_space<vmem>>, vector<1x128xf32>
    %add3A_28 = vector.broadcast %get3A_27 : vector<1x128xf32> to vector<2000x128xf32>
    %add3A_29 = arith.addf %dot_general3A_24, %add3A_28 : vector<2000x128xf32>
    %add3A_30 = arith.addf %add3A_17, %add3A_29 : vector<2000x128xf32>
    %max3A = arith.constant 0.000000e+00 : f32
    %max3A_31 = vector.broadcast %max3A : f32 to vector<2000x128xf32>
    %max3A_32 = arith.maximumf %add3A_30, %max3A_31 : vector<2000x128xf32>
    %get3A_33 = arith.constant 0 : index
    %get3A_34 = arith.constant 0 : index
    %get3A_35 = vector.load %arg7[%get3A_33, %get3A_34] : memref<2000x128xf32, #tpu.memory_space<vmem>>, vector<2000x128xf32>
    %add3A_36 = arith.addf %get3A_35, %max3A_32 : vector<2000x128xf32>
    %get3A_37 = arith.constant 0 : index
    %get3A_38 = arith.constant 0 : index
    %get3A_39 = vector.load %arg8[%get3A_37, %get3A_38] : memref<128x128xf32, #tpu.memory_space<vmem>>, vector<128x128xf32>
    %dot_general3A_40 = arith.constant dense<0.000000e+00> : vector<2000x128xf32>
    %dot_general3A_41 = tpu.matmul %add3A_36, %get3A_39, %dot_general3A_40 {dimension_numbers = #tpu.dot_dimension_numbers<[1], [0], [0], [1], [0, 0, 1, 1], [], []>, transpose_lhs_hint = false} : vector<2000x128xf32>, vector<128x128xf32>, vector<2000x128xf32> -> vector<2000x128xf32>
    %get3A_42 = arith.constant 0 : index
    %get3A_43 = arith.constant 0 : index
    %get3A_44 = vector.load %arg9[%get3A_42, %get3A_43] : memref<1x128xf32, #tpu.memory_space<vmem>>, vector<1x128xf32>
    %add3A_45 = vector.broadcast %get3A_44 : vector<1x128xf32> to vector<2000x128xf32>
    %add3A_46 = arith.addf %dot_general3A_41, %add3A_45 : vector<2000x128xf32>
    %swap3A = arith.constant 0 : index
    %swap3A_47 = arith.constant 0 : index
    %swap3A_48 = vector.load %arg10[%swap3A, %swap3A_47] : memref<2000x128xf32, #tpu.memory_space<vmem>>, vector<2000x128xf32>
    tpu.vector_store %arg10[%swap3A, %swap3A_47], %add3A_46 {strides = array<i32>} : memref<2000x128xf32, #tpu.memory_space<vmem>>, vector<2000x128xf32>,
    return
  }
  func.func @transform_0(%arg0: i32) -> (i32, i32, i32) {
    %c0_i32 = arith.constant 0 : i32
    %c0_i32_0 = arith.constant 0 : i32
    %c0_i32_1 = arith.constant 0 : i32
    return %c0_i32, %arg0, %c0_i32_0 : i32, i32, i32
  }
  func.func @transform_1(%arg0: i32) -> (i32, i32) {
    %c0_i32 = arith.constant 0 : i32
    %c0_i32_0 = arith.constant 0 : i32
    return %arg0, %c0_i32 : i32, i32
  }
  func.func @transform_2(%arg0: i32) -> (i32, i32) {
    %c0_i32 = arith.constant 0 : i32
    %c0_i32_0 = arith.constant 0 : i32
    %c0_i32_1 = arith.constant 0 : i32
    return %c0_i32, %c0_i32_0 : i32, i32
  }
  func.func @transform_3(%arg0: i32) -> (i32, i32) {
    %c0_i32 = arith.constant 0 : i32
    %c0_i32_0 = arith.constant 0 : i32
    return %arg0, %c0_i32 : i32, i32
  }
  func.func @transform_4(%arg0: i32) -> (i32, i32) {
    %c0_i32 = arith.constant 0 : i32
    %c0_i32_0 = arith.constant 0 : i32
    %c0_i32_1 = arith.constant 0 : i32
    return %c0_i32, %c0_i32_0 : i32, i32
  }
  func.func @transform_5(%arg0: i32) -> (i32, i32) {
    %c0_i32 = arith.constant 0 : i32
    %c0_i32_0 = arith.constant 0 : i32
    %c0_i32_1 = arith.constant 0 : i32
    return %c0_i32, %c0_i32_0 : i32, i32
  }
  func.func @transform_6(%arg0: i32) -> (i32, i32) {
    %c0_i32 = arith.constant 0 : i32
    %c0_i32_0 = arith.constant 0 : i32
    return %arg0, %c0_i32 : i32, i32
  }
  func.func @transform_7(%arg0: i32) -> (i32, i32) {
    %c0_i32 = arith.constant 0 : i32
    %c0_i32_0 = arith.constant 0 : i32
    %c0_i32_1 = arith.constant 0 : i32
    return %c0_i32, %c0_i32_0 : i32, i32
  }
  func.func @transform_8(%arg0: i32) -> (i32, i32) {
    %c0_i32 = arith.constant 0 : i32
    %c0_i32_0 = arith.constant 0 : i32
    %c0_i32_1 = arith.constant 0 : i32
    return %c0_i32, %c0_i32_0 : i32, i32
  }
  func.func @transform_9(%arg0: i32) -> (i32, i32) {
    %c0_i32 = arith.constant 0 : i32
    %c0_i32_0 = arith.constant 0 : i32
    return %arg0, %c0_i32 : i32, i32
  }
}

</mosaic_0001>

<sc_bundles>
// kernel: kernel.10.cloned.1.call-start
scs
__scs_entry_jumppad:
0x0: {  	(pc) =	sbr.rel $0x88, $3  }
0x1: {  	(tag) =	ssettag $0x0;
	lr =	simm.s32 $0x1  }
0x2: {  	[smem:$0x3F97] =	sst lr;
	_ =	strace $0xD0000000  }
0x3: {  	_ = 	snop  }
0x4: {  	_ = 	snop  }
0x5: {  	_ = 	snop  }
0x6: {  	_ = 	snop  }
0x7: {  	_ = 	snop  }
__scs_overlays_trampoline_lowered:
0x8: {  	[smem:$0x3FA6] =	sst s0  }
0x9: {  	[smem:$0x3FA7] =	sst s1  }
0xa: {  	[smem:$0x3FA8] =	sst s2  }
0xb: {  	[smem:$0x3FA9] =	sst s3  }
0xc: {  	[smem:$0x3FAA] =	sst s4  }
0xd: {  	[smem:$0x3FAB] =	sst s5  }
0xe: {  	[smem:$0x3FAC] =	sst s6  }
0xf: {  	[smem:$0x3FAD] =	sst s7  }
0x10: {  	[smem:$0x3FAE] =	sst s8  }
0x11: {  	[smem:$0x3FAF] =	sst s9;
	s0 =	simm.s32 @!p0 $0x0  }
0x12: {  	s1 =	sld [smem:$0x3F95];
	s0 =	simm.s32 @p0 $0x1  }
0x13: {  	[smem:$0x3FB0] =	sst s0;
	s0 =	simm.s32 @!p1 $0x0  }
0x14: {  	s2 =	sld [smem:$0x3F94];
	s0 =	simm.s32 @p1 $0x1  }
0x15: {  	[smem:$0x3FB1] =	sst s0;
	s0 =	simm.s32 @!p2 $0x0  }
0x16: {  	s3 =	sld [smem:$0x3FDB];
	s0 =	simm.s32 @p2 $0x1  }
0x17: {  	s4 =	simm.s32 $0x1BF5;
	[smem:$0x3FB3] =	sst s0  }
0x18: {  	s0 =	sld [smem:$0x3F96];
	_ =	swait.ge [sflag:s4], $0x0  }
0x19: {  	s7 =	sld [smem:$0x3F97]  }
0x1a: {  	s8 =	sadd.s32 $0xFFFFE003, lr  }
0x1b: {  	s9 =	sadd.s32 $0xFFFFFEF7, lr;
	s5 =	simm.s32 $0xFFFFFFFF;
	p2 =	slt.u32 s8, $0xFFFFF086  }
0x1c: {  	p1 =	slt.u32 s9, $0xF7A;
	s5 =	simm.s32 @!p2 $0x0  }
0x1d: {  	s5 =	simm.s32 @p1 $0x1;
	p0 =	seq.s32 s7, s2  }
0x1e: {  	s7 =	smul.u32 @!p0 $0xF7A, s2;
	p2 =	seq.s32 @!p0 s5, $0x0  }
0x1f: {  	s9 =	smul.u32 $0xF7A, s1;
	s8 =	simm.s32 @!p0 $0x1BF5;
	p2 =	por !p2, p0  }
0x20: {  	[sflag:s8] =	ssyncset.s32 @!p0 $0xFFFFF086;
	s6 =	sadd.s32 @!p0 s3, s7;
	s7 =	simm.s32 @!p0 $0x108  }
0x21: {  	s3 =	sadd.s32 s3, s9;
	s6 =	sadd.s32 @!p0 $0x88, s6;
	s7 =	simm.s32 @p2 $0x1082  }
0x22: {  	[simem:s7], [sflag:s8] =	dma.local @!p0 [hbm:s6], $0xF7A  }
0x23: {  	s9 =	sor.u32 $0xD0000000, s2;
	s6 =	simm.s32 $0x108;
	_ =	swait.ge @!p0 [sflag:s8], $0x0  }
0x24: {  	s3 =	sadd.s32 $0x88, s3;
	s6 =	simm.s32 @!p1 $0x1082;
	[sflag:s4] =	ssyncset.s32 $0xFFFFF086  }
0x25: {  	[simem:s6], [sflag:s4] =	dma.local [hbm:s3], $0xF7A  }
0x26: {  	[smem:$0x3F97] =	sst s1;
	(tag) =	ssettag s2;
	_ =	strace s9  }
0x27: {  	s1 =	sld [smem:$0x3FA7]  }
0x28: {  	s2 =	sld [smem:$0x3FA8]  }
0x29: {  	s4 =	sld [smem:$0x3FAA]  }
0x2a: {  	p0 =	seq.s32 s5, $0x0;
	s5 =	sld [smem:$0x3FAB]  }
0x2b: {  	s6 =	sld [smem:$0x3FAC]  }
0x2c: {  	s7 =	sld [smem:$0x3FAD]  }
0x2d: {  	s3 =	simm.s32 $0x108;
	s8 =	sld [smem:$0x3FAE]  }
0x2e: {  	s3 =	simm.s32 @!p0 $0x1082;
	s9 =	sld [smem:$0x3FAF]  }
0x2f: {  	lr =	sadd.s32 s0, s3;
	s0 =	sld [smem:$0x3FA6]  }
0x30: {  	s3 =	sld [smem:$0x3FA9]  }
0x31: {  	[smem:$0x3FB2] =	sst s10  }
0x32: {  	s10 =	sld [smem:$0x3FB0];
	_ =	sdelay $0x3  }
0x33: {  	p0 =	seq.s32 s10, $0x1;
	s10 =	sld [smem:$0x3FB2];
	_ =	sdelay $0x3  }
0x34: {  	[smem:$0x3FB2] =	sst s10  }
0x35: {  	s10 =	sld [smem:$0x3FB1];
	_ =	sdelay $0x3  }
0x36: {  	p1 =	seq.s32 s10, $0x1;
	s10 =	sld [smem:$0x3FB2];
	_ =	sdelay $0x3  }
0x37: {  	[smem:$0x3FB2] =	sst s10  }
0x38: {  	s10 =	sld [smem:$0x3FB3]  }
0x39: {  	_ = 	snop;
	(pc) =	sbr.ind lr, $3  }
0x3a: {  	_ = 	snop  }
0x3b: {  	_ = 	snop  }
0x3c: {  	p2 =	seq.s32 s10, $0x1;
	s10 =	sld [smem:$0x3FB2]  }
0x3d: {  	_ =	shalt  }
0x3e: {  	_ =	shalt  }
0x3f: {  	_ =	shalt  }
0x40: {  	_ =	shalt  }
0x41: {  	_ =	shalt  }
0x42: {  	_ =	shalt  }
0x43: {  	_ =	shalt  }
0x44: {  	_ =	shalt  }
0x45: {  	_ =	shalt  }
0x46: {  	_ =	shalt  }
0x47: {  	_ =	shalt  }
0x48: {  	_ =	shalt  }
0x49: {  	_ =	shalt  }
0x4a: {  	_ =	shalt  }
0x4b: {  	_ =	shalt  }
0x4c: {  	_ =	shalt  }
0x4d: {  	_ =	shalt  }
0x4e: {  	_ =	shalt  }
0x4f: {  	_ =	shalt  }
0x50: {  	_ =	shalt  }
0x51: {  	_ =	shalt  }
0x52: {  	_ =	shalt  }
0x53: {  	_ =	shalt  }
0x54: {  	_ =	shalt  }
0x55: {  	_ =	shalt  }
0x56: {  	_ =	shalt  }
0x57: {  	_ =	shalt  }
0x58: {  	_ =	shalt  }
0x59: {  	_ =	shalt  }
0x5a: {  	_ =	shalt  }
0x5b: {  	_ =	shalt  }
0x5c: {  	_ =	shalt  }
0x5d: {  	_ =	shalt  }
0x5e: {  	_ =	shalt  }
0x5f: {  	_ =	shalt  }
0x60: {  	_ =	shalt  }
0x61: {  	_ =	shalt  }
0x62: {  	_ =	shalt  }
0x63: {  	_ =	shalt  }
0x64: {  	_ =	shalt  }
0x65: {  	_ =	shalt  }
0x66: {  	_ =	shalt  }
0x67: {  	_ =	shalt  }
0x68: {  	_ =	shalt  }
0x69: {  	_ =	shalt  }
0x6a: {  	_ =	shalt  }
0x6b: {  	_ =	shalt  }
0x6c: {  	_ =	shalt  }
0x6d: {  	_ =	shalt  }
0x6e: {  	_ =	shalt  }
0x6f: {  	_ =	shalt  }
0x70: {  	_ =	shalt  }
0x71: {  	_ =	shalt  }
0x72: {  	_ =	shalt  }
0x73: {  	_ =	shalt  }
0x74: {  	_ =	shalt  }
0x75: {  	_ =	shalt  }
0x76: {  	_ =	shalt  }
0x77: {  	_ =	shalt  }
0x78: {  	_ =	shalt  }
0x79: {  	_ =	shalt  }
0x7a: {  	_ =	shalt  }
0x7b: {  	_ =	shalt  }
0x7c: {  	_ =	shalt  }
0x7d: {  	_ =	shalt  }
0x7e: {  	_ =	shalt  }
0x7f: {  	_ =	shalt  }
0x80: {  	_ =	shalt  }
0x81: {  	_ =	shalt  }
0x82: {  	_ =	shalt  }
0x83: {  	_ =	shalt  }
0x84: {  	_ =	shalt  }
0x85: {  	_ =	shalt  }
0x86: {  	_ =	shalt  }
0x87: {  	_ =	shalt  }
.Lfunc_end0:
.L_simem_size_0:
called_computation_lowered:
.L_overlay_start_0:
0x88: {  	s2 =	sld [smem:$0x3FD9]  }
0x89: {  	s3 =	sld [smem:$0x3FFE];
	_ =	sdelay $0x1  }
0x8a: {  	s1 =	srdreg.scid  }
0x8b: {  	s0 =	sand.u32 $0x1, s1  }
0x8c: {  	s17 =	sshll.u32 s0, $0xA;
	s2 =	sadd.s32 s3, s2  }
0x8d: {  	s2 =	sadd.s32 s2, s17  }
0x8e: {  	[smem:$0x3FBE] =	sst s2  }
0x8f: {  	_ = 	snop  }
0x90: {  	s2 =	sld [smem:$0x3FD0];
	(tm) =	ssettm $0x1  }
0x91: {  	s18 =	sld [smem:$0x3FFB];
	_ =	sdelay $0x3  }
0x92: {  	_ =	strace s18  }
0x93: {  	s3 =	sld [smem:$0x3FFC];
	_ =	sdelay $0x3  }
0x94: {  	_ =	strace s3  }
0x95: {  	s3 =	sld [smem:$0x3FFD];
	_ =	sdelay $0x3  }
0x96: {  	_ =	strace s3  }
0x97: {  	_ =	strace $0x8FFFFFFF  }
0x98: {  	s19 =	sld [smem:$0x3FDB];
	_ =	sdelay $0x1  }
0x99: {  	s4 =	simm.s32 $_scs_section_size  }
0x9a: {  	s5 =	simm.s32 $_size__tile_overlayer_lowered;
	s6 =	simm.s32 $_tile_overlayer_lowered  }
0x9b: {  	s22 =	simm.s32 $0x1BFF;
	s21 =	sshll.u32 s6, $0x1;
	s3 =	sadd.s32 s4, s19  }
0x9c: {  	s7 =	simm.s32 $0x0;
	s20 =	sshll.u32 s5, $0x1;
	s5 =	sadd.s32 s21, s3  }
0x9d: {  	[timem:s7], [sflag:s22] =	dma.local [hbm:s5], s20  }
0x9e: {  	_ =	swait.ge [sflag:s22], s20  }
0x9f: {  	s4 =	ssub.s32 $0x0, s20;
	[sflag:s22] =	ssyncset.done $0x0  }
0xa0: {  	[sflag:s22] =	ssyncadd.s32 s4;
	_ =	sdelay $0x1  }
0xa1: {  	s23 =	simm.s32 $0x1B8B  }
0xa2: {  	_ =	swait.ge [sflag:s23], $0x1  }
0xa3: {  	[sflag:s23] =	ssyncset.done $0x0  }
0xa4: {  	s25 =	simm.s32 $0x1B8E;
	s24 =	sld [smem:$0x3FFE];
	[sflag:s23] =	ssyncadd.s32 $0xFFFFFFFF  }
0xa5: {  	s26 =	simm.s32 $execute0_lowered;
	[smem:$0x3FD2] =	sst s25  }
0xa6: {  	s5 =	sshll.u32 s26, $0x1;
	_ =	strace $0x80000046;
	[dreg:$0x1] =	wrdreg $0xFFFFFFFF  }
0xa7: {  	s28 =	simm.s32 $_size_execute0_lowered;
	s3 =	sadd.s32 s3, s5;
	[dreg:$0x0] =	wrdreg $0x0  }
0xa8: {  	s5 =	sshll.u32 s28, $0x1;
	[dreg:$0x2] =	wrdreg s3  }
0xa9: {  	[dreg:$0x3] =	wrdreg s5  }
0xaa: {  	[dreg:$0x4] =	wrdreg $0xC0  }
0xab: {  	_ =	task [dreg:s7], $0x5FFFF  }
0xac: {  	[dreg:$0x1] =	wrdreg $0xFFFFFFFF  }
0xad: {  	[dreg:$0x0] =	wrdreg $0x60  }
0xae: {  	[dreg:$0x2] =	wrdreg s24  }
0xaf: {  	[dreg:$0x3] =	wrdreg s2  }
0xb0: {  	[dreg:$0x4] =	wrdreg $0x68000  }
0xb1: {  	[dreg:$0x5] =	wrdreg $0x9  }
0xb2: {  	_ =	task.clear_ibuf [dreg:s7], $0x6FFFF;
	_ =	strace $0x90000046  }
0xb3: {  	s29 =	simm.s32 $0x9;
	_ =	strace $0x80000048  }
0xb4: {  	_ =	swait.ge [sflag:s29], $0x1  }
0xb5: {  	[sflag:s29] =	ssyncadd.s32 $0xFFFFFFFF  }
0xb6: {  	_ =	strace $0x90000048  }
0xb7: {  	_ =	sfence  }
0xb8: {  	s30 =	sld [smem:$0x0];
	_ =	sdelay $0x2  }
0xb9: {  	s31 =	sshll.u32 s1, $0xD;
	s1 =	sshrl.u32 s1, $0x2  }
0xba: {  	s3 =	sand.u32 $0x4000, s31;
	s1 =	sadd.s32 s1, s30  }
0xbb: {  	s0 =	sor.u32 s3, s0;
	s1 =	sshll.u32 s1, $0x11  }
0xbc: {  	s0 =	sor.u32 s1, s0  }
0xbd: {  	s0 =	sadd.s32 $0x8F2B, s0  }
0xbe: {  	[sflag:s0] =	ssyncadd.remote.s32 $0x1  }
0xbf: {  	_ =	sfence.sel $0xFFFF  }
0xc0: {  	[dreg:$0x0] =	wrdreg $0xFFFFFFFF;
	(pc) =	sbr.abs _section_cstart, $3  }
0xc1: {  	[dreg:$0x1] =	wrdreg $0xFFFFFFFF  }
0xc2: {  	_ =	task.clear_ibuf [dreg:s7], $0x2FFFF;
	_ =	strace $0x9FFFFFFF  }
0xc3: {  	(tm) =	ssettm $0x7FFFFFFF  }
tec
execute0_lowered:
.L_overlay_start_1:
0x0: {  	(tag) =	ssettag $0x1  }
0x1: {  	s4 =	rddreg [dreg:$0x0]  }
0x2: {  	s1 =	rddreg [dreg:$0x1]  }
0x3: {  	s0 =	srdreg.scid;
	s2 =	rddreg [dreg:$0x2];
	s3 =	simm.s32 $0x0  }
0x4: {  	s11 =	stileid.u32;
	s7 =	sand.u32 $0x1, s0;
	s0 =	rddreg [dreg:$0x3]  }
0x5: {  	s17 =	simm.s32 $0x0;
	[smem:$0x7FF] =	sst s3;
	s5 =	smul.u32 $0x4E000, s11  }
0x6: {  	s10 =	sshll.u32 s11, $0xB;
	s13 =	smul.u32 $0x13800, s11;
	s14 =	sadd.s32 $0x61C00, s4  }
0x7: {  	s31 =	sshll.u32 s11, $0x6;
	s16 =	sadd.s32 $0x138000, s2;
	p0 =	sne.s32 s11, $0x0  }
0x8: {  	s8 =	smul.u32 $0x138800, s7;
	_ =	strace $0x80000047;
	s12 =	ssub.s32 $0x2, s7  }
0x9: {  	s10 =	sadd.s32 s10, s4;
	s7 =	sshll.u32 s7, $0xF;
	s26 =	sshrl.u32 s12, $0x1  }
0xa: {  	s28 =	sshrl.u32 s5, $0x2;
	s29 =	sshrl.u32 s13, $0x3;
	s5 =	sor.u32 $0x1C02, s31  }
0xb: {  	s7 =	sadd.s32 s7, s10;
	s9 =	sshrl.u32 s8, $0x3;
	s12 =	ssub.s32 s12, s26  }
0xc: {  	s15 =	sadd.s32 s28, s2;
	s8 =	sadd.s32 s13, s8;
	s7 =	sadd.s32 $0x3A00, s7  }
0xd: {  	s13 =	sshrl.u32 @!p0 s16, $0x3;
	s16 =	simm.s32 $0x1;
	s6 =	sadd.s32 s9, s4  }
0xe: {  	s8 =	sshrl.u32 s8, $0x3;
	s9 =	sadd.s32 s14, s9;
	s10 =	smax.u32 s12, $0x1  }
0xf: {  	s11 =	sshrl.u32 s15, $0x3;
	s12 =	simm.s32 $0x2;
	s15 =	simm.s32 $0x50  }
0x10: {  	s30 =	sadd.s32 s29, s6;
	s6 =	sadd.s32 $0x3AA00, s6;
	s8 =	sadd.s32 s14, s8  }
0x11: {  	s9 =	sadd.s32 $0x27000, s9;
	s14 =	simm.s32 $0x4000;
	s4 =	sadd.s32 $0x13A00, s30  }
.LBB2_1:
0x12: {  	[spmem:s11], [sflag:s5] =	dma.local [hbm:s4], $0x2700  }
0x13: {  	_ =	swait.ge [sflag:s12], $0x2700  }
0x14: {  	[sflag:s12] =	ssyncset.done $0x0  }
0x15: {  	s18 =	simm.s32 @!p0 $0x2;
	[sflag:s12] =	ssyncadd.s32 $0xFFFFD900  }
0x16: {  	[spmem:s13], [sflag:s5] =	dma.local @!p0 [hbm:s6], $0x100  }
0x17: {  	_ =	swait.ge @!p0 [sflag:s18], $0x100  }
0x18: {  	[sflag:s18] =	ssyncset.done @!p0 $0x0  }
0x19: {  	[sflag:s18] =	ssyncadd.s32 @!p0 $0xFFFFFF00  }
0x1a: {  	[tilespmem:s14], [sflag:$0x2] =	stream.linear.gather [hbm4b:s1+s3], $0x2800, $0x38;
	[tilespmem:$0x7B88] =	vst v63  }
0x1b: {  	_ =	swait.ge [sflag:s12], $0x2800  }
0x1c: {  	[sflag:s12] =	ssyncset.done $0x0  }
0x1d: {  	[sflag:s12] =	ssyncadd.s32 $0xFFFFD800  }
0x1e: {  	[tilespmem:s3], [sflag:$0x2] =	stream.linear.gather [hbm4b:s7+s3], $0x3E80, $0x38;
	[tilespmem:$0x7B88] =	vst v63  }
0x1f: {  	_ =	swait.ge [sflag:s12], $0x3E80  }
0x20: {  	[sflag:s12] =	ssyncset.done $0x0  }
0x21: {  	[sflag:s12] =	ssyncadd.s32 $0xFFFFC180  }
0x22: {  	s18 =	simm.s32 $0x0;
	[bflag:$0x0] =	sbarrier.arrive $0xFFFF  }
.LBB2_2:
0x23: {  	p1 =	sne.s32 s18, $0xF800  }
.Ltmp0:
0x24: {  	_ = 	snop;
	(pc) =	sbr.rel @p1 .LBB2_2-.Ltmp0, $3  }
0x25: {  	_ =	sdelay $0x1  }
0x26: {  	s19 =	sshra.s32 s18, $0x2;
	s18 =	sadd.s32 $0x200, s18  }
0x27: {  	[spmem:s2] =	stream.indirect.scatter.add.f32 [tilespmem:s14], [sflag:$0x1], $0x8, s19, s15, $0xb8;
	[tilespmem:$0x7B88] =	vst v63  }
0x28: {  	_ =	swait.ge [sflag:s16], $0x280  }
0x29: {  	s18 =	simm.s32 $0x7C;
	[sflag:s16] =	ssyncset.done $0x0  }
.LBB2_4:
0x2a: {  	p1 =	sne.s32 s18, $0x1;
	s18 =	sadd.s32 $0xFFFFFFFF, s18;
	[sflag:s16] =	ssyncadd.s32 $0xFFFFFD80  }
.Ltmp1:
0x2b: {  	(pc) =	sbr.rel @p1 .LBB2_4-.Ltmp1, $3  }
0x2c: {  	_ =	sdelay $0x1  }
0x2d: {  	_ =	swait.ge [sflag:s16], $0x280  }
0x2e: {  	[sflag:s16] =	ssyncset.done $0x0  }
0x2f: {  	[sflag:s16] =	ssyncadd.s32 $0xFFFFFD80  }
0x30: {  	[bflag:$0x0] =	sbarrier.arrive $0xFFFF  }
0x31: {  	[hbm:s8], [sflag:s5] =	dma.local [spmem:s11], $0x2700  }
0x32: {  	s17 =	sadd.s32 $0x1, s17;
	_ =	swait.ge [sflag:s12], $0x2700  }
0x33: {  	p1 =	sne.s32 s17, s10;
	[sflag:s12] =	ssyncset.done $0x0  }
.Ltmp2:
0x34: {  	s18 =	simm.s32 @!p0 $0x2;
	[sflag:s12] =	ssyncadd.s32 $0xFFFFD900;
	(pc) =	sbr.rel @p1 .LBB2_1-.Ltmp2, $4  }
0x35: {  	[hbm:s9], [sflag:s5] =	dma.local @!p0 [spmem:s13], $0x100  }
0x36: {  	_ =	swait.ge @!p0 [sflag:s18], $0x100  }
0x37: {  	[sflag:s18] =	ssyncset.done @!p0 $0x0  }
0x38: {  	[sflag:s18] =	ssyncadd.s32 @!p0 $0xFFFFFF00  }
0x39: {  	_ =	sfence.sel $0x180000  }
0x3a: {  	[bflag:$0x0] =	sbarrier.arrive $0xFFFF  }
0x3b: {  	_ =	strace $0x90000047  }
0x3c: {  	s0 =	sadd.s32 @!p0 $0x100000, s0;
	[bflag:$0x2] =	sbarrier.arrive $0xFFFF  }
0x3d: {  	[sflag:s0] =	ssyncadd.tile.s32 @!p0 $0x1;
	_ =	shalt  }
.Lfunc_end2:
_tile_overlayer_lowered:
.L_overlay_start_2:
0x3e: {  	(tag) =	ssettag $0x2  }
0x3f: {  	s0 =	rddreg [dreg:$0x0];
	s2 =	stileid.u32  }
0x40: {  	s1 =	rddreg [dreg:$0x1];
	p0 =	sne.s32 s2, $0x0  }
0x41: {  	s3 =	rddreg [dreg:$0x2];
	[bflag:$0x3] =	sbarrier.arrive $0xFFFF;
	s2 =	simm.s32 @!p0 $0x1C02  }
0x42: {  	[timem:s3], [sflag:s2] =	dma.local @!p0 [hbm:s0], s1  }
0x43: {  	s0 =	simm.s32 @!p0 $0x2  }
0x44: {  	_ =	swait.ge @!p0 [sflag:s0], s1  }
0x45: {  	s1 =	ssub.s32 @!p0 $0x0, s1;
	[sflag:s0] =	ssyncset.done @!p0 $0x0  }
0x46: {  	[sflag:s0] =	ssyncadd.s32 @!p0 s1  }
0x47: {  	[bflag:$0x3] =	sbarrier.arrive $0xFFFF  }
0x48: {  	_ =	shalt  }

// kernel: kernel.13.cloned.1.call-start
scs
__scs_entry_jumppad:
0x0: {  	(pc) =	sbr.rel $0x88, $3  }
0x1: {  	(tag) =	ssettag $0x0;
	lr =	simm.s32 $0x1  }
0x2: {  	[smem:$0x3F97] =	sst lr;
	_ =	strace $0xD0000000  }
0x3: {  	_ = 	snop  }
0x4: {  	_ = 	snop  }
0x5: {  	_ = 	snop  }
0x6: {  	_ = 	snop  }
0x7: {  	_ = 	snop  }
__scs_overlays_trampoline_lowered:
0x8: {  	[smem:$0x3FA6] =	sst s0  }
0x9: {  	[smem:$0x3FA7] =	sst s1  }
0xa: {  	[smem:$0x3FA8] =	sst s2  }
0xb: {  	[smem:$0x3FA9] =	sst s3  }
0xc: {  	[smem:$0x3FAA] =	sst s4  }
0xd: {  	[smem:$0x3FAB] =	sst s5  }
0xe: {  	[smem:$0x3FAC] =	sst s6  }
0xf: {  	[smem:$0x3FAD] =	sst s7  }
0x10: {  	[smem:$0x3FAE] =	sst s8  }
0x11: {  	[smem:$0x3FAF] =	sst s9;
	s0 =	simm.s32 @!p0 $0x0  }
0x12: {  	s1 =	sld [smem:$0x3F95];
	s0 =	simm.s32 @p0 $0x1  }
0x13: {  	[smem:$0x3FB0] =	sst s0;
	s0 =	simm.s32 @!p1 $0x0  }
0x14: {  	s2 =	sld [smem:$0x3F94];
	s0 =	simm.s32 @p1 $0x1  }
0x15: {  	[smem:$0x3FB1] =	sst s0;
	s0 =	simm.s32 @!p2 $0x0  }
0x16: {  	s3 =	sld [smem:$0x3FDB];
	s0 =	simm.s32 @p2 $0x1  }
0x17: {  	s4 =	simm.s32 $0x1BF5;
	[smem:$0x3FB3] =	sst s0  }
0x18: {  	s0 =	sld [smem:$0x3F96];
	_ =	swait.ge [sflag:s4], $0x0  }
0x19: {  	s7 =	sld [smem:$0x3F97]  }
0x1a: {  	s8 =	sadd.s32 $0xFFFFE003, lr  }
0x1b: {  	s9 =	sadd.s32 $0xFFFFFEF7, lr;
	s5 =	simm.s32 $0xFFFFFFFF;
	p2 =	slt.u32 s8, $0xFFFFF086  }
0x1c: {  	p1 =	slt.u32 s9, $0xF7A;
	s5 =	simm.s32 @!p2 $0x0  }
0x1d: {  	s5 =	simm.s32 @p1 $0x1;
	p0 =	seq.s32 s7, s2  }
0x1e: {  	s7 =	smul.u32 @!p0 $0xF7A, s2;
	p2 =	seq.s32 @!p0 s5, $0x0  }
0x1f: {  	s9 =	smul.u32 $0xF7A, s1;
	s8 =	simm.s32 @!p0 $0x1BF5;
	p2 =	por !p2, p0  }
0x20: {  	[sflag:s8] =	ssyncset.s32 @!p0 $0xFFFFF086;
	s6 =	sadd.s32 @!p0 s3, s7;
	s7 =	simm.s32 @!p0 $0x108  }
0x21: {  	s3 =	sadd.s32 s3, s9;
	s6 =	sadd.s32 @!p0 $0x88, s6;
	s7 =	simm.s32 @p2 $0x1082  }
0x22: {  	[simem:s7], [sflag:s8] =	dma.local @!p0 [hbm:s6], $0xF7A  }
0x23: {  	s9 =	sor.u32 $0xD0000000, s2;
	s6 =	simm.s32 $0x108;
	_ =	swait.ge @!p0 [sflag:s8], $0x0  }
0x24: {  	s3 =	sadd.s32 $0x88, s3;
	s6 =	simm.s32 @!p1 $0x1082;
	[sflag:s4] =	ssyncset.s32 $0xFFFFF086  }
0x25: {  	[simem:s6], [sflag:s4] =	dma.local [hbm:s3], $0xF7A  }
0x26: {  	[smem:$0x3F97] =	sst s1;
	(tag) =	ssettag s2;
	_ =	strace s9  }
0x27: {  	s1 =	sld [smem:$0x3FA7]  }
0x28: {  	s2 =	sld [smem:$0x3FA8]  }
0x29: {  	s4 =	sld [smem:$0x3FAA]  }
0x2a: {  	p0 =	seq.s32 s5, $0x0;
	s5 =	sld [smem:$0x3FAB]  }
0x2b: {  	s6 =	sld [smem:$0x3FAC]  }
0x2c: {  	s7 =	sld [smem:$0x3FAD]  }
0x2d: {  	s3 =	simm.s32 $0x108;
	s8 =	sld [smem:$0x3FAE]  }
0x2e: {  	s3 =	simm.s32 @!p0 $0x1082;
	s9 =	sld [smem:$0x3FAF]  }
0x2f: {  	lr =	sadd.s32 s0, s3;
	s0 =	sld [smem:$0x3FA6]  }
0x30: {  	s3 =	sld [smem:$0x3FA9]  }
0x31: {  	[smem:$0x3FB2] =	sst s10  }
0x32: {  	s10 =	sld [smem:$0x3FB0];
	_ =	sdelay $0x3  }
0x33: {  	p0 =	seq.s32 s10, $0x1;
	s10 =	sld [smem:$0x3FB2];
	_ =	sdelay $0x3  }
0x34: {  	[smem:$0x3FB2] =	sst s10  }
0x35: {  	s10 =	sld [smem:$0x3FB1];
	_ =	sdelay $0x3  }
0x36: {  	p1 =	seq.s32 s10, $0x1;
	s10 =	sld [smem:$0x3FB2];
	_ =	sdelay $0x3  }
0x37: {  	[smem:$0x3FB2] =	sst s10  }
0x38: {  	s10 =	sld [smem:$0x3FB3]  }
0x39: {  	_ = 	snop;
	(pc) =	sbr.ind lr, $3  }
0x3a: {  	_ = 	snop  }
0x3b: {  	_ = 	snop  }
0x3c: {  	p2 =	seq.s32 s10, $0x1;
	s10 =	sld [smem:$0x3FB2]  }
0x3d: {  	_ =	shalt  }
0x3e: {  	_ =	shalt  }
0x3f: {  	_ =	shalt  }
0x40: {  	_ =	shalt  }
0x41: {  	_ =	shalt  }
0x42: {  	_ =	shalt  }
0x43: {  	_ =	shalt  }
0x44: {  	_ =	shalt  }
0x45: {  	_ =	shalt  }
0x46: {  	_ =	shalt  }
0x47: {  	_ =	shalt  }
0x48: {  	_ =	shalt  }
0x49: {  	_ =	shalt  }
0x4a: {  	_ =	shalt  }
0x4b: {  	_ =	shalt  }
0x4c: {  	_ =	shalt  }
0x4d: {  	_ =	shalt  }
0x4e: {  	_ =	shalt  }
0x4f: {  	_ =	shalt  }
0x50: {  	_ =	shalt  }
0x51: {  	_ =	shalt  }
0x52: {  	_ =	shalt  }
0x53: {  	_ =	shalt  }
0x54: {  	_ =	shalt  }
0x55: {  	_ =	shalt  }
0x56: {  	_ =	shalt  }
0x57: {  	_ =	shalt  }
0x58: {  	_ =	shalt  }
0x59: {  	_ =	shalt  }
0x5a: {  	_ =	shalt  }
0x5b: {  	_ =	shalt  }
0x5c: {  	_ =	shalt  }
0x5d: {  	_ =	shalt  }
0x5e: {  	_ =	shalt  }
0x5f: {  	_ =	shalt  }
0x60: {  	_ =	shalt  }
0x61: {  	_ =	shalt  }
0x62: {  	_ =	shalt  }
0x63: {  	_ =	shalt  }
0x64: {  	_ =	shalt  }
0x65: {  	_ =	shalt  }
0x66: {  	_ =	shalt  }
0x67: {  	_ =	shalt  }
0x68: {  	_ =	shalt  }
0x69: {  	_ =	shalt  }
0x6a: {  	_ =	shalt  }
0x6b: {  	_ =	shalt  }
0x6c: {  	_ =	shalt  }
0x6d: {  	_ =	shalt  }
0x6e: {  	_ =	shalt  }
0x6f: {  	_ =	shalt  }
0x70: {  	_ =	shalt  }
0x71: {  	_ =	shalt  }
0x72: {  	_ =	shalt  }
0x73: {  	_ =	shalt  }
0x74: {  	_ =	shalt  }
0x75: {  	_ =	shalt  }
0x76: {  	_ =	shalt  }
0x77: {  	_ =	shalt  }
0x78: {  	_ =	shalt  }
0x79: {  	_ =	shalt  }
0x7a: {  	_ =	shalt  }
0x7b: {  	_ =	shalt  }
0x7c: {  	_ =	shalt  }
0x7d: {  	_ =	shalt  }
0x7e: {  	_ =	shalt  }
0x7f: {  	_ =	shalt  }
0x80: {  	_ =	shalt  }
0x81: {  	_ =	shalt  }
0x82: {  	_ =	shalt  }
0x83: {  	_ =	shalt  }
0x84: {  	_ =	shalt  }
0x85: {  	_ =	shalt  }
0x86: {  	_ =	shalt  }
0x87: {  	_ =	shalt  }
.Lfunc_end0:
.L_simem_size_0:
called_computation.1_lowered:
.L_overlay_start_0:
0x88: {  	s2 =	sld [smem:$0x3FD9]  }
0x89: {  	s3 =	sld [smem:$0x3FFE];
	_ =	sdelay $0x1  }
0x8a: {  	s1 =	srdreg.scid  }
0x8b: {  	s0 =	sand.u32 $0x1, s1  }
0x8c: {  	s17 =	sshll.u32 s0, $0xA;
	s2 =	sadd.s32 s3, s2  }
0x8d: {  	s2 =	sadd.s32 s2, s17  }
0x8e: {  	[smem:$0x3FBE] =	sst s2  }
0x8f: {  	_ = 	snop  }
0x90: {  	s2 =	sld [smem:$0x3FD0];
	(tm) =	ssettm $0x1  }
0x91: {  	s18 =	sld [smem:$0x3FFB];
	_ =	sdelay $0x3  }
0x92: {  	_ =	strace s18  }
0x93: {  	s3 =	sld [smem:$0x3FFC];
	_ =	sdelay $0x3  }
0x94: {  	_ =	strace s3  }
0x95: {  	s3 =	sld [smem:$0x3FFD];
	_ =	sdelay $0x3  }
0x96: {  	_ =	strace s3  }
0x97: {  	_ =	strace $0x8FFFFFFF  }
0x98: {  	s19 =	sld [smem:$0x3FDB];
	_ =	sdelay $0x1  }
0x99: {  	s4 =	simm.s32 $_scs_section_size  }
0x9a: {  	s5 =	simm.s32 $_size__tile_overlayer_lowered;
	s6 =	simm.s32 $_tile_overlayer_lowered  }
0x9b: {  	s22 =	simm.s32 $0x1BFF;
	s21 =	sshll.u32 s6, $0x1;
	s3 =	sadd.s32 s4, s19  }
0x9c: {  	s7 =	simm.s32 $0x0;
	s20 =	sshll.u32 s5, $0x1;
	s5 =	sadd.s32 s21, s3  }
0x9d: {  	[timem:s7], [sflag:s22] =	dma.local [hbm:s5], s20  }
0x9e: {  	_ =	swait.ge [sflag:s22], s20  }
0x9f: {  	s4 =	ssub.s32 $0x0, s20;
	[sflag:s22] =	ssyncset.done $0x0  }
0xa0: {  	[sflag:s22] =	ssyncadd.s32 s4;
	_ =	sdelay $0x1  }
0xa1: {  	s23 =	simm.s32 $0x1B8B  }
0xa2: {  	_ =	swait.ge [sflag:s23], $0x1  }
0xa3: {  	[sflag:s23] =	ssyncset.done $0x0  }
0xa4: {  	s25 =	simm.s32 $0x1B8E;
	s24 =	sld [smem:$0x3FFE];
	[sflag:s23] =	ssyncadd.s32 $0xFFFFFFFF  }
0xa5: {  	s26 =	simm.s32 $execute0_lowered;
	[smem:$0x3FD2] =	sst s25  }
0xa6: {  	s5 =	sshll.u32 s26, $0x1;
	_ =	strace $0x80000049;
	[dreg:$0x1] =	wrdreg $0xFFFFFFFF  }
0xa7: {  	s28 =	simm.s32 $_size_execute0_lowered;
	s3 =	sadd.s32 s3, s5;
	[dreg:$0x0] =	wrdreg $0x0  }
0xa8: {  	s5 =	sshll.u32 s28, $0x1;
	[dreg:$0x2] =	wrdreg s3  }
0xa9: {  	[dreg:$0x3] =	wrdreg s5  }
0xaa: {  	[dreg:$0x4] =	wrdreg $0xC0  }
0xab: {  	_ =	task [dreg:s7], $0x5FFFF  }
0xac: {  	[dreg:$0x1] =	wrdreg $0xFFFFFFFF  }
0xad: {  	[dreg:$0x0] =	wrdreg $0x60  }
0xae: {  	[dreg:$0x2] =	wrdreg s2  }
0xaf: {  	[dreg:$0x3] =	wrdreg s24  }
0xb0: {  	[dreg:$0x4] =	wrdreg $0xB7800  }
0xb1: {  	[dreg:$0x5] =	wrdreg $0x9  }
0xb2: {  	_ =	task.clear_ibuf [dreg:s7], $0x6FFFF;
	_ =	strace $0x90000049  }
0xb3: {  	s29 =	simm.s32 $0x9;
	_ =	strace $0x8000004B  }
0xb4: {  	_ =	swait.ge [sflag:s29], $0x1  }
0xb5: {  	[sflag:s29] =	ssyncadd.s32 $0xFFFFFFFF  }
0xb6: {  	_ =	strace $0x9000004B  }
0xb7: {  	_ =	sfence  }
0xb8: {  	s30 =	sld [smem:$0x0];
	_ =	sdelay $0x2  }
0xb9: {  	s31 =	sshll.u32 s1, $0xD;
	s1 =	sshrl.u32 s1, $0x2  }
0xba: {  	s3 =	sand.u32 $0x4000, s31;
	s1 =	sadd.s32 s1, s30  }
0xbb: {  	s0 =	sor.u32 s3, s0;
	s1 =	sshll.u32 s1, $0x11  }
0xbc: {  	s0 =	sor.u32 s1, s0  }
0xbd: {  	s0 =	sadd.s32 $0x8F2B, s0  }
0xbe: {  	[sflag:s0] =	ssyncadd.remote.s32 $0x1  }
0xbf: {  	_ =	sfence.sel $0xFFFF  }
0xc0: {  	[dreg:$0x0] =	wrdreg $0xFFFFFFFF;
	(pc) =	sbr.abs _section_cstart, $3  }
0xc1: {  	[dreg:$0x1] =	wrdreg $0xFFFFFFFF  }
0xc2: {  	_ =	task.clear_ibuf [dreg:s7], $0x2FFFF;
	_ =	strace $0x9FFFFFFF  }
0xc3: {  	(tm) =	ssettm $0x7FFFFFFF  }
tec
execute0_lowered:
.L_overlay_start_1:
0x0: {  	(tag) =	ssettag $0x1  }
0x1: {  	s0 =	srdreg.scid  }
0x2: {  	s4 =	stileid.u32;
	s6 =	rddreg [dreg:$0x1];
	s16 =	simm.s32 $0x2780  }
0x3: {  	s17 =	simm.s32 $0x50;
	s18 =	simm.s32 $0x6780;
	s20 =	simm.s32 $0x8F80  }
0x4: {  	s28 =	simm.s32 $0x6500;
	s29 =	simm.s32 $0x6580;
	s30 =	simm.s32 $0x0  }
0x5: {  	s1 =	sand.u32 $0x1, s0;
	s0 =	rddreg [dreg:$0x0];
	s23 =	smul.u32 $0x4E000, s4  }
0x6: {  	s8 =	sshll.u32 s4, $0x7;
	s15 =	sadd.s32 $0x3AC00, s6;
	s10 =	smul.u32 $0x2700, s4  }
0x7: {  	s11 =	sadd.s32 $0xB9C00, s6;
	s14 =	smul.u32 $0x13800, s4;
	s19 =	sshll.u32 s4, $0x6  }
0x8: {  	p2 =	seq.s32 s4, $0x0;
	p1 =	sne.s32 s4, $0x0;
	s2 =	sshll.u32 s1, $0x4  }
0x9: {  	s8 =	sand.u32 $0x380, s8;
	s24 =	ssub.s32 $0x2, s1;
	s12 =	smul.u32 $0x138800, s1  }
0xa: {  	p0 =	sne.s32 s1, $0x0;
	s21 =	sor.u32 $0x1C03, s19;
	s5 =	sor.u32 s4, s2  }
0xb: {  	s2 =	rddreg [dreg:$0x2];
	s25 =	sshrl.u32 s24, $0x1;
	s26 =	sadd.s32 s15, s10  }
0xc: {  	s3 =	sshrl.u32 s5, $0x3;
	s5 =	sshll.u32 s5, $0xB;
	s13 =	ssub.s32 s24, s25  }
0xd: {  	s31 =	sadd.s32 s14, s12;
	s12 =	sshrl.u32 s12, $0x3;
	s24 =	simm.s32 $0x2  }
0xe: {  	s25 =	simm.s32 $0x6480;
	s7 =	smul.u32 $0x13C00, s3;
	s3 =	simm.s32 $0x0  }
0xf: {  	s9 =	sadd.s32 s5, s6;
	s14 =	sshrl.u32 s31, $0x3;
	[smem:$0x7FF] =	sst s3  }
0x10: {  	s12 =	sadd.s32 s11, s12;
	_ =	strace $0x8000004A;
	[dreg:$0x4] =	wrdreg s15  }
0x11: {  	s7 =	sor.u32 s8, s7;
	s8 =	sshrl.u32 s23, $0x2;
	[dreg:$0x5] =	wrdreg s26  }
0x12: {  	s15 =	simm.s32 $0x3;
	s23 =	simm.s32 $0x1;
	s26 =	simm.s32 $0x26C0  }
0x13: {  	s7 =	sshrl.u32 s7, $0x3;
	s22 =	sadd.s32 s8, s2;
	s8 =	sadd.s32 $0x138000, s2  }
0x14: {  	s7 =	sadd.s32 s7, s6;
	s6 =	sadd.s32 $0x3A00, s9;
	s9 =	sadd.s32 s0, s10  }
0x15: {  	s10 =	sadd.s32 s11, s14;
	s11 =	sadd.s32 $0x27000, s12;
	s12 =	smax.u32 s13, $0x1  }
0x16: {  	s14 =	simm.s32 $0x400;
	s22 =	sshrl.u32 s22, $0x3;
	s5 =	sadd.s32 $0xAFE00, s7  }
.LBB2_1:
0x17: {  	s1 =	simm.s32 $0x80  }
0x18: {  	[tilespmem:s3], [sflag:$0x3] =	stream.strided.gather [hbm4b:s5+s1], $0x2780, s14, s1, $0x38;
	[tilespmem:$0x1F000] =	vst v63  }
0x19: {  	_ =	swait.ge [sflag:s15], $0x2780  }
0x1a: {  	[sflag:s15] =	ssyncset.done $0x0  }
0x1b: {  	[sflag:s15] =	ssyncadd.s32 $0xFFFFD880  }
0x1c: {  	[tilespmem:s16], [sflag:$0x3] =	stream.linear.gather [hbm4b:s6+s3], $0x3E80, $0x38;
	[tilespmem:$0x1F000] =	vst v63  }
0x1d: {  	_ =	swait.ge [sflag:s15], $0x3E80  }
.Ltmp0:
0x1e: {  	[sflag:s15] =	ssyncset.done $0x0;
	(pc) =	sbr.rel @p0 .LBB2_3-.Ltmp0, $4  }
0x1f: {  	[sflag:s15] =	ssyncadd.s32 $0xFFFFC180  }
0x20: {  	[tilespmem:s18], [sflag:$0x1] =	stream.indirect.gather [hbm4b:s0+s17], $0x80, s3, s17, $0xb8;
	[tilespmem:$0x1F000] =	vst v63  }
0x21: {  	_ = 	snop  }
0x22: {  	[tilespmem:s20], [sflag:$0x2] =	stream.indirect.gather [hbm4b:s0+s17], $0x80, s17, s17, $0xb8;
	[tilespmem:$0x1F000] =	vst v63  }
0x23: {  	[spmem:s22], [sflag:s21] =	dma.local [hbm:s9], $0x2700  }
.Ltmp1:
0x24: {  	_ = 	snop;
	(pc) =	sbr.rel @!p2 .LBB2_5-.Ltmp1, $4  }
.Ltmp2:
0x25: {  	_ = 	snop;
	(pc) =	sbr.rel @p2 .LBB2_4-.Ltmp2, $4  }
0x26: {  	_ =	swait.ge [sflag:s15], $0x2700  }
0x27: {  	[sflag:s15] =	ssyncset.done $0x0  }
0x28: {  	s4 =	smov.u32 s0;
	s1 =	smov.u32 s21;
	[sflag:s15] =	ssyncadd.s32 $0xFFFFD900  }
0x29: {  	_ = 	snop  }
.LBB2_3:
.Ltmp3:
0x2a: {  	s1 =	sor.u32 $0x1C03, s19;
	s4 =	rddreg [dreg:$0x5];
	(pc) =	sbr.rel @p1 .LBB2_5-.Ltmp3, $4  }
0x2b: {  	[spmem:s22], [sflag:s1] =	dma.local [hbm:s4], $0x2700  }
0x2c: {  	_ =	swait.ge [sflag:s15], $0x2700  }
0x2d: {  	[sflag:s15] =	ssyncset.done $0x0  }
0x2e: {  	s4 =	rddreg [dreg:$0x4];
	[sflag:s15] =	ssyncadd.s32 $0xFFFFD900  }
.LBB2_4:
0x2f: {  	s4 =	sadd.s32 $0x27000, s4;
	s31 =	sshrl.u32 s8, $0x3  }
0x30: {  	[spmem:s31], [sflag:s1] =	dma.local [hbm:s4], $0x100  }
0x31: {  	_ =	swait.ge [sflag:s15], $0x100  }
0x32: {  	[sflag:s15] =	ssyncset.done $0x0  }
0x33: {  	[sflag:s15] =	ssyncadd.s32 $0xFFFFFF00  }
.LBB2_5:
0x34: {  	[bflag:$0x0] =	sbarrier.arrive $0xFFFF  }
0x35: {  	_ =	swait.ge [sflag:s23], $0x2800  }
0x36: {  	[sflag:s23] =	ssyncset.done $0x0  }
0x37: {  	s1 =	simm.s32 $0x2780;
	[sflag:s23] =	ssyncadd.s32 $0xFFFFD800  }
0x38: {  	[spmem:s2] =	stream.indirect.scatter.add.f32 [tilespmem:s18], [sflag:$0x3], $0x80, s1, s17, $0xb8;
	[tilespmem:$0x1F000] =	vst v63  }
0x39: {  	_ =	swait.ge [sflag:s15], $0x2800  }
0x3a: {  	[sflag:s15] =	ssyncset.done $0x0  }
0x3b: {  	s7 =	simm.s32 $0xA0;
	[sflag:s15] =	ssyncadd.s32 $0xFFFFD800  }
0x3c: {  	[tilespmem:s18], [sflag:$0x1] =	stream.indirect.gather [hbm4b:s0+s17], $0x80, s7, s17, $0xb8;
	[tilespmem:$0x1F000] =	vst v63  }
0x3d: {  	_ =	swait.ge [sflag:s24], $0x2800  }
0x3e: {  	[sflag:s24] =	ssyncset.done $0x0  }
0x3f: {  	s13 =	simm.s32 $0x2800;
	[sflag:s24] =	ssyncadd.s32 $0xFFFFD800  }
0x40: {  	[spmem:s2] =	stream.indirect.scatter.add.f32 [tilespmem:s20], [sflag:$0x3], $0x80, s13, s17, $0xb8;
	[tilespmem:$0x1F000] =	vst v63  }
0x41: {  	_ =	swait.ge [sflag:s15], $0x2800  }
0x42: {  	s31 =	simm.s32 $0xF0;
	[sflag:s15] =	ssyncset.done $0x0  }
0x43: {  	s4 =	simm.s32 $0x190;
	s1 =	simm.s32 $0x400;
	[sflag:s15] =	ssyncadd.s32 $0xFFFFD800  }
.LBB2_6:
0x44: {  	[tilespmem:s20], [sflag:$0x2] =	stream.indirect.gather [hbm4b:s0+s17], $0x80, s31, s17, $0xb8;
	[tilespmem:$0x1F000] =	vst v63  }
0x45: {  	s7 =	smov.u32 s1;
	s31 =	smov.u32 s4  }
0x46: {  	p3 =	sne.s32 s1, $0xF000;
	s1 =	sadd.s32 $0x400, s1;
	_ =	swait.ge [sflag:s23], $0x2800  }
0x47: {  	s7 =	sshra.s32 s7, $0x2;
	[sflag:s23] =	ssyncset.done $0x0  }
0x48: {  	s13 =	sadd.s32 $0x2780, s7;
	[sflag:s23] =	ssyncadd.s32 $0xFFFFD800  }
0x49: {  	[spmem:s2] =	stream.indirect.scatter.add.f32 [tilespmem:s18], [sflag:$0x3], $0x80, s13, s17, $0xb8;
	[tilespmem:$0x1F000] =	vst v63  }
0x4a: {  	_ =	swait.ge [sflag:s15], $0x2800  }
0x4b: {  	[sflag:s15] =	ssyncset.done $0x0  }
0x4c: {  	s13 =	sadd.s32 $0xFFFFFFB0, s4;
	[sflag:s15] =	ssyncadd.s32 $0xFFFFD800  }
0x4d: {  	[tilespmem:s18], [sflag:$0x1] =	stream.indirect.gather [hbm4b:s0+s17], $0x80, s13, s17, $0xb8;
	[tilespmem:$0x1F000] =	vst v63  }
0x4e: {  	_ =	swait.ge [sflag:s24], $0x2800  }
0x4f: {  	[sflag:s24] =	ssyncset.done $0x0  }
.Ltmp4:
0x50: {  	s7 =	sadd.s32 $0x2800, s7;
	[sflag:s24] =	ssyncadd.s32 $0xFFFFD800;
	(pc) =	sbr.rel @p3 .LBB2_6-.Ltmp4, $4  }
0x51: {  	[spmem:s2] =	stream.indirect.scatter.add.f32 [tilespmem:s20], [sflag:$0x3], $0x80, s7, s17, $0xb8;
	[tilespmem:$0x1F000] =	vst v63  }
0x52: {  	_ =	swait.ge [sflag:s15], $0x2800  }
0x53: {  	[sflag:s15] =	ssyncset.done $0x0  }
0x54: {  	s4 =	sadd.s32 $0xA0, s4;
	[sflag:s15] =	ssyncadd.s32 $0xFFFFD800  }
0x55: {  	[tilespmem:s20], [sflag:$0x2] =	stream.indirect.gather [hbm4b:s0+s17], $0x80, s31, s17, $0xb8;
	[tilespmem:$0x1F000] =	vst v63  }
0x56: {  	_ =	swait.ge [sflag:s23], $0x2800  }
0x57: {  	[sflag:s23] =	ssyncset.done $0x0  }
0x58: {  	[sflag:s23] =	ssyncadd.s32 $0xFFFFD800  }
0x59: {  	[spmem:s2] =	stream.indirect.scatter.add.f32 [tilespmem:s18], [sflag:$0x3], $0x80, s25, s17, $0xb8;
	[tilespmem:$0x1F000] =	vst v63  }
0x5a: {  	_ =	swait.ge [sflag:s15], $0x2800  }
0x5b: {  	[sflag:s15] =	ssyncset.done $0x0  }
0x5c: {  	[sflag:s15] =	ssyncadd.s32 $0xFFFFD800  }
0x5d: {  	[tilespmem:s18], [sflag:$0x1] =	stream.indirect.gather [hbm4b:s0+s17], $0x80, s26, s17, $0xb8;
	[tilespmem:$0x1F000] =	vst v63  }
0x5e: {  	_ =	swait.ge [sflag:s24], $0x2800  }
0x5f: {  	[sflag:s24] =	ssyncset.done $0x0  }
0x60: {  	[sflag:s24] =	ssyncadd.s32 $0xFFFFD800  }
0x61: {  	[spmem:s2] =	stream.indirect.scatter.add.f32 [tilespmem:s20], [sflag:$0x3], $0x80, s28, s17, $0xb8;
	[tilespmem:$0x1F000] =	vst v63  }
0x62: {  	_ =	swait.ge [sflag:s15], $0x2800  }
0x63: {  	[sflag:s15] =	ssyncset.done $0x0  }
0x64: {  	[sflag:s15] =	ssyncadd.s32 $0xFFFFD800  }
0x65: {  	_ =	swait.ge [sflag:s23], $0x2800  }
0x66: {  	[sflag:s23] =	ssyncset.done $0x0  }
0x67: {  	[sflag:s23] =	ssyncadd.s32 $0xFFFFD800  }
0x68: {  	[spmem:s2] =	stream.indirect.scatter.add.f32 [tilespmem:s18], [sflag:$0x3], $0x80, s29, s17, $0xb8;
	[tilespmem:$0x1F000] =	vst v63  }
0x69: {  	_ =	swait.ge [sflag:s15], $0x2800  }
0x6a: {  	[sflag:s15] =	ssyncset.done $0x0  }
0x6b: {  	[sflag:s15] =	ssyncadd.s32 $0xFFFFD800  }
0x6c: {  	s1 =	sor.u32 $0x1C03, s19;
	[bflag:$0x0] =	sbarrier.arrive $0xFFFF  }
0x6d: {  	[hbm:s10], [sflag:s1] =	dma.local [spmem:s22], $0x2700  }
0x6e: {  	_ =	swait.ge [sflag:s15], $0x2700  }
0x6f: {  	s30 =	sadd.s32 $0x1, s30;
	[sflag:s15] =	ssyncset.done $0x0  }
0x70: {  	s4 =	sshrl.u32 @!p1 s8, $0x3;
	p3 =	sne.s32 s30, s12;
	[sflag:s15] =	ssyncadd.s32 $0xFFFFD900  }
0x71: {  	[hbm:s11], [sflag:s1] =	dma.local @!p1 [spmem:s4], $0x100  }
.Ltmp5:
0x72: {  	_ = 	snop;
	(pc) =	sbr.rel @p3 .LBB2_1-.Ltmp5, $4  }
0x73: {  	s1 =	simm.s32 @!p1 $0x3  }
0x74: {  	_ =	swait.ge @!p1 [sflag:s1], $0x100  }
0x75: {  	[sflag:s1] =	ssyncset.done @!p1 $0x0  }
0x76: {  	[sflag:s1] =	ssyncadd.s32 @!p1 $0xFFFFFF00  }
0x77: {  	_ =	sfence.sel $0x180000  }
0x78: {  	[bflag:$0x0] =	sbarrier.arrive $0xFFFF  }
0x79: {  	_ =	strace $0x9000004A  }
0x7a: {  	[bflag:$0x2] =	sbarrier.arrive $0xFFFF  }
0x7b: {  	s0 =	rddreg [dreg:$0x3]  }
0x7c: {  	s0 =	sadd.s32 @!p1 $0x100000, s0  }
0x7d: {  	[sflag:s0] =	ssyncadd.tile.s32 @!p1 $0x1;
	_ =	shalt  }
.Lfunc_end2:
_tile_overlayer_lowered:
.L_overlay_start_2:
0x7e: {  	(tag) =	ssettag $0x2  }
0x7f: {  	s0 =	rddreg [dreg:$0x0];
	s2 =	stileid.u32  }
0x80: {  	s1 =	rddreg [dreg:$0x1];
	p0 =	sne.s32 s2, $0x0  }
0x81: {  	s3 =	rddreg [dreg:$0x2];
	[bflag:$0x3] =	sbarrier.arrive $0xFFFF;
	s2 =	simm.s32 @!p0 $0x1C03  }
0x82: {  	[timem:s3], [sflag:s2] =	dma.local @!p0 [hbm:s0], s1  }
0x83: {  	s0 =	simm.s32 @!p0 $0x3  }
0x84: {  	_ =	swait.ge @!p0 [sflag:s0], s1  }
0x85: {  	s1 =	ssub.s32 @!p0 $0x0, s1;
	[sflag:s0] =	ssyncset.done @!p0 $0x0  }
0x86: {  	[sflag:s0] =	ssyncadd.s32 @!p0 s1  }
0x87: {  	[bflag:$0x3] =	sbarrier.arrive $0xFFFF  }
0x88: {  	_ =	shalt  }

// kernel: kernel.16.cloned.1.call-start
scs
__scs_entry_jumppad:
0x0: {  	(pc) =	sbr.rel $0x88, $3  }
0x1: {  	(tag) =	ssettag $0x0;
	lr =	simm.s32 $0x1  }
0x2: {  	[smem:$0x3F97] =	sst lr;
	_ =	strace $0xD0000000  }
0x3: {  	_ = 	snop  }
0x4: {  	_ = 	snop  }
0x5: {  	_ = 	snop  }
0x6: {  	_ = 	snop  }
0x7: {  	_ = 	snop  }
__scs_overlays_trampoline_lowered:
0x8: {  	[smem:$0x3FA6] =	sst s0  }
0x9: {  	[smem:$0x3FA7] =	sst s1  }
0xa: {  	[smem:$0x3FA8] =	sst s2  }
0xb: {  	[smem:$0x3FA9] =	sst s3  }
0xc: {  	[smem:$0x3FAA] =	sst s4  }
0xd: {  	[smem:$0x3FAB] =	sst s5  }
0xe: {  	[smem:$0x3FAC] =	sst s6  }
0xf: {  	[smem:$0x3FAD] =	sst s7  }
0x10: {  	[smem:$0x3FAE] =	sst s8  }
0x11: {  	[smem:$0x3FAF] =	sst s9;
	s0 =	simm.s32 @!p0 $0x0  }
0x12: {  	s1 =	sld [smem:$0x3F95];
	s0 =	simm.s32 @p0 $0x1  }
0x13: {  	[smem:$0x3FB0] =	sst s0;
	s0 =	simm.s32 @!p1 $0x0  }
0x14: {  	s2 =	sld [smem:$0x3F94];
	s0 =	simm.s32 @p1 $0x1  }
0x15: {  	[smem:$0x3FB1] =	sst s0;
	s0 =	simm.s32 @!p2 $0x0  }
0x16: {  	s3 =	sld [smem:$0x3FDB];
	s0 =	simm.s32 @p2 $0x1  }
0x17: {  	s4 =	simm.s32 $0x1BF5;
	[smem:$0x3FB3] =	sst s0  }
0x18: {  	s0 =	sld [smem:$0x3F96];
	_ =	swait.ge [sflag:s4], $0x0  }
0x19: {  	s7 =	sld [smem:$0x3F97]  }
0x1a: {  	s8 =	sadd.s32 $0xFFFFE003, lr  }
0x1b: {  	s9 =	sadd.s32 $0xFFFFFEF7, lr;
	s5 =	simm.s32 $0xFFFFFFFF;
	p2 =	slt.u32 s8, $0xFFFFF086  }
0x1c: {  	p1 =	slt.u32 s9, $0xF7A;
	s5 =	simm.s32 @!p2 $0x0  }
0x1d: {  	s5 =	simm.s32 @p1 $0x1;
	p0 =	seq.s32 s7, s2  }
0x1e: {  	s7 =	smul.u32 @!p0 $0xF7A, s2;
	p2 =	seq.s32 @!p0 s5, $0x0  }
0x1f: {  	s9 =	smul.u32 $0xF7A, s1;
	s8 =	simm.s32 @!p0 $0x1BF5;
	p2 =	por !p2, p0  }
0x20: {  	[sflag:s8] =	ssyncset.s32 @!p0 $0xFFFFF086;
	s6 =	sadd.s32 @!p0 s3, s7;
	s7 =	simm.s32 @!p0 $0x108  }
0x21: {  	s3 =	sadd.s32 s3, s9;
	s6 =	sadd.s32 @!p0 $0x88, s6;
	s7 =	simm.s32 @p2 $0x1082  }
0x22: {  	[simem:s7], [sflag:s8] =	dma.local @!p0 [hbm:s6], $0xF7A  }
0x23: {  	s9 =	sor.u32 $0xD0000000, s2;
	s6 =	simm.s32 $0x108;
	_ =	swait.ge @!p0 [sflag:s8], $0x0  }
0x24: {  	s3 =	sadd.s32 $0x88, s3;
	s6 =	simm.s32 @!p1 $0x1082;
	[sflag:s4] =	ssyncset.s32 $0xFFFFF086  }
0x25: {  	[simem:s6], [sflag:s4] =	dma.local [hbm:s3], $0xF7A  }
0x26: {  	[smem:$0x3F97] =	sst s1;
	(tag) =	ssettag s2;
	_ =	strace s9  }
0x27: {  	s1 =	sld [smem:$0x3FA7]  }
0x28: {  	s2 =	sld [smem:$0x3FA8]  }
0x29: {  	s4 =	sld [smem:$0x3FAA]  }
0x2a: {  	p0 =	seq.s32 s5, $0x0;
	s5 =	sld [smem:$0x3FAB]  }
0x2b: {  	s6 =	sld [smem:$0x3FAC]  }
0x2c: {  	s7 =	sld [smem:$0x3FAD]  }
0x2d: {  	s3 =	simm.s32 $0x108;
	s8 =	sld [smem:$0x3FAE]  }
0x2e: {  	s3 =	simm.s32 @!p0 $0x1082;
	s9 =	sld [smem:$0x3FAF]  }
0x2f: {  	lr =	sadd.s32 s0, s3;
	s0 =	sld [smem:$0x3FA6]  }
0x30: {  	s3 =	sld [smem:$0x3FA9]  }
0x31: {  	[smem:$0x3FB2] =	sst s10  }
0x32: {  	s10 =	sld [smem:$0x3FB0];
	_ =	sdelay $0x3  }
0x33: {  	p0 =	seq.s32 s10, $0x1;
	s10 =	sld [smem:$0x3FB2];
	_ =	sdelay $0x3  }
0x34: {  	[smem:$0x3FB2] =	sst s10  }
0x35: {  	s10 =	sld [smem:$0x3FB1];
	_ =	sdelay $0x3  }
0x36: {  	p1 =	seq.s32 s10, $0x1;
	s10 =	sld [smem:$0x3FB2];
	_ =	sdelay $0x3  }
0x37: {  	[smem:$0x3FB2] =	sst s10  }
0x38: {  	s10 =	sld [smem:$0x3FB3]  }
0x39: {  	_ = 	snop;
	(pc) =	sbr.ind lr, $3  }
0x3a: {  	_ = 	snop  }
0x3b: {  	_ = 	snop  }
0x3c: {  	p2 =	seq.s32 s10, $0x1;
	s10 =	sld [smem:$0x3FB2]  }
0x3d: {  	_ =	shalt  }
0x3e: {  	_ =	shalt  }
0x3f: {  	_ =	shalt  }
0x40: {  	_ =	shalt  }
0x41: {  	_ =	shalt  }
0x42: {  	_ =	shalt  }
0x43: {  	_ =	shalt  }
0x44: {  	_ =	shalt  }
0x45: {  	_ =	shalt  }
0x46: {  	_ =	shalt  }
0x47: {  	_ =	shalt  }
0x48: {  	_ =	shalt  }
0x49: {  	_ =	shalt  }
0x4a: {  	_ =	shalt  }
0x4b: {  	_ =	shalt  }
0x4c: {  	_ =	shalt  }
0x4d: {  	_ =	shalt  }
0x4e: {  	_ =	shalt  }
0x4f: {  	_ =	shalt  }
0x50: {  	_ =	shalt  }
0x51: {  	_ =	shalt  }
0x52: {  	_ =	shalt  }
0x53: {  	_ =	shalt  }
0x54: {  	_ =	shalt  }
0x55: {  	_ =	shalt  }
0x56: {  	_ =	shalt  }
0x57: {  	_ =	shalt  }
0x58: {  	_ =	shalt  }
0x59: {  	_ =	shalt  }
0x5a: {  	_ =	shalt  }
0x5b: {  	_ =	shalt  }
0x5c: {  	_ =	shalt  }
0x5d: {  	_ =	shalt  }
0x5e: {  	_ =	shalt  }
0x5f: {  	_ =	shalt  }
0x60: {  	_ =	shalt  }
0x61: {  	_ =	shalt  }
0x62: {  	_ =	shalt  }
0x63: {  	_ =	shalt  }
0x64: {  	_ =	shalt  }
0x65: {  	_ =	shalt  }
0x66: {  	_ =	shalt  }
0x67: {  	_ =	shalt  }
0x68: {  	_ =	shalt  }
0x69: {  	_ =	shalt  }
0x6a: {  	_ =	shalt  }
0x6b: {  	_ =	shalt  }
0x6c: {  	_ =	shalt  }
0x6d: {  	_ =	shalt  }
0x6e: {  	_ =	shalt  }
0x6f: {  	_ =	shalt  }
0x70: {  	_ =	shalt  }
0x71: {  	_ =	shalt  }
0x72: {  	_ =	shalt  }
0x73: {  	_ =	shalt  }
0x74: {  	_ =	shalt  }
0x75: {  	_ =	shalt  }
0x76: {  	_ =	shalt  }
0x77: {  	_ =	shalt  }
0x78: {  	_ =	shalt  }
0x79: {  	_ =	shalt  }
0x7a: {  	_ =	shalt  }
0x7b: {  	_ =	shalt  }
0x7c: {  	_ =	shalt  }
0x7d: {  	_ =	shalt  }
0x7e: {  	_ =	shalt  }
0x7f: {  	_ =	shalt  }
0x80: {  	_ =	shalt  }
0x81: {  	_ =	shalt  }
0x82: {  	_ =	shalt  }
0x83: {  	_ =	shalt  }
0x84: {  	_ =	shalt  }
0x85: {  	_ =	shalt  }
0x86: {  	_ =	shalt  }
0x87: {  	_ =	shalt  }
.Lfunc_end0:
.L_simem_size_0:
called_computation.2_lowered:
.L_overlay_start_0:
0x88: {  	s2 =	sld [smem:$0x3FD9]  }
0x89: {  	s3 =	sld [smem:$0x3FFE];
	_ =	sdelay $0x1  }
0x8a: {  	s1 =	srdreg.scid  }
0x8b: {  	s0 =	sand.u32 $0x1, s1  }
0x8c: {  	s17 =	sshll.u32 s0, $0xA;
	s2 =	sadd.s32 s3, s2  }
0x8d: {  	s2 =	sadd.s32 s2, s17  }
0x8e: {  	[smem:$0x3FBE] =	sst s2  }
0x8f: {  	_ = 	snop  }
0x90: {  	s2 =	sld [smem:$0x3FD0];
	(tm) =	ssettm $0x1  }
0x91: {  	s18 =	sld [smem:$0x3FFB];
	_ =	sdelay $0x3  }
0x92: {  	_ =	strace s18  }
0x93: {  	s3 =	sld [smem:$0x3FFC];
	_ =	sdelay $0x3  }
0x94: {  	_ =	strace s3  }
0x95: {  	s3 =	sld [smem:$0x3FFD];
	_ =	sdelay $0x3  }
0x96: {  	_ =	strace s3  }
0x97: {  	_ =	strace $0x8FFFFFFF  }
0x98: {  	s19 =	sld [smem:$0x3FDB];
	_ =	sdelay $0x1  }
0x99: {  	s4 =	simm.s32 $_scs_section_size  }
0x9a: {  	s5 =	simm.s32 $_size__tile_overlayer_lowered;
	s6 =	simm.s32 $_tile_overlayer_lowered  }
0x9b: {  	s22 =	simm.s32 $0x1BFF;
	s21 =	sshll.u32 s6, $0x1;
	s3 =	sadd.s32 s4, s19  }
0x9c: {  	s7 =	simm.s32 $0x0;
	s20 =	sshll.u32 s5, $0x1;
	s5 =	sadd.s32 s21, s3  }
0x9d: {  	[timem:s7], [sflag:s22] =	dma.local [hbm:s5], s20  }
0x9e: {  	_ =	swait.ge [sflag:s22], s20  }
0x9f: {  	s4 =	ssub.s32 $0x0, s20;
	[sflag:s22] =	ssyncset.done $0x0  }
0xa0: {  	[sflag:s22] =	ssyncadd.s32 s4;
	_ =	sdelay $0x1  }
0xa1: {  	s23 =	simm.s32 $0x1B8B  }
0xa2: {  	_ =	swait.ge [sflag:s23], $0x1  }
0xa3: {  	[sflag:s23] =	ssyncset.done $0x0  }
0xa4: {  	s25 =	simm.s32 $0x1B8E;
	s24 =	sld [smem:$0x3FFE];
	[sflag:s23] =	ssyncadd.s32 $0xFFFFFFFF  }
0xa5: {  	s26 =	simm.s32 $execute0_lowered;
	[smem:$0x3FD2] =	sst s25  }
0xa6: {  	s5 =	sshll.u32 s26, $0x1;
	_ =	strace $0x8000004C;
	[dreg:$0x1] =	wrdreg $0xFFFFFFFF  }
0xa7: {  	s28 =	simm.s32 $_size_execute0_lowered;
	s3 =	sadd.s32 s3, s5;
	[dreg:$0x0] =	wrdreg $0x0  }
0xa8: {  	s5 =	sshll.u32 s28, $0x1;
	[dreg:$0x2] =	wrdreg s3  }
0xa9: {  	[dreg:$0x3] =	wrdreg s5  }
0xaa: {  	[dreg:$0x4] =	wrdreg $0xC0  }
0xab: {  	_ =	task [dreg:s7], $0x5FFFF  }
0xac: {  	[dreg:$0x1] =	wrdreg $0xFFFFFFFF  }
0xad: {  	[dreg:$0x0] =	wrdreg $0x60  }
0xae: {  	[dreg:$0x2] =	wrdreg s2  }
0xaf: {  	[dreg:$0x3] =	wrdreg s24  }
0xb0: {  	[dreg:$0x4] =	wrdreg $0xB7800  }
0xb1: {  	[dreg:$0x5] =	wrdreg $0x9  }
0xb2: {  	_ =	task.clear_ibuf [dreg:s7], $0x6FFFF;
	_ =	strace $0x9000004C  }
0xb3: {  	s29 =	simm.s32 $0x9;
	_ =	strace $0x8000004E  }
0xb4: {  	_ =	swait.ge [sflag:s29], $0x1  }
0xb5: {  	[sflag:s29] =	ssyncadd.s32 $0xFFFFFFFF  }
0xb6: {  	_ =	strace $0x9000004E  }
0xb7: {  	_ =	sfence  }
0xb8: {  	s30 =	sld [smem:$0x0];
	_ =	sdelay $0x2  }
0xb9: {  	s31 =	sshll.u32 s1, $0xD;
	s1 =	sshrl.u32 s1, $0x2  }
0xba: {  	s3 =	sand.u32 $0x4000, s31;
	s1 =	sadd.s32 s1, s30  }
0xbb: {  	s0 =	sor.u32 s3, s0;
	s1 =	sshll.u32 s1, $0x11  }
0xbc: {  	s0 =	sor.u32 s1, s0  }
0xbd: {  	s0 =	sadd.s32 $0x8F2B, s0  }
0xbe: {  	[sflag:s0] =	ssyncadd.remote.s32 $0x1  }
0xbf: {  	_ =	sfence.sel $0xFFFF  }
0xc0: {  	[dreg:$0x0] =	wrdreg $0xFFFFFFFF;
	(pc) =	sbr.abs _section_cstart, $3  }
0xc1: {  	[dreg:$0x1] =	wrdreg $0xFFFFFFFF  }
0xc2: {  	_ =	task.clear_ibuf [dreg:s7], $0x2FFFF;
	_ =	strace $0x9FFFFFFF  }
0xc3: {  	(tm) =	ssettm $0x7FFFFFFF  }
tec
execute0_lowered:
.L_overlay_start_1:
0x0: {  	(tag) =	ssettag $0x1  }
0x1: {  	s0 =	srdreg.scid  }
0x2: {  	s4 =	stileid.u32;
	s6 =	rddreg [dreg:$0x1];
	s16 =	simm.s32 $0x2780  }
0x3: {  	s17 =	simm.s32 $0x50;
	s18 =	simm.s32 $0x6780;
	s20 =	simm.s32 $0x8F80  }
0x4: {  	s28 =	simm.s32 $0x6500;
	s29 =	simm.s32 $0x6580;
	s30 =	simm.s32 $0x0  }
0x5: {  	s1 =	sand.u32 $0x1, s0;
	s0 =	rddreg [dreg:$0x0];
	s23 =	smul.u32 $0x4E000, s4  }
0x6: {  	s8 =	sshll.u32 s4, $0x7;
	s15 =	sadd.s32 $0x3AC00, s6;
	s10 =	smul.u32 $0x2700, s4  }
0x7: {  	s11 =	sadd.s32 $0xB9C00, s6;
	s14 =	smul.u32 $0x13800, s4;
	s19 =	sshll.u32 s4, $0x6  }
0x8: {  	p2 =	seq.s32 s4, $0x0;
	p1 =	sne.s32 s4, $0x0;
	s2 =	sshll.u32 s1, $0x4  }
0x9: {  	s8 =	sand.u32 $0x380, s8;
	s24 =	ssub.s32 $0x2, s1;
	s12 =	smul.u32 $0x138800, s1  }
0xa: {  	p0 =	sne.s32 s1, $0x0;
	s21 =	sor.u32 $0x1C03, s19;
	s5 =	sor.u32 s4, s2  }
0xb: {  	s2 =	rddreg [dreg:$0x2];
	s25 =	sshrl.u32 s24, $0x1;
	s26 =	sadd.s32 s15, s10  }
0xc: {  	s3 =	sshrl.u32 s5, $0x3;
	s5 =	sshll.u32 s5, $0xB;
	s13 =	ssub.s32 s24, s25  }
0xd: {  	s31 =	sadd.s32 s14, s12;
	s12 =	sshrl.u32 s12, $0x3;
	s24 =	simm.s32 $0x2  }
0xe: {  	s25 =	simm.s32 $0x6480;
	s7 =	smul.u32 $0x13C00, s3;
	s3 =	simm.s32 $0x0  }
0xf: {  	s9 =	sadd.s32 s5, s6;
	s14 =	sshrl.u32 s31, $0x3;
	[smem:$0x7FF] =	sst s3  }
0x10: {  	s12 =	sadd.s32 s11, s12;
	_ =	strace $0x8000004D;
	[dreg:$0x4] =	wrdreg s15  }
0x11: {  	s7 =	sor.u32 s8, s7;
	s8 =	sshrl.u32 s23, $0x2;
	[dreg:$0x5] =	wrdreg s26  }
0x12: {  	s15 =	simm.s32 $0x3;
	s23 =	simm.s32 $0x1;
	s26 =	simm.s32 $0x26C0  }
0x13: {  	s7 =	sshrl.u32 s7, $0x3;
	s22 =	sadd.s32 s8, s2;
	s8 =	sadd.s32 $0x138000, s2  }
0x14: {  	s7 =	sadd.s32 s7, s6;
	s6 =	sadd.s32 $0x3A00, s9;
	s9 =	sadd.s32 s0, s10  }
0x15: {  	s10 =	sadd.s32 s11, s14;
	s11 =	sadd.s32 $0x27000, s12;
	s12 =	smax.u32 s13, $0x1  }
0x16: {  	s14 =	simm.s32 $0x400;
	s22 =	sshrl.u32 s22, $0x3;
	s5 =	sadd.s32 $0xAFE00, s7  }
.LBB2_1:
0x17: {  	s1 =	simm.s32 $0x80  }
0x18: {  	[tilespmem:s3], [sflag:$0x3] =	stream.strided.gather [hbm4b:s5+s1], $0x2780, s14, s1, $0x38;
	[tilespmem:$0x1F000] =	vst v63  }
0x19: {  	_ =	swait.ge [sflag:s15], $0x2780  }
0x1a: {  	[sflag:s15] =	ssyncset.done $0x0  }
0x1b: {  	[sflag:s15] =	ssyncadd.s32 $0xFFFFD880  }
0x1c: {  	[tilespmem:s16], [sflag:$0x3] =	stream.linear.gather [hbm4b:s6+s3], $0x3E80, $0x38;
	[tilespmem:$0x1F000] =	vst v63  }
0x1d: {  	_ =	swait.ge [sflag:s15], $0x3E80  }
.Ltmp0:
0x1e: {  	[sflag:s15] =	ssyncset.done $0x0;
	(pc) =	sbr.rel @p0 .LBB2_3-.Ltmp0, $4  }
0x1f: {  	[sflag:s15] =	ssyncadd.s32 $0xFFFFC180  }
0x20: {  	[tilespmem:s18], [sflag:$0x1] =	stream.indirect.gather [hbm4b:s0+s17], $0x80, s3, s17, $0xb8;
	[tilespmem:$0x1F000] =	vst v63  }
0x21: {  	_ = 	snop  }
0x22: {  	[tilespmem:s20], [sflag:$0x2] =	stream.indirect.gather [hbm4b:s0+s17], $0x80, s17, s17, $0xb8;
	[tilespmem:$0x1F000] =	vst v63  }
0x23: {  	[spmem:s22], [sflag:s21] =	dma.local [hbm:s9], $0x2700  }
.Ltmp1:
0x24: {  	_ = 	snop;
	(pc) =	sbr.rel @!p2 .LBB2_5-.Ltmp1, $4  }
.Ltmp2:
0x25: {  	_ = 	snop;
	(pc) =	sbr.rel @p2 .LBB2_4-.Ltmp2, $4  }
0x26: {  	_ =	swait.ge [sflag:s15], $0x2700  }
0x27: {  	[sflag:s15] =	ssyncset.done $0x0  }
0x28: {  	s4 =	smov.u32 s0;
	s1 =	smov.u32 s21;
	[sflag:s15] =	ssyncadd.s32 $0xFFFFD900  }
0x29: {  	_ = 	snop  }
.LBB2_3:
.Ltmp3:
0x2a: {  	s1 =	sor.u32 $0x1C03, s19;
	s4 =	rddreg [dreg:$0x5];
	(pc) =	sbr.rel @p1 .LBB2_5-.Ltmp3, $4  }
0x2b: {  	[spmem:s22], [sflag:s1] =	dma.local [hbm:s4], $0x2700  }
0x2c: {  	_ =	swait.ge [sflag:s15], $0x2700  }
0x2d: {  	[sflag:s15] =	ssyncset.done $0x0  }
0x2e: {  	s4 =	rddreg [dreg:$0x4];
	[sflag:s15] =	ssyncadd.s32 $0xFFFFD900  }
.LBB2_4:
0x2f: {  	s4 =	sadd.s32 $0x27000, s4;
	s31 =	sshrl.u32 s8, $0x3  }
0x30: {  	[spmem:s31], [sflag:s1] =	dma.local [hbm:s4], $0x100  }
0x31: {  	_ =	swait.ge [sflag:s15], $0x100  }
0x32: {  	[sflag:s15] =	ssyncset.done $0x0  }
0x33: {  	[sflag:s15] =	ssyncadd.s32 $0xFFFFFF00  }
.LBB2_5:
0x34: {  	[bflag:$0x0] =	sbarrier.arrive $0xFFFF  }
0x35: {  	_ =	swait.ge [sflag:s23], $0x2800  }
0x36: {  	[sflag:s23] =	ssyncset.done $0x0  }
0x37: {  	s1 =	simm.s32 $0x2780;
	[sflag:s23] =	ssyncadd.s32 $0xFFFFD800  }
0x38: {  	[spmem:s2] =	stream.indirect.scatter.add.f32 [tilespmem:s18], [sflag:$0x3], $0x80, s1, s17, $0xb8;
	[tilespmem:$0x1F000] =	vst v63  }
0x39: {  	_ =	swait.ge [sflag:s15], $0x2800  }
0x3a: {  	[sflag:s15] =	ssyncset.done $0x0  }
0x3b: {  	s7 =	simm.s32 $0xA0;
	[sflag:s15] =	ssyncadd.s32 $0xFFFFD800  }
0x3c: {  	[tilespmem:s18], [sflag:$0x1] =	stream.indirect.gather [hbm4b:s0+s17], $0x80, s7, s17, $0xb8;
	[tilespmem:$0x1F000] =	vst v63  }
0x3d: {  	_ =	swait.ge [sflag:s24], $0x2800  }
0x3e: {  	[sflag:s24] =	ssyncset.done $0x0  }
0x3f: {  	s13 =	simm.s32 $0x2800;
	[sflag:s24] =	ssyncadd.s32 $0xFFFFD800  }
0x40: {  	[spmem:s2] =	stream.indirect.scatter.add.f32 [tilespmem:s20], [sflag:$0x3], $0x80, s13, s17, $0xb8;
	[tilespmem:$0x1F000] =	vst v63  }
0x41: {  	_ =	swait.ge [sflag:s15], $0x2800  }
0x42: {  	s31 =	simm.s32 $0xF0;
	[sflag:s15] =	ssyncset.done $0x0  }
0x43: {  	s4 =	simm.s32 $0x190;
	s1 =	simm.s32 $0x400;
	[sflag:s15] =	ssyncadd.s32 $0xFFFFD800  }
.LBB2_6:
0x44: {  	[tilespmem:s20], [sflag:$0x2] =	stream.indirect.gather [hbm4b:s0+s17], $0x80, s31, s17, $0xb8;
	[tilespmem:$0x1F000] =	vst v63  }
0x45: {  	s7 =	smov.u32 s1;
	s31 =	smov.u32 s4  }
0x46: {  	p3 =	sne.s32 s1, $0xF000;
	s1 =	sadd.s32 $0x400, s1;
	_ =	swait.ge [sflag:s23], $0x2800  }
0x47: {  	s7 =	sshra.s32 s7, $0x2;
	[sflag:s23] =	ssyncset.done $0x0  }
0x48: {  	s13 =	sadd.s32 $0x2780, s7;
	[sflag:s23] =	ssyncadd.s32 $0xFFFFD800  }
0x49: {  	[spmem:s2] =	stream.indirect.scatter.add.f32 [tilespmem:s18], [sflag:$0x3], $0x80, s13, s17, $0xb8;
	[tilespmem:$0x1F000] =	vst v63  }
0x4a: {  	_ =	swait.ge [sflag:s15], $0x2800  }
0x4b: {  	[sflag:s15] =	ssyncset.done $0x0  }
0x4c: {  	s13 =	sadd.s32 $0xFFFFFFB0, s4;
	[sflag:s15] =	ssyncadd.s32 $0xFFFFD800  }
0x4d: {  	[tilespmem:s18], [sflag:$0x1] =	stream.indirect.gather [hbm4b:s0+s17], $0x80, s13, s17, $0xb8;
	[tilespmem:$0x1F000] =	vst v63  }
0x4e: {  	_ =	swait.ge [sflag:s24], $0x2800  }
0x4f: {  	[sflag:s24] =	ssyncset.done $0x0  }
.Ltmp4:
0x50: {  	s7 =	sadd.s32 $0x2800, s7;
	[sflag:s24] =	ssyncadd.s32 $0xFFFFD800;
	(pc) =	sbr.rel @p3 .LBB2_6-.Ltmp4, $4  }
0x51: {  	[spmem:s2] =	stream.indirect.scatter.add.f32 [tilespmem:s20], [sflag:$0x3], $0x80, s7, s17, $0xb8;
	[tilespmem:$0x1F000] =	vst v63  }
0x52: {  	_ =	swait.ge [sflag:s15], $0x2800  }
0x53: {  	[sflag:s15] =	ssyncset.done $0x0  }
0x54: {  	s4 =	sadd.s32 $0xA0, s4;
	[sflag:s15] =	ssyncadd.s32 $0xFFFFD800  }
0x55: {  	[tilespmem:s20], [sflag:$0x2] =	stream.indirect.gather [hbm4b:s0+s17], $0x80, s31, s17, $0xb8;
	[tilespmem:$0x1F000] =	vst v63  }
0x56: {  	_ =	swait.ge [sflag:s23], $0x2800  }
0x57: {  	[sflag:s23] =	ssyncset.done $0x0  }
0x58: {  	[sflag:s23] =	ssyncadd.s32 $0xFFFFD800  }
0x59: {  	[spmem:s2] =	stream.indirect.scatter.add.f32 [tilespmem:s18], [sflag:$0x3], $0x80, s25, s17, $0xb8;
	[tilespmem:$0x1F000] =	vst v63  }
0x5a: {  	_ =	swait.ge [sflag:s15], $0x2800  }
0x5b: {  	[sflag:s15] =	ssyncset.done $0x0  }
0x5c: {  	[sflag:s15] =	ssyncadd.s32 $0xFFFFD800  }
0x5d: {  	[tilespmem:s18], [sflag:$0x1] =	stream.indirect.gather [hbm4b:s0+s17], $0x80, s26, s17, $0xb8;
	[tilespmem:$0x1F000] =	vst v63  }
0x5e: {  	_ =	swait.ge [sflag:s24], $0x2800  }
0x5f: {  	[sflag:s24] =	ssyncset.done $0x0  }
0x60: {  	[sflag:s24] =	ssyncadd.s32 $0xFFFFD800  }
0x61: {  	[spmem:s2] =	stream.indirect.scatter.add.f32 [tilespmem:s20], [sflag:$0x3], $0x80, s28, s17, $0xb8;
	[tilespmem:$0x1F000] =	vst v63  }
0x62: {  	_ =	swait.ge [sflag:s15], $0x2800  }
0x63: {  	[sflag:s15] =	ssyncset.done $0x0  }
0x64: {  	[sflag:s15] =	ssyncadd.s32 $0xFFFFD800  }
0x65: {  	_ =	swait.ge [sflag:s23], $0x2800  }
0x66: {  	[sflag:s23] =	ssyncset.done $0x0  }
0x67: {  	[sflag:s23] =	ssyncadd.s32 $0xFFFFD800  }
0x68: {  	[spmem:s2] =	stream.indirect.scatter.add.f32 [tilespmem:s18], [sflag:$0x3], $0x80, s29, s17, $0xb8;
	[tilespmem:$0x1F000] =	vst v63  }
0x69: {  	_ =	swait.ge [sflag:s15], $0x2800  }
0x6a: {  	[sflag:s15] =	ssyncset.done $0x0  }
0x6b: {  	[sflag:s15] =	ssyncadd.s32 $0xFFFFD800  }
0x6c: {  	s1 =	sor.u32 $0x1C03, s19;
	[bflag:$0x0] =	sbarrier.arrive $0xFFFF  }
0x6d: {  	[hbm:s10], [sflag:s1] =	dma.local [spmem:s22], $0x2700  }
0x6e: {  	_ =	swait.ge [sflag:s15], $0x2700  }
0x6f: {  	s30 =	sadd.s32 $0x1, s30;
	[sflag:s15] =	ssyncset.done $0x0  }
0x70: {  	s4 =	sshrl.u32 @!p1 s8, $0x3;
	p3 =	sne.s32 s30, s12;
	[sflag:s15] =	ssyncadd.s32 $0xFFFFD900  }
0x71: {  	[hbm:s11], [sflag:s1] =	dma.local @!p1 [spmem:s4], $0x100  }
.Ltmp5:
0x72: {  	_ = 	snop;
	(pc) =	sbr.rel @p3 .LBB2_1-.Ltmp5, $4  }
0x73: {  	s1 =	simm.s32 @!p1 $0x3  }
0x74: {  	_ =	swait.ge @!p1 [sflag:s1], $0x100  }
0x75: {  	[sflag:s1] =	ssyncset.done @!p1 $0x0  }
0x76: {  	[sflag:s1] =	ssyncadd.s32 @!p1 $0xFFFFFF00  }
0x77: {  	_ =	sfence.sel $0x180000  }
0x78: {  	[bflag:$0x0] =	sbarrier.arrive $0xFFFF  }
0x79: {  	_ =	strace $0x9000004D  }
0x7a: {  	[bflag:$0x2] =	sbarrier.arrive $0xFFFF  }
0x7b: {  	s0 =	rddreg [dreg:$0x3]  }
0x7c: {  	s0 =	sadd.s32 @!p1 $0x100000, s0  }
0x7d: {  	[sflag:s0] =	ssyncadd.tile.s32 @!p1 $0x1;
	_ =	shalt  }
.Lfunc_end2:
_tile_overlayer_lowered:
.L_overlay_start_2:
0x7e: {  	(tag) =	ssettag $0x2  }
0x7f: {  	s0 =	rddreg [dreg:$0x0];
	s2 =	stileid.u32  }
0x80: {  	s1 =	rddreg [dreg:$0x1];
	p0 =	sne.s32 s2, $0x0  }
0x81: {  	s3 =	rddreg [dreg:$0x2];
	[bflag:$0x3] =	sbarrier.arrive $0xFFFF;
	s2 =	simm.s32 @!p0 $0x1C03  }
0x82: {  	[timem:s3], [sflag:s2] =	dma.local @!p0 [hbm:s0], s1  }
0x83: {  	s0 =	simm.s32 @!p0 $0x3  }
0x84: {  	_ =	swait.ge @!p0 [sflag:s0], s1  }
0x85: {  	s1 =	ssub.s32 @!p0 $0x0, s1;
	[sflag:s0] =	ssyncset.done @!p0 $0x0  }
0x86: {  	[sflag:s0] =	ssyncadd.s32 @!p0 s1  }
0x87: {  	[bflag:$0x3] =	sbarrier.arrive $0xFFFF  }
0x88: {  	_ =	shalt  }

// kernel: kernel.19.cloned.1.call-start
scs
__scs_entry_jumppad:
0x0: {  	(pc) =	sbr.rel $0x88, $3  }
0x1: {  	(tag) =	ssettag $0x0;
	lr =	simm.s32 $0x1  }
0x2: {  	[smem:$0x3F97] =	sst lr;
	_ =	strace $0xD0000000  }
0x3: {  	_ = 	snop  }
0x4: {  	_ = 	snop  }
0x5: {  	_ = 	snop  }
0x6: {  	_ = 	snop  }
0x7: {  	_ = 	snop  }
__scs_overlays_trampoline_lowered:
0x8: {  	[smem:$0x3FA6] =	sst s0  }
0x9: {  	[smem:$0x3FA7] =	sst s1  }
0xa: {  	[smem:$0x3FA8] =	sst s2  }
0xb: {  	[smem:$0x3FA9] =	sst s3  }
0xc: {  	[smem:$0x3FAA] =	sst s4  }
0xd: {  	[smem:$0x3FAB] =	sst s5  }
0xe: {  	[smem:$0x3FAC] =	sst s6  }
0xf: {  	[smem:$0x3FAD] =	sst s7  }
0x10: {  	[smem:$0x3FAE] =	sst s8  }
0x11: {  	[smem:$0x3FAF] =	sst s9;
	s0 =	simm.s32 @!p0 $0x0  }
0x12: {  	s1 =	sld [smem:$0x3F95];
	s0 =	simm.s32 @p0 $0x1  }
0x13: {  	[smem:$0x3FB0] =	sst s0;
	s0 =	simm.s32 @!p1 $0x0  }
0x14: {  	s2 =	sld [smem:$0x3F94];
	s0 =	simm.s32 @p1 $0x1  }
0x15: {  	[smem:$0x3FB1] =	sst s0;
	s0 =	simm.s32 @!p2 $0x0  }
0x16: {  	s3 =	sld [smem:$0x3FDB];
	s0 =	simm.s32 @p2 $0x1  }
0x17: {  	s4 =	simm.s32 $0x1BF5;
	[smem:$0x3FB3] =	sst s0  }
0x18: {  	s0 =	sld [smem:$0x3F96];
	_ =	swait.ge [sflag:s4], $0x0  }
0x19: {  	s7 =	sld [smem:$0x3F97]  }
0x1a: {  	s8 =	sadd.s32 $0xFFFFE003, lr  }
0x1b: {  	s9 =	sadd.s32 $0xFFFFFEF7, lr;
	s5 =	simm.s32 $0xFFFFFFFF;
	p2 =	slt.u32 s8, $0xFFFFF086  }
0x1c: {  	p1 =	slt.u32 s9, $0xF7A;
	s5 =	simm.s32 @!p2 $0x0  }
0x1d: {  	s5 =	simm.s32 @p1 $0x1;
	p0 =	seq.s32 s7, s2  }
0x1e: {  	s7 =	smul.u32 @!p0 $0xF7A, s2;
	p2 =	seq.s32 @!p0 s5, $0x0  }
0x1f: {  	s9 =	smul.u32 $0xF7A, s1;
	s8 =	simm.s32 @!p0 $0x1BF5;
	p2 =	por !p2, p0  }
0x20: {  	[sflag:s8] =	ssyncset.s32 @!p0 $0xFFFFF086;
	s6 =	sadd.s32 @!p0 s3, s7;
	s7 =	simm.s32 @!p0 $0x108  }
0x21: {  	s3 =	sadd.s32 s3, s9;
	s6 =	sadd.s32 @!p0 $0x88, s6;
	s7 =	simm.s32 @p2 $0x1082  }
0x22: {  	[simem:s7], [sflag:s8] =	dma.local @!p0 [hbm:s6], $0xF7A  }
0x23: {  	s9 =	sor.u32 $0xD0000000, s2;
	s6 =	simm.s32 $0x108;
	_ =	swait.ge @!p0 [sflag:s8], $0x0  }
0x24: {  	s3 =	sadd.s32 $0x88, s3;
	s6 =	simm.s32 @!p1 $0x1082;
	[sflag:s4] =	ssyncset.s32 $0xFFFFF086  }
0x25: {  	[simem:s6], [sflag:s4] =	dma.local [hbm:s3], $0xF7A  }
0x26: {  	[smem:$0x3F97] =	sst s1;
	(tag) =	ssettag s2;
	_ =	strace s9  }
0x27: {  	s1 =	sld [smem:$0x3FA7]  }
0x28: {  	s2 =	sld [smem:$0x3FA8]  }
0x29: {  	s4 =	sld [smem:$0x3FAA]  }
0x2a: {  	p0 =	seq.s32 s5, $0x0;
	s5 =	sld [smem:$0x3FAB]  }
0x2b: {  	s6 =	sld [smem:$0x3FAC]  }
0x2c: {  	s7 =	sld [smem:$0x3FAD]  }
0x2d: {  	s3 =	simm.s32 $0x108;
	s8 =	sld [smem:$0x3FAE]  }
0x2e: {  	s3 =	simm.s32 @!p0 $0x1082;
	s9 =	sld [smem:$0x3FAF]  }
0x2f: {  	lr =	sadd.s32 s0, s3;
	s0 =	sld [smem:$0x3FA6]  }
0x30: {  	s3 =	sld [smem:$0x3FA9]  }
0x31: {  	[smem:$0x3FB2] =	sst s10  }
0x32: {  	s10 =	sld [smem:$0x3FB0];
	_ =	sdelay $0x3  }
0x33: {  	p0 =	seq.s32 s10, $0x1;
	s10 =	sld [smem:$0x3FB2];
	_ =	sdelay $0x3  }
0x34: {  	[smem:$0x3FB2] =	sst s10  }
0x35: {  	s10 =	sld [smem:$0x3FB1];
	_ =	sdelay $0x3  }
0x36: {  	p1 =	seq.s32 s10, $0x1;
	s10 =	sld [smem:$0x3FB2];
	_ =	sdelay $0x3  }
0x37: {  	[smem:$0x3FB2] =	sst s10  }
0x38: {  	s10 =	sld [smem:$0x3FB3]  }
0x39: {  	_ = 	snop;
	(pc) =	sbr.ind lr, $3  }
0x3a: {  	_ = 	snop  }
0x3b: {  	_ = 	snop  }
0x3c: {  	p2 =	seq.s32 s10, $0x1;
	s10 =	sld [smem:$0x3FB2]  }
0x3d: {  	_ =	shalt  }
0x3e: {  	_ =	shalt  }
0x3f: {  	_ =	shalt  }
0x40: {  	_ =	shalt  }
0x41: {  	_ =	shalt  }
0x42: {  	_ =	shalt  }
0x43: {  	_ =	shalt  }
0x44: {  	_ =	shalt  }
0x45: {  	_ =	shalt  }
0x46: {  	_ =	shalt  }
0x47: {  	_ =	shalt  }
0x48: {  	_ =	shalt  }
0x49: {  	_ =	shalt  }
0x4a: {  	_ =	shalt  }
0x4b: {  	_ =	shalt  }
0x4c: {  	_ =	shalt  }
0x4d: {  	_ =	shalt  }
0x4e: {  	_ =	shalt  }
0x4f: {  	_ =	shalt  }
0x50: {  	_ =	shalt  }
0x51: {  	_ =	shalt  }
0x52: {  	_ =	shalt  }
0x53: {  	_ =	shalt  }
0x54: {  	_ =	shalt  }
0x55: {  	_ =	shalt  }
0x56: {  	_ =	shalt  }
0x57: {  	_ =	shalt  }
0x58: {  	_ =	shalt  }
0x59: {  	_ =	shalt  }
0x5a: {  	_ =	shalt  }
0x5b: {  	_ =	shalt  }
0x5c: {  	_ =	shalt  }
0x5d: {  	_ =	shalt  }
0x5e: {  	_ =	shalt  }
0x5f: {  	_ =	shalt  }
0x60: {  	_ =	shalt  }
0x61: {  	_ =	shalt  }
0x62: {  	_ =	shalt  }
0x63: {  	_ =	shalt  }
0x64: {  	_ =	shalt  }
0x65: {  	_ =	shalt  }
0x66: {  	_ =	shalt  }
0x67: {  	_ =	shalt  }
0x68: {  	_ =	shalt  }
0x69: {  	_ =	shalt  }
0x6a: {  	_ =	shalt  }
0x6b: {  	_ =	shalt  }
0x6c: {  	_ =	shalt  }
0x6d: {  	_ =	shalt  }
0x6e: {  	_ =	shalt  }
0x6f: {  	_ =	shalt  }
0x70: {  	_ =	shalt  }
0x71: {  	_ =	shalt  }
0x72: {  	_ =	shalt  }
0x73: {  	_ =	shalt  }
0x74: {  	_ =	shalt  }
0x75: {  	_ =	shalt  }
0x76: {  	_ =	shalt  }
0x77: {  	_ =	shalt  }
0x78: {  	_ =	shalt  }
0x79: {  	_ =	shalt  }
0x7a: {  	_ =	shalt  }
0x7b: {  	_ =	shalt  }
0x7c: {  	_ =	shalt  }
0x7d: {  	_ =	shalt  }
0x7e: {  	_ =	shalt  }
0x7f: {  	_ =	shalt  }
0x80: {  	_ =	shalt  }
0x81: {  	_ =	shalt  }
0x82: {  	_ =	shalt  }
0x83: {  	_ =	shalt  }
0x84: {  	_ =	shalt  }
0x85: {  	_ =	shalt  }
0x86: {  	_ =	shalt  }
0x87: {  	_ =	shalt  }
.Lfunc_end0:
.L_simem_size_0:
called_computation.3_lowered:
.L_overlay_start_0:
0x88: {  	s2 =	sld [smem:$0x3FD9]  }
0x89: {  	s3 =	sld [smem:$0x3FFE];
	_ =	sdelay $0x1  }
0x8a: {  	s1 =	srdreg.scid  }
0x8b: {  	s0 =	sand.u32 $0x1, s1  }
0x8c: {  	s17 =	sshll.u32 s0, $0xA;
	s2 =	sadd.s32 s3, s2  }
0x8d: {  	s2 =	sadd.s32 s2, s17  }
0x8e: {  	[smem:$0x3FBE] =	sst s2  }
0x8f: {  	_ = 	snop  }
0x90: {  	s2 =	sld [smem:$0x3FD0];
	(tm) =	ssettm $0x1  }
0x91: {  	s18 =	sld [smem:$0x3FFB];
	_ =	sdelay $0x3  }
0x92: {  	_ =	strace s18  }
0x93: {  	s3 =	sld [smem:$0x3FFC];
	_ =	sdelay $0x3  }
0x94: {  	_ =	strace s3  }
0x95: {  	s3 =	sld [smem:$0x3FFD];
	_ =	sdelay $0x3  }
0x96: {  	_ =	strace s3  }
0x97: {  	_ =	strace $0x8FFFFFFF  }
0x98: {  	s19 =	sld [smem:$0x3FDB];
	_ =	sdelay $0x1  }
0x99: {  	s4 =	simm.s32 $_scs_section_size  }
0x9a: {  	s5 =	simm.s32 $_size__tile_overlayer_lowered;
	s6 =	simm.s32 $_tile_overlayer_lowered  }
0x9b: {  	s22 =	simm.s32 $0x1BFF;
	s21 =	sshll.u32 s6, $0x1;
	s3 =	sadd.s32 s4, s19  }
0x9c: {  	s7 =	simm.s32 $0x0;
	s20 =	sshll.u32 s5, $0x1;
	s5 =	sadd.s32 s21, s3  }
0x9d: {  	[timem:s7], [sflag:s22] =	dma.local [hbm:s5], s20  }
0x9e: {  	_ =	swait.ge [sflag:s22], s20  }
0x9f: {  	s4 =	ssub.s32 $0x0, s20;
	[sflag:s22] =	ssyncset.done $0x0  }
0xa0: {  	[sflag:s22] =	ssyncadd.s32 s4;
	_ =	sdelay $0x1  }
0xa1: {  	s23 =	simm.s32 $0x1B8B  }
0xa2: {  	_ =	swait.ge [sflag:s23], $0x1  }
0xa3: {  	[sflag:s23] =	ssyncset.done $0x0  }
0xa4: {  	s25 =	simm.s32 $0x1B8E;
	s24 =	sld [smem:$0x3FFE];
	[sflag:s23] =	ssyncadd.s32 $0xFFFFFFFF  }
0xa5: {  	s26 =	simm.s32 $execute0_lowered;
	[smem:$0x3FD2] =	sst s25  }
0xa6: {  	s5 =	sshll.u32 s26, $0x1;
	_ =	strace $0x8000004F;
	[dreg:$0x1] =	wrdreg $0xFFFFFFFF  }
0xa7: {  	s28 =	simm.s32 $_size_execute0_lowered;
	s3 =	sadd.s32 s3, s5;
	[dreg:$0x0] =	wrdreg $0x0  }
0xa8: {  	s5 =	sshll.u32 s28, $0x1;
	[dreg:$0x2] =	wrdreg s3  }
0xa9: {  	[dreg:$0x3] =	wrdreg s5  }
0xaa: {  	[dreg:$0x4] =	wrdreg $0xC0  }
0xab: {  	_ =	task [dreg:s7], $0x5FFFF  }
0xac: {  	[dreg:$0x1] =	wrdreg $0xFFFFFFFF  }
0xad: {  	[dreg:$0x0] =	wrdreg $0x60  }
0xae: {  	[dreg:$0x2] =	wrdreg s2  }
0xaf: {  	[dreg:$0x3] =	wrdreg s24  }
0xb0: {  	[dreg:$0x4] =	wrdreg $0xB7800  }
0xb1: {  	[dreg:$0x5] =	wrdreg $0x9  }
0xb2: {  	_ =	task.clear_ibuf [dreg:s7], $0x6FFFF;
	_ =	strace $0x9000004F  }
0xb3: {  	s29 =	simm.s32 $0x9;
	_ =	strace $0x80000051  }
0xb4: {  	_ =	swait.ge [sflag:s29], $0x1  }
0xb5: {  	[sflag:s29] =	ssyncadd.s32 $0xFFFFFFFF  }
0xb6: {  	_ =	strace $0x90000051  }
0xb7: {  	_ =	sfence  }
0xb8: {  	s30 =	sld [smem:$0x0];
	_ =	sdelay $0x2  }
0xb9: {  	s31 =	sshll.u32 s1, $0xD;
	s1 =	sshrl.u32 s1, $0x2  }
0xba: {  	s3 =	sand.u32 $0x4000, s31;
	s1 =	sadd.s32 s1, s30  }
0xbb: {  	s0 =	sor.u32 s3, s0;
	s1 =	sshll.u32 s1, $0x11  }
0xbc: {  	s0 =	sor.u32 s1, s0  }
0xbd: {  	s0 =	sadd.s32 $0x8F2B, s0  }
0xbe: {  	[sflag:s0] =	ssyncadd.remote.s32 $0x1  }
0xbf: {  	_ =	sfence.sel $0xFFFF  }
0xc0: {  	[dreg:$0x0] =	wrdreg $0xFFFFFFFF;
	(pc) =	sbr.abs _section_cstart, $3  }
0xc1: {  	[dreg:$0x1] =	wrdreg $0xFFFFFFFF  }
0xc2: {  	_ =	task.clear_ibuf [dreg:s7], $0x2FFFF;
	_ =	strace $0x9FFFFFFF  }
0xc3: {  	(tm) =	ssettm $0x7FFFFFFF  }
tec
execute0_lowered:
.L_overlay_start_1:
0x0: {  	(tag) =	ssettag $0x1  }
0x1: {  	s0 =	srdreg.scid  }
0x2: {  	s4 =	stileid.u32;
	s6 =	rddreg [dreg:$0x1];
	s16 =	simm.s32 $0x2780  }
0x3: {  	s17 =	simm.s32 $0x50;
	s18 =	simm.s32 $0x6780;
	s20 =	simm.s32 $0x8F80  }
0x4: {  	s28 =	simm.s32 $0x6500;
	s29 =	simm.s32 $0x6580;
	s30 =	simm.s32 $0x0  }
0x5: {  	s1 =	sand.u32 $0x1, s0;
	s0 =	rddreg [dreg:$0x0];
	s23 =	smul.u32 $0x4E000, s4  }
0x6: {  	s8 =	sshll.u32 s4, $0x7;
	s15 =	sadd.s32 $0x3AC00, s6;
	s10 =	smul.u32 $0x2700, s4  }
0x7: {  	s11 =	sadd.s32 $0xB9C00, s6;
	s14 =	smul.u32 $0x13800, s4;
	s19 =	sshll.u32 s4, $0x6  }
0x8: {  	p2 =	seq.s32 s4, $0x0;
	p1 =	sne.s32 s4, $0x0;
	s2 =	sshll.u32 s1, $0x4  }
0x9: {  	s8 =	sand.u32 $0x380, s8;
	s24 =	ssub.s32 $0x2, s1;
	s12 =	smul.u32 $0x138800, s1  }
0xa: {  	p0 =	sne.s32 s1, $0x0;
	s21 =	sor.u32 $0x1C03, s19;
	s5 =	sor.u32 s4, s2  }
0xb: {  	s2 =	rddreg [dreg:$0x2];
	s25 =	sshrl.u32 s24, $0x1;
	s26 =	sadd.s32 s15, s10  }
0xc: {  	s3 =	sshrl.u32 s5, $0x3;
	s5 =	sshll.u32 s5, $0xB;
	s13 =	ssub.s32 s24, s25  }
0xd: {  	s31 =	sadd.s32 s14, s12;
	s12 =	sshrl.u32 s12, $0x3;
	s24 =	simm.s32 $0x2  }
0xe: {  	s25 =	simm.s32 $0x6480;
	s7 =	smul.u32 $0x13C00, s3;
	s3 =	simm.s32 $0x0  }
0xf: {  	s9 =	sadd.s32 s5, s6;
	s14 =	sshrl.u32 s31, $0x3;
	[smem:$0x7FF] =	sst s3  }
0x10: {  	s12 =	sadd.s32 s11, s12;
	_ =	strace $0x80000050;
	[dreg:$0x4] =	wrdreg s15  }
0x11: {  	s7 =	sor.u32 s8, s7;
	s8 =	sshrl.u32 s23, $0x2;
	[dreg:$0x5] =	wrdreg s26  }
0x12: {  	s15 =	simm.s32 $0x3;
	s23 =	simm.s32 $0x1;
	s26 =	simm.s32 $0x26C0  }
0x13: {  	s7 =	sshrl.u32 s7, $0x3;
	s22 =	sadd.s32 s8, s2;
	s8 =	sadd.s32 $0x138000, s2  }
0x14: {  	s7 =	sadd.s32 s7, s6;
	s6 =	sadd.s32 $0x3A00, s9;
	s9 =	sadd.s32 s0, s10  }
0x15: {  	s10 =	sadd.s32 s11, s14;
	s11 =	sadd.s32 $0x27000, s12;
	s12 =	smax.u32 s13, $0x1  }
0x16: {  	s14 =	simm.s32 $0x400;
	s22 =	sshrl.u32 s22, $0x3;
	s5 =	sadd.s32 $0xAFE00, s7  }
.LBB2_1:
0x17: {  	s1 =	simm.s32 $0x80  }
0x18: {  	[tilespmem:s3], [sflag:$0x3] =	stream.strided.gather [hbm4b:s5+s1], $0x2780, s14, s1, $0x38;
	[tilespmem:$0x1F000] =	vst v63  }
0x19: {  	_ =	swait.ge [sflag:s15], $0x2780  }
0x1a: {  	[sflag:s15] =	ssyncset.done $0x0  }
0x1b: {  	[sflag:s15] =	ssyncadd.s32 $0xFFFFD880  }
0x1c: {  	[tilespmem:s16], [sflag:$0x3] =	stream.linear.gather [hbm4b:s6+s3], $0x3E80, $0x38;
	[tilespmem:$0x1F000] =	vst v63  }
0x1d: {  	_ =	swait.ge [sflag:s15], $0x3E80  }
.Ltmp0:
0x1e: {  	[sflag:s15] =	ssyncset.done $0x0;
	(pc) =	sbr.rel @p0 .LBB2_3-.Ltmp0, $4  }
0x1f: {  	[sflag:s15] =	ssyncadd.s32 $0xFFFFC180  }
0x20: {  	[tilespmem:s18], [sflag:$0x1] =	stream.indirect.gather [hbm4b:s0+s17], $0x80, s3, s17, $0xb8;
	[tilespmem:$0x1F000] =	vst v63  }
0x21: {  	_ = 	snop  }
0x22: {  	[tilespmem:s20], [sflag:$0x2] =	stream.indirect.gather [hbm4b:s0+s17], $0x80, s17, s17, $0xb8;
	[tilespmem:$0x1F000] =	vst v63  }
0x23: {  	[spmem:s22], [sflag:s21] =	dma.local [hbm:s9], $0x2700  }
.Ltmp1:
0x24: {  	_ = 	snop;
	(pc) =	sbr.rel @!p2 .LBB2_5-.Ltmp1, $4  }
.Ltmp2:
0x25: {  	_ = 	snop;
	(pc) =	sbr.rel @p2 .LBB2_4-.Ltmp2, $4  }
0x26: {  	_ =	swait.ge [sflag:s15], $0x2700  }
0x27: {  	[sflag:s15] =	ssyncset.done $0x0  }
0x28: {  	s4 =	smov.u32 s0;
	s1 =	smov.u32 s21;
	[sflag:s15] =	ssyncadd.s32 $0xFFFFD900  }
0x29: {  	_ = 	snop  }
.LBB2_3:
.Ltmp3:
0x2a: {  	s1 =	sor.u32 $0x1C03, s19;
	s4 =	rddreg [dreg:$0x5];
	(pc) =	sbr.rel @p1 .LBB2_5-.Ltmp3, $4  }
0x2b: {  	[spmem:s22], [sflag:s1] =	dma.local [hbm:s4], $0x2700  }
0x2c: {  	_ =	swait.ge [sflag:s15], $0x2700  }
0x2d: {  	[sflag:s15] =	ssyncset.done $0x0  }
0x2e: {  	s4 =	rddreg [dreg:$0x4];
	[sflag:s15] =	ssyncadd.s32 $0xFFFFD900  }
.LBB2_4:
0x2f: {  	s4 =	sadd.s32 $0x27000, s4;
	s31 =	sshrl.u32 s8, $0x3  }
0x30: {  	[spmem:s31], [sflag:s1] =	dma.local [hbm:s4], $0x100  }
0x31: {  	_ =	swait.ge [sflag:s15], $0x100  }
0x32: {  	[sflag:s15] =	ssyncset.done $0x0  }
0x33: {  	[sflag:s15] =	ssyncadd.s32 $0xFFFFFF00  }
.LBB2_5:
0x34: {  	[bflag:$0x0] =	sbarrier.arrive $0xFFFF  }
0x35: {  	_ =	swait.ge [sflag:s23], $0x2800  }
0x36: {  	[sflag:s23] =	ssyncset.done $0x0  }
0x37: {  	s1 =	simm.s32 $0x2780;
	[sflag:s23] =	ssyncadd.s32 $0xFFFFD800  }
0x38: {  	[spmem:s2] =	stream.indirect.scatter.add.f32 [tilespmem:s18], [sflag:$0x3], $0x80, s1, s17, $0xb8;
	[tilespmem:$0x1F000] =	vst v63  }
0x39: {  	_ =	swait.ge [sflag:s15], $0x2800  }
0x3a: {  	[sflag:s15] =	ssyncset.done $0x0  }
0x3b: {  	s7 =	simm.s32 $0xA0;
	[sflag:s15] =	ssyncadd.s32 $0xFFFFD800  }
0x3c: {  	[tilespmem:s18], [sflag:$0x1] =	stream.indirect.gather [hbm4b:s0+s17], $0x80, s7, s17, $0xb8;
	[tilespmem:$0x1F000] =	vst v63  }
0x3d: {  	_ =	swait.ge [sflag:s24], $0x2800  }
0x3e: {  	[sflag:s24] =	ssyncset.done $0x0  }
0x3f: {  	s13 =	simm.s32 $0x2800;
	[sflag:s24] =	ssyncadd.s32 $0xFFFFD800  }
0x40: {  	[spmem:s2] =	stream.indirect.scatter.add.f32 [tilespmem:s20], [sflag:$0x3], $0x80, s13, s17, $0xb8;
	[tilespmem:$0x1F000] =	vst v63  }
0x41: {  	_ =	swait.ge [sflag:s15], $0x2800  }
0x42: {  	s31 =	simm.s32 $0xF0;
	[sflag:s15] =	ssyncset.done $0x0  }
0x43: {  	s4 =	simm.s32 $0x190;
	s1 =	simm.s32 $0x400;
	[sflag:s15] =	ssyncadd.s32 $0xFFFFD800  }
.LBB2_6:
0x44: {  	[tilespmem:s20], [sflag:$0x2] =	stream.indirect.gather [hbm4b:s0+s17], $0x80, s31, s17, $0xb8;
	[tilespmem:$0x1F000] =	vst v63  }
0x45: {  	s7 =	smov.u32 s1;
	s31 =	smov.u32 s4  }
0x46: {  	p3 =	sne.s32 s1, $0xF000;
	s1 =	sadd.s32 $0x400, s1;
	_ =	swait.ge [sflag:s23], $0x2800  }
0x47: {  	s7 =	sshra.s32 s7, $0x2;
	[sflag:s23] =	ssyncset.done $0x0  }
0x48: {  	s13 =	sadd.s32 $0x2780, s7;
	[sflag:s23] =	ssyncadd.s32 $0xFFFFD800  }
0x49: {  	[spmem:s2] =	stream.indirect.scatter.add.f32 [tilespmem:s18], [sflag:$0x3], $0x80, s13, s17, $0xb8;
	[tilespmem:$0x1F000] =	vst v63  }
0x4a: {  	_ =	swait.ge [sflag:s15], $0x2800  }
0x4b: {  	[sflag:s15] =	ssyncset.done $0x0  }
0x4c: {  	s13 =	sadd.s32 $0xFFFFFFB0, s4;
	[sflag:s15] =	ssyncadd.s32 $0xFFFFD800  }
0x4d: {  	[tilespmem:s18], [sflag:$0x1] =	stream.indirect.gather [hbm4b:s0+s17], $0x80, s13, s17, $0xb8;
	[tilespmem:$0x1F000] =	vst v63  }
0x4e: {  	_ =	swait.ge [sflag:s24], $0x2800  }
0x4f: {  	[sflag:s24] =	ssyncset.done $0x0  }
.Ltmp4:
0x50: {  	s7 =	sadd.s32 $0x2800, s7;
	[sflag:s24] =	ssyncadd.s32 $0xFFFFD800;
	(pc) =	sbr.rel @p3 .LBB2_6-.Ltmp4, $4  }
0x51: {  	[spmem:s2] =	stream.indirect.scatter.add.f32 [tilespmem:s20], [sflag:$0x3], $0x80, s7, s17, $0xb8;
	[tilespmem:$0x1F000] =	vst v63  }
0x52: {  	_ =	swait.ge [sflag:s15], $0x2800  }
0x53: {  	[sflag:s15] =	ssyncset.done $0x0  }
0x54: {  	s4 =	sadd.s32 $0xA0, s4;
	[sflag:s15] =	ssyncadd.s32 $0xFFFFD800  }
0x55: {  	[tilespmem:s20], [sflag:$0x2] =	stream.indirect.gather [hbm4b:s0+s17], $0x80, s31, s17, $0xb8;
	[tilespmem:$0x1F000] =	vst v63  }
0x56: {  	_ =	swait.ge [sflag:s23], $0x2800  }
0x57: {  	[sflag:s23] =	ssyncset.done $0x0  }
0x58: {  	[sflag:s23] =	ssyncadd.s32 $0xFFFFD800  }
0x59: {  	[spmem:s2] =	stream.indirect.scatter.add.f32 [tilespmem:s18], [sflag:$0x3], $0x80, s25, s17, $0xb8;
	[tilespmem:$0x1F000] =	vst v63  }
0x5a: {  	_ =	swait.ge [sflag:s15], $0x2800  }
0x5b: {  	[sflag:s15] =	ssyncset.done $0x0  }
0x5c: {  	[sflag:s15] =	ssyncadd.s32 $0xFFFFD800  }
0x5d: {  	[tilespmem:s18], [sflag:$0x1] =	stream.indirect.gather [hbm4b:s0+s17], $0x80, s26, s17, $0xb8;
	[tilespmem:$0x1F000] =	vst v63  }
0x5e: {  	_ =	swait.ge [sflag:s24], $0x2800  }
0x5f: {  	[sflag:s24] =	ssyncset.done $0x0  }
0x60: {  	[sflag:s24] =	ssyncadd.s32 $0xFFFFD800  }
0x61: {  	[spmem:s2] =	stream.indirect.scatter.add.f32 [tilespmem:s20], [sflag:$0x3], $0x80, s28, s17, $0xb8;
	[tilespmem:$0x1F000] =	vst v63  }
0x62: {  	_ =	swait.ge [sflag:s15], $0x2800  }
0x63: {  	[sflag:s15] =	ssyncset.done $0x0  }
0x64: {  	[sflag:s15] =	ssyncadd.s32 $0xFFFFD800  }
0x65: {  	_ =	swait.ge [sflag:s23], $0x2800  }
0x66: {  	[sflag:s23] =	ssyncset.done $0x0  }
0x67: {  	[sflag:s23] =	ssyncadd.s32 $0xFFFFD800  }
0x68: {  	[spmem:s2] =	stream.indirect.scatter.add.f32 [tilespmem:s18], [sflag:$0x3], $0x80, s29, s17, $0xb8;
	[tilespmem:$0x1F000] =	vst v63  }
0x69: {  	_ =	swait.ge [sflag:s15], $0x2800  }
0x6a: {  	[sflag:s15] =	ssyncset.done $0x0  }
0x6b: {  	[sflag:s15] =	ssyncadd.s32 $0xFFFFD800  }
0x6c: {  	s1 =	sor.u32 $0x1C03, s19;
	[bflag:$0x0] =	sbarrier.arrive $0xFFFF  }
0x6d: {  	[hbm:s10], [sflag:s1] =	dma.local [spmem:s22], $0x2700  }
0x6e: {  	_ =	swait.ge [sflag:s15], $0x2700  }
0x6f: {  	s30 =	sadd.s32 $0x1, s30;
	[sflag:s15] =	ssyncset.done $0x0  }
0x70: {  	s4 =	sshrl.u32 @!p1 s8, $0x3;
	p3 =	sne.s32 s30, s12;
	[sflag:s15] =	ssyncadd.s32 $0xFFFFD900  }
0x71: {  	[hbm:s11], [sflag:s1] =	dma.local @!p1 [spmem:s4], $0x100  }
.Ltmp5:
0x72: {  	_ = 	snop;
	(pc) =	sbr.rel @p3 .LBB2_1-.Ltmp5, $4  }
0x73: {  	s1 =	simm.s32 @!p1 $0x3  }
0x74: {  	_ =	swait.ge @!p1 [sflag:s1], $0x100  }
0x75: {  	[sflag:s1] =	ssyncset.done @!p1 $0x0  }
0x76: {  	[sflag:s1] =	ssyncadd.s32 @!p1 $0xFFFFFF00  }
0x77: {  	_ =	sfence.sel $0x180000  }
0x78: {  	[bflag:$0x0] =	sbarrier.arrive $0xFFFF  }
0x79: {  	_ =	strace $0x90000050  }
0x7a: {  	[bflag:$0x2] =	sbarrier.arrive $0xFFFF  }
0x7b: {  	s0 =	rddreg [dreg:$0x3]  }
0x7c: {  	s0 =	sadd.s32 @!p1 $0x100000, s0  }
0x7d: {  	[sflag:s0] =	ssyncadd.tile.s32 @!p1 $0x1;
	_ =	shalt  }
.Lfunc_end2:
_tile_overlayer_lowered:
.L_overlay_start_2:
0x7e: {  	(tag) =	ssettag $0x2  }
0x7f: {  	s0 =	rddreg [dreg:$0x0];
	s2 =	stileid.u32  }
0x80: {  	s1 =	rddreg [dreg:$0x1];
	p0 =	sne.s32 s2, $0x0  }
0x81: {  	s3 =	rddreg [dreg:$0x2];
	[bflag:$0x3] =	sbarrier.arrive $0xFFFF;
	s2 =	simm.s32 @!p0 $0x1C03  }
0x82: {  	[timem:s3], [sflag:s2] =	dma.local @!p0 [hbm:s0], s1  }
0x83: {  	s0 =	simm.s32 @!p0 $0x3  }
0x84: {  	_ =	swait.ge @!p0 [sflag:s0], s1  }
0x85: {  	s1 =	ssub.s32 @!p0 $0x0, s1;
	[sflag:s0] =	ssyncset.done @!p0 $0x0  }
0x86: {  	[sflag:s0] =	ssyncadd.s32 @!p0 s1  }
0x87: {  	[bflag:$0x3] =	sbarrier.arrive $0xFFFF  }
0x88: {  	_ =	shalt  }

</sc_bundles>
